<compile_context>
chip_gen: v7x
topology: tpu7x:2x2x1
jax: 0.10.2.dev20260603
libtpu: 0.0.44.dev20260713+nightly
codegen_flags: <defaults>
</compile_context>

<pallas_src>
import jax
import jax.numpy as jnp
from jax import lax
from jax.experimental import pallas as pl
from jax.experimental.pallas import tpu as pltpu
from jax.experimental.pallas import tpu_sc as plsc

H = 128
NP = 10240
EP = 163840
F32 = jnp.float32
I32 = jnp.int32


def _elu(x):
    return jnp.where(x > 0, x, jnp.exp(jnp.minimum(x, 0.0)) - 1.0)


def _sigmoid(x):
    return jax.nn.sigmoid(x)


def _mesh():
    return plsc.VectorSubcoreMesh(core_axis_name="c", subcore_axis_name="s")


def _prologue_body(time_ref, ev_ref, pos_ref, emb_ref, WembT_ref, wev_ref,
                   WteT_ref, bin_ref, projT_ref, base_ref):
    projT_ref[...] = jnp.dot(emb_ref[...], WembT_ref[...],
                             preferred_element_type=F32)
    pos = pos_ref[...]
    col = lax.broadcasted_iota(I32, (NP, H), 1)
    is_even = (col % 2) == 0
    for t in range(2):
        tt = time_ref[:, t:t + 1]
        r = tt / pos
        te = jnp.where(is_even, jnp.sin(r), jnp.cos(r))
        m = (ev_ref[:, t:t + 1] != 0).astype(F32)
        te = te * m
        base = (jnp.dot(te, WteT_ref[...], preferred_element_type=F32)
                + ev_ref[:, t:t + 1].astype(jnp.bfloat16).astype(F32)
                * wev_ref[...].astype(jnp.bfloat16).astype(F32)
                + bin_ref[...])
        base_ref[:, t, :] = base


def _tc_prologue(time_p, ev_p, pos2, emb_pad, WembT, wev2, WteT, bin2):
    return pl.pallas_call(
        _prologue_body,
        out_shape=(jax.ShapeDtypeStruct((1024, H), F32),
                   jax.ShapeDtypeStruct((NP, 2, H), F32)),
    )(time_p, ev_p, pos2, emb_pad, WembT, wev2, WteT, bin2)


def _sc_embed_body(ann_hbm, base_hbm, projT_hbm, out_hbm, idx_v, rows_v,
                   acc_v, sem):
    c = lax.axis_index("c")
    s = lax.axis_index("s")
    w = c * 16 + s
    row0 = w * 640
    pltpu.sync_copy(ann_hbm.at[w], idx_v)

    def chunk(j, carry):
        base = row0 + j * 128
        pltpu.async_copy(projT_hbm.at[idx_v.at[j]], rows_v, sem).wait()
        pltpu.sync_copy(base_hbm.at[pl.ds(base, 128)], acc_v)

        def add_row(r, carry2):
            for kk in range(8):
                sl = pl.ds(kk * 16, 16)
                acc_v[r, sl] = acc_v[r, sl] + rows_v[r, sl]
            return carry2
        lax.fori_loop(0, 128, add_row, 0)
        pltpu.sync_copy(acc_v, out_hbm.at[pl.ds(base, 128)])
        return carry
    lax.fori_loop(0, 5, chunk, 0)


def _sc_embed(ann3, base_flat, projT):
    kern = pl.kernel(
        _sc_embed_body,
        out_type=jax.ShapeDtypeStruct((NP * 2, H), F32),
        mesh=_mesh(),
        scratch_types=[
            pltpu.VMEM((5, 128), I32),
            pltpu.VMEM((128, H), F32),
            pltpu.VMEM((128, H), F32),
            pltpu.SemaphoreType.DMA,
        ],
    )
    return kern(ann3, base_flat, projT)


def _sc_edge_gather_body(nf_hbm, s0_hbm, s1_hbm, d0_hbm, d1_hbm,
                         gs0_hbm, gs1_hbm, gd0_hbm, gd1_hbm,
                         idx_v, buf, buf2, sem, sem2):
    c = lax.axis_index("c")
    s = lax.axis_index("s")
    w = c * 16 + s
    e0 = w * 5120

    for (src_idx_hbm, out_hbm) in ((s0_hbm, gs0_hbm), (s1_hbm, gs1_hbm),
                                   (d0_hbm, gd0_hbm), (d1_hbm, gd1_hbm)):
        pltpu.sync_copy(src_idx_hbm.at[w], idx_v)
        pltpu.async_copy(nf_hbm.at[idx_v.at[0]], buf, sem)
        pltpu.async_copy(nf_hbm.at[idx_v.at[1]], buf2, sem2)

        def body(jj, carry):
            j = 2 * jj
            pltpu.make_async_copy(nf_hbm.at[idx_v.at[j]], buf, sem).wait()
            pltpu.sync_copy(buf, out_hbm.at[pl.ds(e0 + j * 128, 128)])

            @pl.when(jj < 19)
            def _():
                pltpu.async_copy(nf_hbm.at[idx_v.at[j + 2]], buf, sem)
            pltpu.make_async_copy(nf_hbm.at[idx_v.at[j + 1]], buf2,
                                  sem2).wait()
            pltpu.sync_copy(buf2, out_hbm.at[pl.ds(e0 + (j + 1) * 128, 128)])

            @pl.when(jj < 19)
            def _():
                pltpu.async_copy(nf_hbm.at[idx_v.at[j + 3]], buf2, sem2)
            return carry
        lax.fori_loop(0, 20, body, 0)


def _sc_edge_gather(nf_flat, s0, s1, d0, d1):
    kern = pl.kernel(
        _sc_edge_gather_body,
        out_type=(jax.ShapeDtypeStruct((EP, H), F32),
                  jax.ShapeDtypeStruct((EP, H), F32),
                  jax.ShapeDtypeStruct((EP, H), F32),
                  jax.ShapeDtypeStruct((EP, H), F32)),
        mesh=_mesh(),
        scratch_types=[
            pltpu.VMEM((40, 128), I32),
            pltpu.VMEM((128, H), F32),
            pltpu.VMEM((128, H), F32),
            pltpu.SemaphoreType.DMA,
            pltpu.SemaphoreType.DMA,
        ],
    )
    return kern(nf_flat, s0, s1, d0, d1)


B_E = 1024


def _edge_mlp_body(gs0_ref, gs1_ref, gd0_ref, gd1_ref, W1LT_ref, W1RT_ref,
                   b1_ref, W2T_ref, b2_ref, b_ref):
    for t, (gs_ref, gd_ref) in enumerate(((gs0_ref, gd0_ref),
                                          (gs1_ref, gd1_ref))):
        h = (jnp.dot(gs_ref[...], W1LT_ref[...], preferred_element_type=F32)
             + jnp.dot(gd_ref[...], W1RT_ref[...], preferred_element_type=F32)
             + b1_ref[...])
        h = _elu(h)
        a = _elu(jnp.dot(h, W2T_ref[...], preferred_element_type=F32)
                 + b2_ref[...])
        b_ref[2 * t, :, :] = a[:, 0:H]
        b_ref[2 * t + 1, :, :] = a[:, H:2 * H]


def _tc_edge_mlp(gs0, gs1, gd0, gd1, W1LT, W1RT, b1, W2T, b2):
    nb = EP // B_E
    edge_spec = pl.BlockSpec((B_E, H), lambda i: (i, 0))
    return pl.pallas_call(
        _edge_mlp_body,
        grid=(nb,),
        in_specs=[
            edge_spec, edge_spec, edge_spec, edge_spec,
            pl.BlockSpec((H, 2 * H), lambda i: (0, 0)),
            pl.BlockSpec((H, 2 * H), lambda i: (0, 0)),
            pl.BlockSpec((1, 2 * H), lambda i: (0, 0)),
            pl.BlockSpec((2 * H, 2 * H), lambda i: (0, 0)),
            pl.BlockSpec((1, 2 * H), lambda i: (0, 0)),
        ],
        out_specs=pl.BlockSpec((4, B_E, H), lambda i: (0, i, 0)),
        out_shape=jax.ShapeDtypeStruct((4, EP, H), F32),
    )(gs0, gs1, gd0, gd1, W1LT, W1RT, b1, W2T, b2)


def _sc_scatter_body(b_hbm, dst_hbm, ones_hbm, zs_hbm,
                     sums_hbm, cnt_hbm, idx, rows, ones_v, acc_sh, sem):
    c = lax.axis_index("c")
    s = lax.axis_index("s")
    pltpu.sync_copy(zs_hbm.at[pl.ds(s * 640, 640)],
                    acc_sh.at[pl.ds(s * 640, 640)])
    pltpu.sync_copy(dst_hbm.at[s], idx)
    pltpu.sync_copy(ones_hbm, ones_v)
    plsc.subcore_barrier()
    e0 = s * 10240

    for hh in range(2):
        def body(j, carry):
            pltpu.sync_copy(b_hbm.at[2 * c + hh, pl.ds(e0 + j * 128, 128)],
                            rows)
            pltpu.sync_copy(rows, acc_sh.at[idx.at[j]], add=True)
            return carry
        lax.fori_loop(0, 80, body, 0)
        plsc.subcore_barrier()
        pltpu.sync_copy(acc_sh.at[pl.ds(s * 640, 640)],
                        sums_hbm.at[2 * c + hh, pl.ds(s * 640, 640)])
        if hh == 0:
            pltpu.sync_copy(zs_hbm.at[pl.ds(s * 640, 640)],
                            acc_sh.at[pl.ds(s * 640, 640)])
            plsc.subcore_barrier()
    pltpu.sync_copy(zs_hbm.at[pl.ds(s * 640, 640)],
                    acc_sh.at[pl.ds(s * 640, 640)])
    plsc.subcore_barrier()

    def cbody(j, carry):
        pltpu.sync_copy(ones_v, acc_sh.at[idx.at[j]], add=True)
        return carry
    lax.fori_loop(c * 40, (c + 1) * 40, cbody, 0)
    plsc.subcore_barrier()
    pltpu.sync_copy(acc_sh.at[pl.ds(s * 640, 640)],
                    cnt_hbm.at[c, pl.ds(s * 640, 640)])


def _sc_scatter(b2, dst16, ones128, zs):
    kern = pl.kernel(
        _sc_scatter_body,
        out_type=(jax.ShapeDtypeStruct((4, NP, H), F32),
                  jax.ShapeDtypeStruct((2, NP, H), F32)),
        mesh=_mesh(),
        scratch_types=[
            pltpu.VMEM((80, 128), I32),
            pltpu.VMEM((128, H), F32),
            pltpu.VMEM((128, H), F32),
            pltpu.VMEM_SHARED((NP, H), F32),
            pltpu.SemaphoreType.DMA,
        ],
    )
    return kern(b2, dst16, ones128, zs)


B_N = 1024


def _epilogue_body(sums_ref, cnt_ref, Wn1Tlo_ref, Wn1Thi_ref, nb1_ref,
                   Wn2T_ref, nb2_ref, WihT_ref,
                   WhhT_ref, bihh_ref, hWT_ref, hb_ref, out_ref):
    cvec = cnt_ref[0] + cnt_ref[1]
    den = jnp.maximum(cvec[:, 0:1], 1.0)
    xs = []
    for t in range(2):
        x1 = (jnp.dot(sums_ref[2 * t] / den, Wn1Tlo_ref[...],
                      preferred_element_type=F32)
              + jnp.dot(sums_ref[2 * t + 1] / den, Wn1Thi_ref[...],
                        preferred_element_type=F32)
              + nb1_ref[...])
        nf2 = _elu(jnp.dot(_elu(x1), Wn2T_ref[...],
                           preferred_element_type=F32) + nb2_ref[...])
        xs.append(nf2)
    bihh = bihh_ref[...]
    g1 = jnp.dot(xs[0], WihT_ref[...], preferred_element_type=F32) + bihh
    c1 = _sigmoid(g1[:, 0:H]) * jnp.tanh(g1[:, 2 * H:3 * H])
    h1 = _sigmoid(g1[:, 3 * H:4 * H]) * jnp.tanh(c1)
    g2 = (jnp.dot(xs[1], WihT_ref[...], preferred_element_type=F32)
          + jnp.dot(h1, WhhT_ref[...], preferred_element_type=F32) + bihh)
    c2 = (_sigmoid(g2[:, H:2 * H]) * c1
          + _sigmoid(g2[:, 0:H]) * jnp.tanh(g2[:, 2 * H:3 * H]))
    h2 = _sigmoid(g2[:, 3 * H:4 * H]) * jnp.tanh(c2)
    out_ref[...] = (jnp.dot(h2, hWT_ref[...], preferred_element_type=F32)
                    + hb_ref[...])


def _tc_epilogue(sums, cnt, Wn1Tlo, Wn1Thi, nb1, Wn2T, nb2, WihT, WhhT,
                 bihh, hWT, hb):
    nb = NP // B_N
    return pl.pallas_call(
        _epilogue_body,
        grid=(nb,),
        in_specs=[
            pl.BlockSpec((4, B_N, H), lambda i: (0, i, 0)),
            pl.BlockSpec((2, B_N, H), lambda i: (0, i, 0)),
            pl.BlockSpec((H, H), lambda i: (0, 0)),
            pl.BlockSpec((H, H), lambda i: (0, 0)),
            pl.BlockSpec((1, H), lambda i: (0, 0)),
            pl.BlockSpec((H, H), lambda i: (0, 0)),
            pl.BlockSpec((1, H), lambda i: (0, 0)),
            pl.BlockSpec((H, 4 * H), lambda i: (0, 0)),
            pl.BlockSpec((H, 4 * H), lambda i: (0, 0)),
            pl.BlockSpec((1, 4 * H), lambda i: (0, 0)),
            pl.BlockSpec((H, H), lambda i: (0, 0)),
            pl.BlockSpec((1, H), lambda i: (0, 0)),
        ],
        out_specs=pl.BlockSpec((B_N, H), lambda i: (i, 0)),
        out_shape=jax.ShapeDtypeStruct((NP, H), F32),
    )(sums, cnt, Wn1Tlo, Wn1Thi, nb1, Wn2T, nb2, WihT, WhhT, bihh, hWT, hb)


def kernel(edge_index, input_time, input_events1, event_annotation, pos_vec,
           emb_table, W_in, b_in, attn_W1, attn_b1, attn_W2, attn_b2,
           node_W1, node_b1, node_W2, node_b2, lstm_Wih, lstm_bih, lstm_Whh,
           lstm_bhh, model_W, model_b, time_W, time_b, event_W, event_b):
    N, T = input_time.shape
    E = edge_index.shape[1]

    W_emb = jnp.pad(W_in[:, :H - 1], ((0, 0), (0, 1)))
    wev2 = W_in[:, H - 1].reshape(1, H)
    WteT = W_in[:, H:].T
    W1LT = attn_W1[:, :H].T
    W1RT = attn_W1[:, H:].T
    emb_pad = jnp.pad(emb_table, ((0, 1024 - emb_table.shape[0]), (0, 1)))
    headW = jnp.concatenate(
        [model_W, time_W, event_W, jnp.zeros((H - 3, H), F32)], axis=0)
    headb = jnp.concatenate(
        [model_b, time_b, event_b, jnp.zeros((H - 3,), F32)]).reshape(1, H)

    src = jnp.concatenate(
        [edge_index[0].astype(I32), jnp.zeros((EP - E,), I32)])
    dst = jnp.concatenate(
        [edge_index[1].astype(I32), jnp.full((EP - E,), N, I32)])
    time_p = jnp.pad(input_time, ((0, NP - N), (0, 0)))
    ev_p = jnp.pad(input_events1, ((0, NP - N), (0, 0)))
    ann3 = jnp.pad(event_annotation.astype(I32),
                   ((0, NP - N), (0, 0))).reshape(32, 5, 128)

    projT, base = _tc_prologue(time_p, ev_p, pos_vec.reshape(1, H), emb_pad,
                               W_emb.T, wev2, WteT, b_in.reshape(1, H))
    nf_flat = _sc_embed(ann3, base.reshape(NP * 2, H), projT)

    gs0, gs1, gd0, gd1 = _sc_edge_gather(
        nf_flat,
        (src * 2).reshape(32, 40, 128), (src * 2 + 1).reshape(32, 40, 128),
        (dst * 2).reshape(32, 40, 128), (dst * 2 + 1).reshape(32, 40, 128))

    b2 = _tc_edge_mlp(gs0, gs1, gd0, gd1, W1LT, W1RT,
                      attn_b1.reshape(1, 2 * H),
                      attn_W2.T, attn_b2.reshape(1, 2 * H))

    sums, cnt = _sc_scatter(b2, dst.reshape(16, 80, 128),
                            jnp.ones((128, H), F32), jnp.zeros((NP, H), F32))

    heads = _tc_epilogue(sums, cnt, node_W1.T[:H], node_W1.T[H:],
                         node_b1.reshape(1, H), node_W2.T,
                         node_b2.reshape(1, H), lstm_Wih.T, lstm_Whh.T,
                         (lstm_bih + lstm_bhh).reshape(1, 4 * H),
                         headW.T, headb)
    return heads[:N, 0:1], heads[:N, 1:2], heads[:N, 2:3]

# --- scband reference (transcript-rebuilt; emitter-appended) ---
"""Pipeline reference for scband-graph-recurrent-temporal-point-process-38517266710692 (READ-ONLY COPY).

The authoritative reference and input builder live on the scoring server;
editing this copy changes nothing except your own understanding.
"""

import jax, jax.numpy as jnp
import numpy as np
import math

N_NODES = 10000
N_EDGES = 160000
SEQ_LEN = 2
HID = 128
N_CLASS = 1000


def _temporal_enc(time, non_pad_mask, position_vec):
    result = time[:, :, None] / position_vec
    idx = jnp.arange(HID)
    result = jnp.where((idx % 2) == 0, jnp.sin(result), jnp.cos(result))
    return result * non_pad_mask


def _lstm(x, W_ih, W_hh, b_ih, b_hh):
    n, L, h = x.shape
    def step(carry, xt):
        hp, cp = carry
        gates = xt @ W_ih.T + b_ih + hp @ W_hh.T + b_hh
        i, f, g, o = jnp.split(gates, 4, axis=-1)
        i = jax.nn.sigmoid(i)
        f = jax.nn.sigmoid(f)
        g = jnp.tanh(g)
        o = jax.nn.sigmoid(o)
        c = f * cp + i * g
        hh = o * jnp.tanh(c)
        return (hh, c), hh
    h0 = jnp.zeros((n, h), x.dtype)
    c0 = jnp.zeros((n, h), x.dtype)
    _, hs = jax.lax.scan(step, (h0, c0), jnp.swapaxes(x, 0, 1))
    return jnp.swapaxes(hs, 0, 1)


def setup_inputs(seed: int = 0):
    key = jax.random.key(seed)
    ks = jax.random.split(key, 30)

    def lin(k, fout, fin):
        bound = 1.0 / math.sqrt(fin)
        k1, k2 = jax.random.split(k)
        W = jax.random.uniform(k1, (fout, fin), minval=-bound, maxval=bound, dtype=jnp.float32)
        b = jax.random.uniform(k2, (fout,), minval=-bound, maxval=bound, dtype=jnp.float32)
        return W, b

    inp = {}
    inp["edge_index"] = jax.random.randint(ks[0], (2, N_EDGES), 0, N_NODES)
    inp["input_time"] = jax.random.uniform(ks[1], (N_NODES, SEQ_LEN), dtype=jnp.float32) * 10.0
    inp["input_events1"] = jax.random.uniform(ks[2], (N_NODES, SEQ_LEN), dtype=jnp.float32) + 0.05
    inp["event_annotation"] = jax.random.randint(ks[3], (N_NODES, SEQ_LEN), 0, N_CLASS)
    inp["pos_vec"] = jnp.asarray([math.pow(10000.0, 2.0 * (i // 2) / HID) for i in range(HID)], dtype=jnp.float32)
    inp["emb_table"] = jax.random.normal(ks[4], (N_CLASS, HID - 1), dtype=jnp.float32) * 0.02
    inp["W_in"], inp["b_in"] = lin(ks[5], HID, 2 * HID)
    inp["attn_W1"], inp["attn_b1"] = lin(ks[6], 2 * HID, 2 * HID)
    inp["attn_W2"], inp["attn_b2"] = lin(ks[7], 2 * HID, 2 * HID)
    inp["node_W1"], inp["node_b1"] = lin(ks[8], HID, 2 * HID)
    inp["node_W2"], inp["node_b2"] = lin(ks[9], HID, HID)
    inp["lstm_Wih"], inp["lstm_bih"] = lin(ks[10], 4 * HID, HID)
    inp["lstm_Whh"], inp["lstm_bhh"] = lin(ks[11], 4 * HID, HID)
    inp["model_W"], inp["model_b"] = lin(ks[12], 1, HID)
    inp["time_W"], inp["time_b"] = lin(ks[13], 1, HID)
    inp["event_W"], inp["event_b"] = lin(ks[14], 1, HID)
    return inp


def reference(edge_index, input_time, input_events1, event_annotation, pos_vec, emb_table, W_in, b_in, attn_W1, attn_b1, attn_W2, attn_b2, node_W1, node_b1, node_W2, node_b2, lstm_Wih, lstm_bih, lstm_Whh, lstm_bhh, model_W, model_b, time_W, time_b, event_W, event_b):
    non_pad_mask = (input_events1 != 0).astype(jnp.float32)[:, :, None]
    te = _temporal_enc(input_time, non_pad_mask, pos_vec)
    emb = jnp.take(emb_table, event_annotation, axis=0)
    nf = jnp.concatenate([emb, input_events1[:, :, None], te], axis=-1) @ W_in.T + b_in
    # GN_Block (one layer): edge messages from concatenated endpoint features,
    # attn MLP on edges, mean-aggregate onto dst nodes, node MLP update.
    src = edge_index[0]
    dst = edge_index[1]
    e = jnp.concatenate([jnp.take(nf, src, axis=0), jnp.take(nf, dst, axis=0)], axis=-1)
    a = jax.nn.elu(jax.nn.elu(e @ attn_W1.T + attn_b1) @ attn_W2.T + attn_b2)
    sums = jax.ops.segment_sum(a, dst, num_segments=N_NODES)
    counts = jax.ops.segment_sum(jnp.ones((N_EDGES,), jnp.float32), dst, num_segments=N_NODES)
    agg = sums / jnp.maximum(counts, 1.0)[:, None, None]
    nf = jax.nn.elu(jax.nn.elu(agg @ node_W1.T + node_b1) @ node_W2.T + node_b2)
    node_h = _lstm(nf, lstm_Wih, lstm_Whh, lstm_bih, lstm_bhh)
    out = node_h[:, -1, :]
    model_logits = out @ model_W.T + model_b
    time_logits = out @ time_W.T + time_b
    event_logits = out @ event_W.T + event_b
    return (model_logits, time_logits, event_logits)

if __name__ == "__main__":
    import jax
    _d = setup_inputs()
    print(jax.jit(kernel)(*tuple(_d.values())))

</pallas_src>

<mosaic_0001>
#map = affine_map<(d0, d1) -> (0, 0, 0)>
#map1 = affine_map<(d0, d1) -> (0, 0)>
module attributes {stable_mosaic.version = 14 : i64} {
  func.func @_sc_embed_body(%arg0: i32, %arg1: i32, %arg2: memref<32x5x128xi32, #tpu.memory_space<hbm>>, %arg3: memref<20480x128xf32, #tpu.memory_space<hbm>>, %arg4: memref<1024x128xf32, #tpu.memory_space<hbm>>, %arg5: memref<20480x128xf32, #tpu.memory_space<hbm>>, %arg6: memref<5x128xi32, #tpu.memory_space<vmem>>, %arg7: memref<128x128xf32, #tpu.memory_space<vmem>>, %arg8: memref<128x128xf32, #tpu.memory_space<vmem>>, %arg9: memref<!tpu.dma_semaphore, #tpu.memory_space<semaphore_mem>>) attributes {dimension_semantics = [#tpu.dimension_semantics<core_parallel>, #tpu.dimension_semantics<subcore_parallel>], iteration_bounds = array<i64: 2, 16>, scalar_prefetch = 0 : i64, scratch_operands = 4 : i64, tpu.core_type = #tpu.core_type<sc_vector_subcore>, window_params = [{transform_indices = #map}, {transform_indices = #map1}, {transform_indices = #map1}, {transform_indices = #map1}]} {
    %mul3A = arith.constant 16 : i32
    %mul3A_0 = arith.muli %arg0, %mul3A : i32
    %add3A = arith.addi %mul3A_0, %arg1 : i32
    %mul3A_1 = arith.constant 640 : i32
    %mul3A_2 = arith.muli %add3A, %mul3A_1 : i32
    "tpu.region"() ({
      %run_scoped3A = tpu.sem_alloc : memref<!tpu.dma_semaphore, #tpu.memory_space<semaphore_mem>>
      %dma_start3A = arith.constant 0 : i32
      %dma_start3A_8 = arith.constant 0 : i32
      %dma_start3A_9 = tpu.memref_slice %arg2[%add3A, %dma_start3A, %dma_start3A_8] : memref<32x5x128xi32, #tpu.memory_space<hbm>> -> memref<1x5x128xi32, #tpu.memory_space<hbm>>
      %dma_start3A_10 = tpu.memref_squeeze %dma_start3A_9 : memref<1x5x128xi32, #tpu.memory_space<hbm>> -> memref<5x128xi32, #tpu.memory_space<hbm>>
      %dma_start3A_11 = arith.constant 0 : i32
      %dma_start3A_12 = arith.constant 0 : i32
      %dma_start3A_13 = tpu.memref_slice %arg2[%add3A, %dma_start3A_11, %dma_start3A_12] : memref<32x5x128xi32, #tpu.memory_space<hbm>> -> memref<1x5x128xi32, #tpu.memory_space<hbm>>
      %dma_start3A_14 = tpu.memref_squeeze %dma_start3A_13 : memref<1x5x128xi32, #tpu.memory_space<hbm>> -> memref<5x128xi32, #tpu.memory_space<hbm>>
      tpu.enqueue_dma source(%dma_start3A_14 : memref<5x128xi32, #tpu.memory_space<hbm>>) target(%arg6 : memref<5x128xi32, #tpu.memory_space<vmem>>) target_semaphore(%run_scoped3A : memref<!tpu.dma_semaphore, #tpu.memory_space<semaphore_mem>>)
      %dma_wait3A = arith.constant 0 : i32
      %dma_wait3A_15 = arith.constant 0 : i32
      %dma_wait3A_16 = tpu.memref_slice %arg2[%add3A, %dma_wait3A, %dma_wait3A_15] : memref<32x5x128xi32, #tpu.memory_space<hbm>> -> memref<1x5x128xi32, #tpu.memory_space<hbm>>
      %dma_wait3A_17 = tpu.memref_squeeze %dma_wait3A_16 : memref<1x5x128xi32, #tpu.memory_space<hbm>> -> memref<5x128xi32, #tpu.memory_space<hbm>>
      %dma_wait3A_18 = arith.constant 0 : i32
      %dma_wait3A_19 = arith.constant 0 : i32
      %dma_wait3A_20 = tpu.memref_slice %arg2[%add3A, %dma_wait3A_18, %dma_wait3A_19] : memref<32x5x128xi32, #tpu.memory_space<hbm>> -> memref<1x5x128xi32, #tpu.memory_space<hbm>>
      %dma_wait3A_21 = tpu.memref_squeeze %dma_wait3A_20 : memref<1x5x128xi32, #tpu.memory_space<hbm>> -> memref<5x128xi32, #tpu.memory_space<hbm>>
      tpu.wait_dma2 semaphore(%run_scoped3A : memref<!tpu.dma_semaphore, #tpu.memory_space<semaphore_mem>>) src(%dma_wait3A_21 : memref<5x128xi32, #tpu.memory_space<hbm>>) dst(%arg6 : memref<5x128xi32, #tpu.memory_space<vmem>>)
      tpu.yield
    }) : () -> ()
    %scan3A = arith.constant 0 : i32
    %scan3A_3 = arith.constant 0 : i32
    %scan3A_4 = arith.constant 5 : i32
    %scan3A_5 = arith.addi %scan3A_3, %scan3A_4 : i32
    %scan3A_6 = arith.constant 1 : i32
    scf.for %scan3A_8 = %scan3A_3 to %scan3A_5 step %scan3A_6  : i32 {
      %mul3A_9 = arith.constant 128 : i32
      %mul3A_10 = arith.muli %scan3A_8, %mul3A_9 : i32
      %add3A_11 = arith.addi %mul3A_2, %mul3A_10 : i32
      %dma_start3A = arith.constant 0 : i32
      %dma_start3A_12 = tpu.memref_slice %arg6[%scan3A_8, %dma_start3A] : memref<5x128xi32, #tpu.memory_space<vmem>> -> memref<1x128xi32, #tpu.memory_space<vmem>>
      %dma_start3A_13 = tpu.memref_squeeze %dma_start3A_12 : memref<1x128xi32, #tpu.memory_space<vmem>> -> memref<128xi32, #tpu.memory_space<vmem>>
      %dma_start3A_14 = arith.constant 0 : i32
      %dma_start3A_15 = arith.constant 0 : i32
      %dma_start3A_16 = tpu.memref_slice %arg4[%dma_start3A_14, %dma_start3A_15] : memref<1024x128xf32, #tpu.memory_space<hbm>> -> memref<1024x128xf32, #tpu.memory_space<hbm>>
      tpu.enqueue_indirect_dma source(%dma_start3A_16 : memref<1024x128xf32, #tpu.memory_space<hbm>>) target(%arg7 : memref<128x128xf32, #tpu.memory_space<vmem>>) offsets(%dma_start3A_13 : memref<128xi32, #tpu.memory_space<vmem>>) semaphore(%arg9 : memref<!tpu.dma_semaphore, #tpu.memory_space<semaphore_mem>>)
      %dma_wait3A = arith.constant 0 : i32
      %dma_wait3A_17 = tpu.memref_slice %arg6[%scan3A_8, %dma_wait3A] : memref<5x128xi32, #tpu.memory_space<vmem>> -> memref<1x128xi32, #tpu.memory_space<vmem>>
      %dma_wait3A_18 = tpu.memref_squeeze %dma_wait3A_17 : memref<1x128xi32, #tpu.memory_space<vmem>> -> memref<128xi32, #tpu.memory_space<vmem>>
      %dma_wait3A_19 = arith.constant 0 : i32
      %dma_wait3A_20 = arith.constant 0 : i32
      %dma_wait3A_21 = tpu.memref_slice %arg4[%dma_wait3A_19, %dma_wait3A_20] : memref<1024x128xf32, #tpu.memory_space<hbm>> -> memref<1024x128xf32, #tpu.memory_space<hbm>>
      tpu.wait_indirect_dma semaphore(%arg9 : memref<!tpu.dma_semaphore, #tpu.memory_space<semaphore_mem>>) src(%dma_wait3A_21 : memref<1024x128xf32, #tpu.memory_space<hbm>>) dst(%arg7 : memref<128x128xf32, #tpu.memory_space<vmem>>)
      "tpu.region"() ({
        %run_scoped3A = tpu.sem_alloc : memref<!tpu.dma_semaphore, #tpu.memory_space<semaphore_mem>>
        %dma_start3A_28 = arith.constant 0 : i32
        %dma_start3A_29 = tpu.memref_slice %arg3[%add3A_11, %dma_start3A_28] : memref<20480x128xf32, #tpu.memory_space<hbm>> -> memref<128x128xf32, #tpu.memory_space<hbm>>
        %dma_start3A_30 = arith.constant 0 : i32
        %dma_start3A_31 = tpu.memref_slice %arg3[%add3A_11, %dma_start3A_30] : memref<20480x128xf32, #tpu.memory_space<hbm>> -> memref<128x128xf32, #tpu.memory_space<hbm>>
        tpu.enqueue_dma source(%dma_start3A_31 : memref<128x128xf32, #tpu.memory_space<hbm>>) target(%arg8 : memref<128x128xf32, #tpu.memory_space<vmem>>) target_semaphore(%run_scoped3A : memref<!tpu.dma_semaphore, #tpu.memory_space<semaphore_mem>>)
        %dma_wait3A_32 = arith.constant 0 : i32
        %dma_wait3A_33 = tpu.memref_slice %arg3[%add3A_11, %dma_wait3A_32] : memref<20480x128xf32, #tpu.memory_space<hbm>> -> memref<128x128xf32, #tpu.memory_space<hbm>>
        %dma_wait3A_34 = arith.constant 0 : i32
        %dma_wait3A_35 = tpu.memref_slice %arg3[%add3A_11, %dma_wait3A_34] : memref<20480x128xf32, #tpu.memory_space<hbm>> -> memref<128x128xf32, #tpu.memory_space<hbm>>
        tpu.wait_dma2 semaphore(%run_scoped3A : memref<!tpu.dma_semaphore, #tpu.memory_space<semaphore_mem>>) src(%dma_wait3A_35 : memref<128x128xf32, #tpu.memory_space<hbm>>) dst(%arg8 : memref<128x128xf32, #tpu.memory_space<vmem>>)
        tpu.yield
      }) : () -> ()
      %scan3A_22 = arith.constant 0 : i32
      %scan3A_23 = arith.constant 0 : i32
      %scan3A_24 = arith.constant 128 : i32
      %scan3A_25 = arith.addi %scan3A_23, %scan3A_24 : i32
      %scan3A_26 = arith.constant 1 : i32
      scf.for %scan3A_28 = %scan3A_23 to %scan3A_25 step %scan3A_26  : i32 {
        %get3A = arith.index_cast %scan3A_28 : i32 to index
        %get3A_29 = arith.constant 0 : index
        %get3A_30 = tpu.vector_load %arg8[%get3A, %get3A_29] {strides = array<i32>} : memref<128x128xf32, #tpu.memory_space<vmem>>, vector<1x16xf32>,
        %get3A_31 = vector.shape_cast %get3A_30 : vector<1x16xf32> to vector<16xf32>
        %get3A_32 = arith.index_cast %scan3A_28 : i32 to index
        %get3A_33 = arith.constant 0 : index
        %get3A_34 = tpu.vector_load %arg7[%get3A_32, %get3A_33] {strides = array<i32>} : memref<128x128xf32, #tpu.memory_space<vmem>>, vector<1x16xf32>,
        %get3A_35 = vector.shape_cast %get3A_34 : vector<1x16xf32> to vector<16xf32>
        %add3A_36 = arith.addf %get3A_31, %get3A_35 : vector<16xf32>
        %swap3A = arith.index_cast %scan3A_28 : i32 to index
        %swap3A_37 = arith.constant 0 : index
        %swap3A_38 = tpu.vector_load %arg8[%swap3A, %swap3A_37] {strides = array<i32>} : memref<128x128xf32, #tpu.memory_space<vmem>>, vector<1x16xf32>,
        %swap3A_39 = vector.shape_cast %swap3A_38 : vector<1x16xf32> to vector<16xf32>
        %swap3A_40 = vector.shape_cast %add3A_36 : vector<16xf32> to vector<1x16xf32>
        tpu.vector_store %arg8[%swap3A, %swap3A_37], %swap3A_40 {strides = array<i32>} : memref<128x128xf32, #tpu.memory_space<vmem>>, vector<1x16xf32>,
        %get3A_41 = arith.index_cast %scan3A_28 : i32 to index
        %get3A_42 = arith.constant 16 : index
        %get3A_43 = tpu.vector_load %arg8[%get3A_41, %get3A_42] {strides = array<i32>} : memref<128x128xf32, #tpu.memory_space<vmem>>, vector<1x16xf32>,
        %get3A_44 = vector.shape_cast %get3A_43 : vector<1x16xf32> to vector<16xf32>
        %get3A_45 = arith.index_cast %scan3A_28 : i32 to index
        %get3A_46 = arith.constant 16 : index
        %get3A_47 = tpu.vector_load %arg7[%get3A_45, %get3A_46] {strides = array<i32>} : memref<128x128xf32, #tpu.memory_space<vmem>>, vector<1x16xf32>,
        %get3A_48 = vector.shape_cast %get3A_47 : vector<1x16xf32> to vector<16xf32>
        %add3A_49 = arith.addf %get3A_44, %get3A_48 : vector<16xf32>
        %swap3A_50 = arith.index_cast %scan3A_28 : i32 to index
        %swap3A_51 = arith.constant 16 : index
        %swap3A_52 = tpu.vector_load %arg8[%swap3A_50, %swap3A_51] {strides = array<i32>} : memref<128x128xf32, #tpu.memory_space<vmem>>, vector<1x16xf32>,
        %swap3A_53 = vector.shape_cast %swap3A_52 : vector<1x16xf32> to vector<16xf32>
        %swap3A_54 = vector.shape_cast %add3A_49 : vector<16xf32> to vector<1x16xf32>
        tpu.vector_store %arg8[%swap3A_50, %swap3A_51], %swap3A_54 {strides = array<i32>} : memref<128x128xf32, #tpu.memory_space<vmem>>, vector<1x16xf32>,
        %get3A_55 = arith.index_cast %scan3A_28 : i32 to index
        %get3A_56 = arith.constant 32 : index
        %get3A_57 = tpu.vector_load %arg8[%get3A_55, %get3A_56] {strides = array<i32>} : memref<128x128xf32, #tpu.memory_space<vmem>>, vector<1x16xf32>,
        %get3A_58 = vector.shape_cast %get3A_57 : vector<1x16xf32> to vector<16xf32>
        %get3A_59 = arith.index_cast %scan3A_28 : i32 to index
        %get3A_60 = arith.constant 32 : index
        %get3A_61 = tpu.vector_load %arg7[%get3A_59, %get3A_60] {strides = array<i32>} : memref<128x128xf32, #tpu.memory_space<vmem>>, vector<1x16xf32>,
        %get3A_62 = vector.shape_cast %get3A_61 : vector<1x16xf32> to vector<16xf32>
        %add3A_63 = arith.addf %get3A_58, %get3A_62 : vector<16xf32>
        %swap3A_64 = arith.index_cast %scan3A_28 : i32 to index
        %swap3A_65 = arith.constant 32 : index
        %swap3A_66 = tpu.vector_load %arg8[%swap3A_64, %swap3A_65] {strides = array<i32>} : memref<128x128xf32, #tpu.memory_space<vmem>>, vector<1x16xf32>,
        %swap3A_67 = vector.shape_cast %swap3A_66 : vector<1x16xf32> to vector<16xf32>
        %swap3A_68 = vector.shape_cast %add3A_63 : vector<16xf32> to vector<1x16xf32>
        tpu.vector_store %arg8[%swap3A_64, %swap3A_65], %swap3A_68 {strides = array<i32>} : memref<128x128xf32, #tpu.memory_space<vmem>>, vector<1x16xf32>,
        %get3A_69 = arith.index_cast %scan3A_28 : i32 to index
        %get3A_70 = arith.constant 48 : index
        %get3A_71 = tpu.vector_load %arg8[%get3A_69, %get3A_70] {strides = array<i32>} : memref<128x128xf32, #tpu.memory_space<vmem>>, vector<1x16xf32>,
        %get3A_72 = vector.shape_cast %get3A_71 : vector<1x16xf32> to vector<16xf32>
        %get3A_73 = arith.index_cast %scan3A_28 : i32 to index
        %get3A_74 = arith.constant 48 : index
        %get3A_75 = tpu.vector_load %arg7[%get3A_73, %get3A_74] {strides = array<i32>} : memref<128x128xf32, #tpu.memory_space<vmem>>, vector<1x16xf32>,
        %get3A_76 = vector.shape_cast %get3A_75 : vector<1x16xf32> to vector<16xf32>
        %add3A_77 = arith.addf %get3A_72, %get3A_76 : vector<16xf32>
        %swap3A_78 = arith.index_cast %scan3A_28 : i32 to index
        %swap3A_79 = arith.constant 48 : index
        %swap3A_80 = tpu.vector_load %arg8[%swap3A_78, %swap3A_79] {strides = array<i32>} : memref<128x128xf32, #tpu.memory_space<vmem>>, vector<1x16xf32>,
        %swap3A_81 = vector.shape_cast %swap3A_80 : vector<1x16xf32> to vector<16xf32>
        %swap3A_82 = vector.shape_cast %add3A_77 : vector<16xf32> to vector<1x16xf32>
        tpu.vector_store %arg8[%swap3A_78, %swap3A_79], %swap3A_82 {strides = array<i32>} : memref<128x128xf32, #tpu.memory_space<vmem>>, vector<1x16xf32>,
        %get3A_83 = arith.index_cast %scan3A_28 : i32 to index
        %get3A_84 = arith.constant 64 : index
        %get3A_85 = tpu.vector_load %arg8[%get3A_83, %get3A_84] {strides = array<i32>} : memref<128x128xf32, #tpu.memory_space<vmem>>, vector<1x16xf32>,
        %get3A_86 = vector.shape_cast %get3A_85 : vector<1x16xf32> to vector<16xf32>
        %get3A_87 = arith.index_cast %scan3A_28 : i32 to index
        %get3A_88 = arith.constant 64 : index
        %get3A_89 = tpu.vector_load %arg7[%get3A_87, %get3A_88] {strides = array<i32>} : memref<128x128xf32, #tpu.memory_space<vmem>>, vector<1x16xf32>,
        %get3A_90 = vector.shape_cast %get3A_89 : vector<1x16xf32> to vector<16xf32>
        %add3A_91 = arith.addf %get3A_86, %get3A_90 : vector<16xf32>
        %swap3A_92 = arith.index_cast %scan3A_28 : i32 to index
        %swap3A_93 = arith.constant 64 : index
        %swap3A_94 = tpu.vector_load %arg8[%swap3A_92, %swap3A_93] {strides = array<i32>} : memref<128x128xf32, #tpu.memory_space<vmem>>, vector<1x16xf32>,
        %swap3A_95 = vector.shape_cast %swap3A_94 : vector<1x16xf32> to vector<16xf32>
        %swap3A_96 = vector.shape_cast %add3A_91 : vector<16xf32> to vector<1x16xf32>
        tpu.vector_store %arg8[%swap3A_92, %swap3A_93], %swap3A_96 {strides = array<i32>} : memref<128x128xf32, #tpu.memory_space<vmem>>, vector<1x16xf32>,
        %get3A_97 = arith.index_cast %scan3A_28 : i32 to index
        %get3A_98 = arith.constant 80 : index
        %get3A_99 = tpu.vector_load %arg8[%get3A_97, %get3A_98] {strides = array<i32>} : memref<128x128xf32, #tpu.memory_space<vmem>>, vector<1x16xf32>,
        %get3A_100 = vector.shape_cast %get3A_99 : vector<1x16xf32> to vector<16xf32>
        %get3A_101 = arith.index_cast %scan3A_28 : i32 to index
        %get3A_102 = arith.constant 80 : index
        %get3A_103 = tpu.vector_load %arg7[%get3A_101, %get3A_102] {strides = array<i32>} : memref<128x128xf32, #tpu.memory_space<vmem>>, vector<1x16xf32>,
        %get3A_104 = vector.shape_cast %get3A_103 : vector<1x16xf32> to vector<16xf32>
        %add3A_105 = arith.addf %get3A_100, %get3A_104 : vector<16xf32>
        %swap3A_106 = arith.index_cast %scan3A_28 : i32 to index
        %swap3A_107 = arith.constant 80 : index
        %swap3A_108 = tpu.vector_load %arg8[%swap3A_106, %swap3A_107] {strides = array<i32>} : memref<128x128xf32, #tpu.memory_space<vmem>>, vector<1x16xf32>,
        %swap3A_109 = vector.shape_cast %swap3A_108 : vector<1x16xf32> to vector<16xf32>
        %swap3A_110 = vector.shape_cast %add3A_105 : vector<16xf32> to vector<1x16xf32>
        tpu.vector_store %arg8[%swap3A_106, %swap3A_107], %swap3A_110 {strides = array<i32>} : memref<128x128xf32, #tpu.memory_space<vmem>>, vector<1x16xf32>,
        %get3A_111 = arith.index_cast %scan3A_28 : i32 to index
        %get3A_112 = arith.constant 96 : index
        %get3A_113 = tpu.vector_load %arg8[%get3A_111, %get3A_112] {strides = array<i32>} : memref<128x128xf32, #tpu.memory_space<vmem>>, vector<1x16xf32>,
        %get3A_114 = vector.shape_cast %get3A_113 : vector<1x16xf32> to vector<16xf32>
        %get3A_115 = arith.index_cast %scan3A_28 : i32 to index
        %get3A_116 = arith.constant 96 : index
        %get3A_117 = tpu.vector_load %arg7[%get3A_115, %get3A_116] {strides = array<i32>} : memref<128x128xf32, #tpu.memory_space<vmem>>, vector<1x16xf32>,
        %get3A_118 = vector.shape_cast %get3A_117 : vector<1x16xf32> to vector<16xf32>
        %add3A_119 = arith.addf %get3A_114, %get3A_118 : vector<16xf32>
        %swap3A_120 = arith.index_cast %scan3A_28 : i32 to index
        %swap3A_121 = arith.constant 96 : index
        %swap3A_122 = tpu.vector_load %arg8[%swap3A_120, %swap3A_121] {strides = array<i32>} : memref<128x128xf32, #tpu.memory_space<vmem>>, vector<1x16xf32>,
        %swap3A_123 = vector.shape_cast %swap3A_122 : vector<1x16xf32> to vector<16xf32>
        %swap3A_124 = vector.shape_cast %add3A_119 : vector<16xf32> to vector<1x16xf32>
        tpu.vector_store %arg8[%swap3A_120, %swap3A_121], %swap3A_124 {strides = array<i32>} : memref<128x128xf32, #tpu.memory_space<vmem>>, vector<1x16xf32>,
        %get3A_125 = arith.index_cast %scan3A_28 : i32 to index
        %get3A_126 = arith.constant 112 : index
        %get3A_127 = tpu.vector_load %arg8[%get3A_125, %get3A_126] {strides = array<i32>} : memref<128x128xf32, #tpu.memory_space<vmem>>, vector<1x16xf32>,
        %get3A_128 = vector.shape_cast %get3A_127 : vector<1x16xf32> to vector<16xf32>
        %get3A_129 = arith.index_cast %scan3A_28 : i32 to index
        %get3A_130 = arith.constant 112 : index
        %get3A_131 = tpu.vector_load %arg7[%get3A_129, %get3A_130] {strides = array<i32>} : memref<128x128xf32, #tpu.memory_space<vmem>>, vector<1x16xf32>,
        %get3A_132 = vector.shape_cast %get3A_131 : vector<1x16xf32> to vector<16xf32>
        %add3A_133 = arith.addf %get3A_128, %get3A_132 : vector<16xf32>
        %swap3A_134 = arith.index_cast %scan3A_28 : i32 to index
        %swap3A_135 = arith.constant 112 : index
        %swap3A_136 = tpu.vector_load %arg8[%swap3A_134, %swap3A_135] {strides = array<i32>} : memref<128x128xf32, #tpu.memory_space<vmem>>, vector<1x16xf32>,
        %swap3A_137 = vector.shape_cast %swap3A_136 : vector<1x16xf32> to vector<16xf32>
        %swap3A_138 = vector.shape_cast %add3A_133 : vector<16xf32> to vector<1x16xf32>
        tpu.vector_store %arg8[%swap3A_134, %swap3A_135], %swap3A_138 {strides = array<i32>} : memref<128x128xf32, #tpu.memory_space<vmem>>, vector<1x16xf32>,
      }
      %scan3A_27 = arith.constant 128 : i32
      "tpu.region"() ({
        %run_scoped3A = tpu.sem_alloc : memref<!tpu.dma_semaphore, #tpu.memory_space<semaphore_mem>>
        %dma_start3A_28 = arith.constant 0 : i32
        %dma_start3A_29 = tpu.memref_slice %arg5[%add3A_11, %dma_start3A_28] : memref<20480x128xf32, #tpu.memory_space<hbm>> -> memref<128x128xf32, #tpu.memory_space<hbm>>
        %dma_start3A_30 = arith.constant 0 : i32
        %dma_start3A_31 = tpu.memref_slice %arg5[%add3A_11, %dma_start3A_30] : memref<20480x128xf32, #tpu.memory_space<hbm>> -> memref<128x128xf32, #tpu.memory_space<hbm>>
        tpu.enqueue_dma source(%arg8 : memref<128x128xf32, #tpu.memory_space<vmem>>) target(%dma_start3A_31 : memref<128x128xf32, #tpu.memory_space<hbm>>) target_semaphore(%run_scoped3A : memref<!tpu.dma_semaphore, #tpu.memory_space<semaphore_mem>>)
        %dma_wait3A_32 = arith.constant 0 : i32
        %dma_wait3A_33 = tpu.memref_slice %arg5[%add3A_11, %dma_wait3A_32] : memref<20480x128xf32, #tpu.memory_space<hbm>> -> memref<128x128xf32, #tpu.memory_space<hbm>>
        %dma_wait3A_34 = arith.constant 0 : i32
        %dma_wait3A_35 = tpu.memref_slice %arg5[%add3A_11, %dma_wait3A_34] : memref<20480x128xf32, #tpu.memory_space<hbm>> -> memref<128x128xf32, #tpu.memory_space<hbm>>
        tpu.wait_dma2 semaphore(%run_scoped3A : memref<!tpu.dma_semaphore, #tpu.memory_space<semaphore_mem>>) src(%arg8 : memref<128x128xf32, #tpu.memory_space<vmem>>) dst(%dma_wait3A_35 : memref<128x128xf32, #tpu.memory_space<hbm>>)
        tpu.yield
      }) : () -> ()
    }
    %scan3A_7 = arith.constant 5 : i32
    return
  }
}

#map = affine_map<(d0, d1) -> (0, 0)>
#map1 = affine_map<(d0, d1) -> (0, 0, 0)>
module attributes {stable_mosaic.version = 14 : i64} {
  func.func @_sc_edge_gather_body(%arg0: i32, %arg1: i32, %arg2: memref<20480x128xf32, #tpu.memory_space<hbm>>, %arg3: memref<32x40x128xi32, #tpu.memory_space<hbm>>, %arg4: memref<32x40x128xi32, #tpu.memory_space<hbm>>, %arg5: memref<32x40x128xi32, #tpu.memory_space<hbm>>, %arg6: memref<32x40x128xi32, #tpu.memory_space<hbm>>, %arg7: memref<163840x128xf32, #tpu.memory_space<hbm>>, %arg8: memref<163840x128xf32, #tpu.memory_space<hbm>>, %arg9: memref<163840x128xf32, #tpu.memory_space<hbm>>, %arg10: memref<163840x128xf32, #tpu.memory_space<hbm>>, %arg11: memref<40x128xi32, #tpu.memory_space<vmem>>, %arg12: memref<128x128xf32, #tpu.memory_space<vmem>>, %arg13: memref<128x128xf32, #tpu.memory_space<vmem>>, %arg14: memref<!tpu.dma_semaphore, #tpu.memory_space<semaphore_mem>>, %arg15: memref<!tpu.dma_semaphore, #tpu.memory_space<semaphore_mem>>) attributes {dimension_semantics = [#tpu.dimension_semantics<core_parallel>, #tpu.dimension_semantics<subcore_parallel>], iteration_bounds = array<i64: 2, 16>, scalar_prefetch = 0 : i64, scratch_operands = 5 : i64, tpu.core_type = #tpu.core_type<sc_vector_subcore>, window_params = [{transform_indices = #map}, {transform_indices = #map1}, {transform_indices = #map1}, {transform_indices = #map1}, {transform_indices = #map1}, {transform_indices = #map}, {transform_indices = #map}, {transform_indices = #map}, {transform_indices = #map}]} {
    %mul3A = arith.constant 16 : i32
    %mul3A_0 = arith.muli %arg0, %mul3A : i32
    %add3A = arith.addi %mul3A_0, %arg1 : i32
    %mul3A_1 = arith.constant 5120 : i32
    %mul3A_2 = arith.muli %add3A, %mul3A_1 : i32
    "tpu.region"() ({
      %run_scoped3A = tpu.sem_alloc : memref<!tpu.dma_semaphore, #tpu.memory_space<semaphore_mem>>
      %dma_start3A_81 = arith.constant 0 : i32
      %dma_start3A_82 = arith.constant 0 : i32
      %dma_start3A_83 = tpu.memref_slice %arg3[%add3A, %dma_start3A_81, %dma_start3A_82] : memref<32x40x128xi32, #tpu.memory_space<hbm>> -> memref<1x40x128xi32, #tpu.memory_space<hbm>>
      %dma_start3A_84 = tpu.memref_squeeze %dma_start3A_83 : memref<1x40x128xi32, #tpu.memory_space<hbm>> -> memref<40x128xi32, #tpu.memory_space<hbm>>
      %dma_start3A_85 = arith.constant 0 : i32
      %dma_start3A_86 = arith.constant 0 : i32
      %dma_start3A_87 = tpu.memref_slice %arg3[%add3A, %dma_start3A_85, %dma_start3A_86] : memref<32x40x128xi32, #tpu.memory_space<hbm>> -> memref<1x40x128xi32, #tpu.memory_space<hbm>>
      %dma_start3A_88 = tpu.memref_squeeze %dma_start3A_87 : memref<1x40x128xi32, #tpu.memory_space<hbm>> -> memref<40x128xi32, #tpu.memory_space<hbm>>
      tpu.enqueue_dma source(%dma_start3A_88 : memref<40x128xi32, #tpu.memory_space<hbm>>) target(%arg11 : memref<40x128xi32, #tpu.memory_space<vmem>>) target_semaphore(%run_scoped3A : memref<!tpu.dma_semaphore, #tpu.memory_space<semaphore_mem>>)
      %dma_wait3A = arith.constant 0 : i32
      %dma_wait3A_89 = arith.constant 0 : i32
      %dma_wait3A_90 = tpu.memref_slice %arg3[%add3A, %dma_wait3A, %dma_wait3A_89] : memref<32x40x128xi32, #tpu.memory_space<hbm>> -> memref<1x40x128xi32, #tpu.memory_space<hbm>>
      %dma_wait3A_91 = tpu.memref_squeeze %dma_wait3A_90 : memref<1x40x128xi32, #tpu.memory_space<hbm>> -> memref<40x128xi32, #tpu.memory_space<hbm>>
      %dma_wait3A_92 = arith.constant 0 : i32
      %dma_wait3A_93 = arith.constant 0 : i32
      %dma_wait3A_94 = tpu.memref_slice %arg3[%add3A, %dma_wait3A_92, %dma_wait3A_93] : memref<32x40x128xi32, #tpu.memory_space<hbm>> -> memref<1x40x128xi32, #tpu.memory_space<hbm>>
      %dma_wait3A_95 = tpu.memref_squeeze %dma_wait3A_94 : memref<1x40x128xi32, #tpu.memory_space<hbm>> -> memref<40x128xi32, #tpu.memory_space<hbm>>
      tpu.wait_dma2 semaphore(%run_scoped3A : memref<!tpu.dma_semaphore, #tpu.memory_space<semaphore_mem>>) src(%dma_wait3A_95 : memref<40x128xi32, #tpu.memory_space<hbm>>) dst(%arg11 : memref<40x128xi32, #tpu.memory_space<vmem>>)
      tpu.yield
    }) : () -> ()
    %dma_start3A = arith.constant 0 : i32
    %dma_start3A_3 = arith.constant 0 : i32
    %dma_start3A_4 = tpu.memref_slice %arg11[%dma_start3A, %dma_start3A_3] : memref<40x128xi32, #tpu.memory_space<vmem>> -> memref<1x128xi32, #tpu.memory_space<vmem>>
    %dma_start3A_5 = tpu.memref_squeeze %dma_start3A_4 : memref<1x128xi32, #tpu.memory_space<vmem>> -> memref<128xi32, #tpu.memory_space<vmem>>
    %dma_start3A_6 = arith.constant 0 : i32
    %dma_start3A_7 = arith.constant 0 : i32
    %dma_start3A_8 = tpu.memref_slice %arg2[%dma_start3A_6, %dma_start3A_7] : memref<20480x128xf32, #tpu.memory_space<hbm>> -> memref<20480x128xf32, #tpu.memory_space<hbm>>
    tpu.enqueue_indirect_dma source(%dma_start3A_8 : memref<20480x128xf32, #tpu.memory_space<hbm>>) target(%arg12 : memref<128x128xf32, #tpu.memory_space<vmem>>) offsets(%dma_start3A_5 : memref<128xi32, #tpu.memory_space<vmem>>) semaphore(%arg14 : memref<!tpu.dma_semaphore, #tpu.memory_space<semaphore_mem>>)
    %dma_start3A_9 = arith.constant 1 : i32
    %dma_start3A_10 = arith.constant 0 : i32
    %dma_start3A_11 = tpu.memref_slice %arg11[%dma_start3A_9, %dma_start3A_10] : memref<40x128xi32, #tpu.memory_space<vmem>> -> memref<1x128xi32, #tpu.memory_space<vmem>>
    %dma_start3A_12 = tpu.memref_squeeze %dma_start3A_11 : memref<1x128xi32, #tpu.memory_space<vmem>> -> memref<128xi32, #tpu.memory_space<vmem>>
    %dma_start3A_13 = arith.constant 0 : i32
    %dma_start3A_14 = arith.constant 0 : i32
    %dma_start3A_15 = tpu.memref_slice %arg2[%dma_start3A_13, %dma_start3A_14] : memref<20480x128xf32, #tpu.memory_space<hbm>> -> memref<20480x128xf32, #tpu.memory_space<hbm>>
    tpu.enqueue_indirect_dma source(%dma_start3A_15 : memref<20480x128xf32, #tpu.memory_space<hbm>>) target(%arg13 : memref<128x128xf32, #tpu.memory_space<vmem>>) offsets(%dma_start3A_12 : memref<128xi32, #tpu.memory_space<vmem>>) semaphore(%arg15 : memref<!tpu.dma_semaphore, #tpu.memory_space<semaphore_mem>>)
    %scan3A = arith.constant 0 : i32
    %scan3A_16 = arith.constant 0 : i32
    %scan3A_17 = arith.constant 20 : i32
    %scan3A_18 = arith.addi %scan3A_16, %scan3A_17 : i32
    %scan3A_19 = arith.constant 1 : i32
    scf.for %scan3A_81 = %scan3A_16 to %scan3A_18 step %scan3A_19  : i32 {
      %mul3A_82 = arith.constant 2 : i32
      %mul3A_83 = arith.muli %mul3A_82, %scan3A_81 : i32
      %dma_wait3A = arith.constant 0 : i32
      %dma_wait3A_84 = tpu.memref_slice %arg11[%mul3A_83, %dma_wait3A] : memref<40x128xi32, #tpu.memory_space<vmem>> -> memref<1x128xi32, #tpu.memory_space<vmem>>
      %dma_wait3A_85 = tpu.memref_squeeze %dma_wait3A_84 : memref<1x128xi32, #tpu.memory_space<vmem>> -> memref<128xi32, #tpu.memory_space<vmem>>
      %dma_wait3A_86 = arith.constant 0 : i32
      %dma_wait3A_87 = arith.constant 0 : i32
      %dma_wait3A_88 = tpu.memref_slice %arg2[%dma_wait3A_86, %dma_wait3A_87] : memref<20480x128xf32, #tpu.memory_space<hbm>> -> memref<20480x128xf32, #tpu.memory_space<hbm>>
      tpu.wait_indirect_dma semaphore(%arg14 : memref<!tpu.dma_semaphore, #tpu.memory_space<semaphore_mem>>) src(%dma_wait3A_88 : memref<20480x128xf32, #tpu.memory_space<hbm>>) dst(%arg12 : memref<128x128xf32, #tpu.memory_space<vmem>>)
      %mul3A_89 = arith.constant 128 : i32
      %mul3A_90 = arith.muli %mul3A_83, %mul3A_89 : i32
      %add3A_91 = arith.addi %mul3A_2, %mul3A_90 : i32
      "tpu.region"() ({
        %run_scoped3A = tpu.sem_alloc : memref<!tpu.dma_semaphore, #tpu.memory_space<semaphore_mem>>
        %dma_start3A_112 = arith.constant 0 : i32
        %dma_start3A_113 = tpu.memref_slice %arg7[%add3A_91, %dma_start3A_112] : memref<163840x128xf32, #tpu.memory_space<hbm>> -> memref<128x128xf32, #tpu.memory_space<hbm>>
        %dma_start3A_114 = arith.constant 0 : i32
        %dma_start3A_115 = tpu.memref_slice %arg7[%add3A_91, %dma_start3A_114] : memref<163840x128xf32, #tpu.memory_space<hbm>> -> memref<128x128xf32, #tpu.memory_space<hbm>>
        tpu.enqueue_dma source(%arg12 : memref<128x128xf32, #tpu.memory_space<vmem>>) target(%dma_start3A_115 : memref<128x128xf32, #tpu.memory_space<hbm>>) target_semaphore(%run_scoped3A : memref<!tpu.dma_semaphore, #tpu.memory_space<semaphore_mem>>)
        %dma_wait3A_116 = arith.constant 0 : i32
        %dma_wait3A_117 = tpu.memref_slice %arg7[%add3A_91, %dma_wait3A_116] : memref<163840x128xf32, #tpu.memory_space<hbm>> -> memref<128x128xf32, #tpu.memory_space<hbm>>
        %dma_wait3A_118 = arith.constant 0 : i32
        %dma_wait3A_119 = tpu.memref_slice %arg7[%add3A_91, %dma_wait3A_118] : memref<163840x128xf32, #tpu.memory_space<hbm>> -> memref<128x128xf32, #tpu.memory_space<hbm>>
        tpu.wait_dma2 semaphore(%run_scoped3A : memref<!tpu.dma_semaphore, #tpu.memory_space<semaphore_mem>>) src(%arg12 : memref<128x128xf32, #tpu.memory_space<vmem>>) dst(%dma_wait3A_119 : memref<128x128xf32, #tpu.memory_space<hbm>>)
        tpu.yield
      }) : () -> ()
      %lt3A = arith.constant 19 : i32
      %lt3A_92 = arith.cmpi slt, %scan3A_81, %lt3A : i32
      %convert_element_type3A = arith.extui %lt3A_92 : i1 to i32
      %cond3A = arith.constant 0 : i32
      %cond3A_93 = arith.cmpi ne, %convert_element_type3A, %cond3A : i32
      scf.if %cond3A_93 {
        %add3A_112 = arith.constant 2 : i32
        %add3A_113 = arith.addi %mul3A_83, %add3A_112 : i32
        %dma_start3A_114 = arith.constant 0 : i32
        %dma_start3A_115 = tpu.memref_slice %arg11[%add3A_113, %dma_start3A_114] : memref<40x128xi32, #tpu.memory_space<vmem>> -> memref<1x128xi32, #tpu.memory_space<vmem>>
        %dma_start3A_116 = tpu.memref_squeeze %dma_start3A_115 : memref<1x128xi32, #tpu.memory_space<vmem>> -> memref<128xi32, #tpu.memory_space<vmem>>
        %dma_start3A_117 = arith.constant 0 : i32
        %dma_start3A_118 = arith.constant 0 : i32
        %dma_start3A_119 = tpu.memref_slice %arg2[%dma_start3A_117, %dma_start3A_118] : memref<20480x128xf32, #tpu.memory_space<hbm>> -> memref<20480x128xf32, #tpu.memory_space<hbm>>
        tpu.enqueue_indirect_dma source(%dma_start3A_119 : memref<20480x128xf32, #tpu.memory_space<hbm>>) target(%arg12 : memref<128x128xf32, #tpu.memory_space<vmem>>) offsets(%dma_start3A_116 : memref<128xi32, #tpu.memory_space<vmem>>) semaphore(%arg14 : memref<!tpu.dma_semaphore, #tpu.memory_space<semaphore_mem>>)
      } else {
      }
      %add3A_94 = arith.constant 1 : i32
      %add3A_95 = arith.addi %mul3A_83, %add3A_94 : i32
      %dma_wait3A_96 = arith.constant 0 : i32
      %dma_wait3A_97 = tpu.memref_slice %arg11[%add3A_95, %dma_wait3A_96] : memref<40x128xi32, #tpu.memory_space<vmem>> -> memref<1x128xi32, #tpu.memory_space<vmem>>
      %dma_wait3A_98 = tpu.memref_squeeze %dma_wait3A_97 : memref<1x128xi32, #tpu.memory_space<vmem>> -> memref<128xi32, #tpu.memory_space<vmem>>
      %dma_wait3A_99 = arith.constant 0 : i32
      %dma_wait3A_100 = arith.constant 0 : i32
      %dma_wait3A_101 = tpu.memref_slice %arg2[%dma_wait3A_99, %dma_wait3A_100] : memref<20480x128xf32, #tpu.memory_space<hbm>> -> memref<20480x128xf32, #tpu.memory_space<hbm>>
      tpu.wait_indirect_dma semaphore(%arg15 : memref<!tpu.dma_semaphore, #tpu.memory_space<semaphore_mem>>) src(%dma_wait3A_101 : memref<20480x128xf32, #tpu.memory_space<hbm>>) dst(%arg13 : memref<128x128xf32, #tpu.memory_space<vmem>>)
      %add3A_102 = arith.constant 1 : i32
      %add3A_103 = arith.addi %mul3A_83, %add3A_102 : i32
      %mul3A_104 = arith.constant 128 : i32
      %mul3A_105 = arith.muli %add3A_103, %mul3A_104 : i32
      %add3A_106 = arith.addi %mul3A_2, %mul3A_105 : i32
      "tpu.region"() ({
        %run_scoped3A = tpu.sem_alloc : memref<!tpu.dma_semaphore, #tpu.memory_space<semaphore_mem>>
        %dma_start3A_112 = arith.constant 0 : i32
        %dma_start3A_113 = tpu.memref_slice %arg7[%add3A_106, %dma_start3A_112] : memref<163840x128xf32, #tpu.memory_space<hbm>> -> memref<128x128xf32, #tpu.memory_space<hbm>>
        %dma_start3A_114 = arith.constant 0 : i32
        %dma_start3A_115 = tpu.memref_slice %arg7[%add3A_106, %dma_start3A_114] : memref<163840x128xf32, #tpu.memory_space<hbm>> -> memref<128x128xf32, #tpu.memory_space<hbm>>
        tpu.enqueue_dma source(%arg13 : memref<128x128xf32, #tpu.memory_space<vmem>>) target(%dma_start3A_115 : memref<128x128xf32, #tpu.memory_space<hbm>>) target_semaphore(%run_scoped3A : memref<!tpu.dma_semaphore, #tpu.memory_space<semaphore_mem>>)
        %dma_wait3A_116 = arith.constant 0 : i32
        %dma_wait3A_117 = tpu.memref_slice %arg7[%add3A_106, %dma_wait3A_116] : memref<163840x128xf32, #tpu.memory_space<hbm>> -> memref<128x128xf32, #tpu.memory_space<hbm>>
        %dma_wait3A_118 = arith.constant 0 : i32
        %dma_wait3A_119 = tpu.memref_slice %arg7[%add3A_106, %dma_wait3A_118] : memref<163840x128xf32, #tpu.memory_space<hbm>> -> memref<128x128xf32, #tpu.memory_space<hbm>>
        tpu.wait_dma2 semaphore(%run_scoped3A : memref<!tpu.dma_semaphore, #tpu.memory_space<semaphore_mem>>) src(%arg13 : memref<128x128xf32, #tpu.memory_space<vmem>>) dst(%dma_wait3A_119 : memref<128x128xf32, #tpu.memory_space<hbm>>)
        tpu.yield
      }) : () -> ()
      %lt3A_107 = arith.constant 19 : i32
      %lt3A_108 = arith.cmpi slt, %scan3A_81, %lt3A_107 : i32
      %convert_element_type3A_109 = arith.extui %lt3A_108 : i1 to i32
      %cond3A_110 = arith.constant 0 : i32
      %cond3A_111 = arith.cmpi ne, %convert_element_type3A_109, %cond3A_110 : i32
      scf.if %cond3A_111 {
        %add3A_112 = arith.constant 3 : i32
        %add3A_113 = arith.addi %mul3A_83, %add3A_112 : i32
        %dma_start3A_114 = arith.constant 0 : i32
        %dma_start3A_115 = tpu.memref_slice %arg11[%add3A_113, %dma_start3A_114] : memref<40x128xi32, #tpu.memory_space<vmem>> -> memref<1x128xi32, #tpu.memory_space<vmem>>
        %dma_start3A_116 = tpu.memref_squeeze %dma_start3A_115 : memref<1x128xi32, #tpu.memory_space<vmem>> -> memref<128xi32, #tpu.memory_space<vmem>>
        %dma_start3A_117 = arith.constant 0 : i32
        %dma_start3A_118 = arith.constant 0 : i32
        %dma_start3A_119 = tpu.memref_slice %arg2[%dma_start3A_117, %dma_start3A_118] : memref<20480x128xf32, #tpu.memory_space<hbm>> -> memref<20480x128xf32, #tpu.memory_space<hbm>>
        tpu.enqueue_indirect_dma source(%dma_start3A_119 : memref<20480x128xf32, #tpu.memory_space<hbm>>) target(%arg13 : memref<128x128xf32, #tpu.memory_space<vmem>>) offsets(%dma_start3A_116 : memref<128xi32, #tpu.memory_space<vmem>>) semaphore(%arg15 : memref<!tpu.dma_semaphore, #tpu.memory_space<semaphore_mem>>)
      } else {
      }
    }
    %scan3A_20 = arith.constant 20 : i32
    "tpu.region"() ({
      %run_scoped3A = tpu.sem_alloc : memref<!tpu.dma_semaphore, #tpu.memory_space<semaphore_mem>>
      %dma_start3A_81 = arith.constant 0 : i32
      %dma_start3A_82 = arith.constant 0 : i32
      %dma_start3A_83 = tpu.memref_slice %arg4[%add3A, %dma_start3A_81, %dma_start3A_82] : memref<32x40x128xi32, #tpu.memory_space<hbm>> -> memref<1x40x128xi32, #tpu.memory_space<hbm>>
      %dma_start3A_84 = tpu.memref_squeeze %dma_start3A_83 : memref<1x40x128xi32, #tpu.memory_space<hbm>> -> memref<40x128xi32, #tpu.memory_space<hbm>>
      %dma_start3A_85 = arith.constant 0 : i32
      %dma_start3A_86 = arith.constant 0 : i32
      %dma_start3A_87 = tpu.memref_slice %arg4[%add3A, %dma_start3A_85, %dma_start3A_86] : memref<32x40x128xi32, #tpu.memory_space<hbm>> -> memref<1x40x128xi32, #tpu.memory_space<hbm>>
      %dma_start3A_88 = tpu.memref_squeeze %dma_start3A_87 : memref<1x40x128xi32, #tpu.memory_space<hbm>> -> memref<40x128xi32, #tpu.memory_space<hbm>>
      tpu.enqueue_dma source(%dma_start3A_88 : memref<40x128xi32, #tpu.memory_space<hbm>>) target(%arg11 : memref<40x128xi32, #tpu.memory_space<vmem>>) target_semaphore(%run_scoped3A : memref<!tpu.dma_semaphore, #tpu.memory_space<semaphore_mem>>)
      %dma_wait3A = arith.constant 0 : i32
      %dma_wait3A_89 = arith.constant 0 : i32
      %dma_wait3A_90 = tpu.memref_slice %arg4[%add3A, %dma_wait3A, %dma_wait3A_89] : memref<32x40x128xi32, #tpu.memory_space<hbm>> -> memref<1x40x128xi32, #tpu.memory_space<hbm>>
      %dma_wait3A_91 = tpu.memref_squeeze %dma_wait3A_90 : memref<1x40x128xi32, #tpu.memory_space<hbm>> -> memref<40x128xi32, #tpu.memory_space<hbm>>
      %dma_wait3A_92 = arith.constant 0 : i32
      %dma_wait3A_93 = arith.constant 0 : i32
      %dma_wait3A_94 = tpu.memref_slice %arg4[%add3A, %dma_wait3A_92, %dma_wait3A_93] : memref<32x40x128xi32, #tpu.memory_space<hbm>> -> memref<1x40x128xi32, #tpu.memory_space<hbm>>
      %dma_wait3A_95 = tpu.memref_squeeze %dma_wait3A_94 : memref<1x40x128xi32, #tpu.memory_space<hbm>> -> memref<40x128xi32, #tpu.memory_space<hbm>>
      tpu.wait_dma2 semaphore(%run_scoped3A : memref<!tpu.dma_semaphore, #tpu.memory_space<semaphore_mem>>) src(%dma_wait3A_95 : memref<40x128xi32, #tpu.memory_space<hbm>>) dst(%arg11 : memref<40x128xi32, #tpu.memory_space<vmem>>)
      tpu.yield
    }) : () -> ()
    %dma_start3A_21 = arith.constant 0 : i32
    %dma_start3A_22 = arith.constant 0 : i32
    %dma_start3A_23 = tpu.memref_slice %arg11[%dma_start3A_21, %dma_start3A_22] : memref<40x128xi32, #tpu.memory_space<vmem>> -> memref<1x128xi32, #tpu.memory_space<vmem>>
    %dma_start3A_24 = tpu.memref_squeeze %dma_start3A_23 : memref<1x128xi32, #tpu.memory_space<vmem>> -> memref<128xi32, #tpu.memory_space<vmem>>
    %dma_start3A_25 = arith.constant 0 : i32
    %dma_start3A_26 = arith.constant 0 : i32
    %dma_start3A_27 = tpu.memref_slice %arg2[%dma_start3A_25, %dma_start3A_26] : memref<20480x128xf32, #tpu.memory_space<hbm>> -> memref<20480x128xf32, #tpu.memory_space<hbm>>
    tpu.enqueue_indirect_dma source(%dma_start3A_27 : memref<20480x128xf32, #tpu.memory_space<hbm>>) target(%arg12 : memref<128x128xf32, #tpu.memory_space<vmem>>) offsets(%dma_start3A_24 : memref<128xi32, #tpu.memory_space<vmem>>) semaphore(%arg14 : memref<!tpu.dma_semaphore, #tpu.memory_space<semaphore_mem>>)
    %dma_start3A_28 = arith.constant 1 : i32
    %dma_start3A_29 = arith.constant 0 : i32
    %dma_start3A_30 = tpu.memref_slice %arg11[%dma_start3A_28, %dma_start3A_29] : memref<40x128xi32, #tpu.memory_space<vmem>> -> memref<1x128xi32, #tpu.memory_space<vmem>>
    %dma_start3A_31 = tpu.memref_squeeze %dma_start3A_30 : memref<1x128xi32, #tpu.memory_space<vmem>> -> memref<128xi32, #tpu.memory_space<vmem>>
    %dma_start3A_32 = arith.constant 0 : i32
    %dma_start3A_33 = arith.constant 0 : i32
    %dma_start3A_34 = tpu.memref_slice %arg2[%dma_start3A_32, %dma_start3A_33] : memref<20480x128xf32, #tpu.memory_space<hbm>> -> memref<20480x128xf32, #tpu.memory_space<hbm>>
    tpu.enqueue_indirect_dma source(%dma_start3A_34 : memref<20480x128xf32, #tpu.memory_space<hbm>>) target(%arg13 : memref<128x128xf32, #tpu.memory_space<vmem>>) offsets(%dma_start3A_31 : memref<128xi32, #tpu.memory_space<vmem>>) semaphore(%arg15 : memref<!tpu.dma_semaphore, #tpu.memory_space<semaphore_mem>>)
    %scan3A_35 = arith.constant 0 : i32
    %scan3A_36 = arith.constant 0 : i32
    %scan3A_37 = arith.constant 20 : i32
    %scan3A_38 = arith.addi %scan3A_36, %scan3A_37 : i32
    %scan3A_39 = arith.constant 1 : i32
    scf.for %scan3A_81 = %scan3A_36 to %scan3A_38 step %scan3A_39  : i32 {
      %mul3A_82 = arith.constant 2 : i32
      %mul3A_83 = arith.muli %mul3A_82, %scan3A_81 : i32
      %dma_wait3A = arith.constant 0 : i32
      %dma_wait3A_84 = tpu.memref_slice %arg11[%mul3A_83, %dma_wait3A] : memref<40x128xi32, #tpu.memory_space<vmem>> -> memref<1x128xi32, #tpu.memory_space<vmem>>
      %dma_wait3A_85 = tpu.memref_squeeze %dma_wait3A_84 : memref<1x128xi32, #tpu.memory_space<vmem>> -> memref<128xi32, #tpu.memory_space<vmem>>
      %dma_wait3A_86 = arith.constant 0 : i32
      %dma_wait3A_87 = arith.constant 0 : i32
      %dma_wait3A_88 = tpu.memref_slice %arg2[%dma_wait3A_86, %dma_wait3A_87] : memref<20480x128xf32, #tpu.memory_space<hbm>> -> memref<20480x128xf32, #tpu.memory_space<hbm>>
      tpu.wait_indirect_dma semaphore(%arg14 : memref<!tpu.dma_semaphore, #tpu.memory_space<semaphore_mem>>) src(%dma_wait3A_88 : memref<20480x128xf32, #tpu.memory_space<hbm>>) dst(%arg12 : memref<128x128xf32, #tpu.memory_space<vmem>>)
      %mul3A_89 = arith.constant 128 : i32
      %mul3A_90 = arith.muli %mul3A_83, %mul3A_89 : i32
      %add3A_91 = arith.addi %mul3A_2, %mul3A_90 : i32
      "tpu.region"() ({
        %run_scoped3A = tpu.sem_alloc : memref<!tpu.dma_semaphore, #tpu.memory_space<semaphore_mem>>
        %dma_start3A_112 = arith.constant 0 : i32
        %dma_start3A_113 = tpu.memref_slice %arg8[%add3A_91, %dma_start3A_112] : memref<163840x128xf32, #tpu.memory_space<hbm>> -> memref<128x128xf32, #tpu.memory_space<hbm>>
        %dma_start3A_114 = arith.constant 0 : i32
        %dma_start3A_115 = tpu.memref_slice %arg8[%add3A_91, %dma_start3A_114] : memref<163840x128xf32, #tpu.memory_space<hbm>> -> memref<128x128xf32, #tpu.memory_space<hbm>>
        tpu.enqueue_dma source(%arg12 : memref<128x128xf32, #tpu.memory_space<vmem>>) target(%dma_start3A_115 : memref<128x128xf32, #tpu.memory_space<hbm>>) target_semaphore(%run_scoped3A : memref<!tpu.dma_semaphore, #tpu.memory_space<semaphore_mem>>)
        %dma_wait3A_116 = arith.constant 0 : i32
        %dma_wait3A_117 = tpu.memref_slice %arg8[%add3A_91, %dma_wait3A_116] : memref<163840x128xf32, #tpu.memory_space<hbm>> -> memref<128x128xf32, #tpu.memory_space<hbm>>
        %dma_wait3A_118 = arith.constant 0 : i32
        %dma_wait3A_119 = tpu.memref_slice %arg8[%add3A_91, %dma_wait3A_118] : memref<163840x128xf32, #tpu.memory_space<hbm>> -> memref<128x128xf32, #tpu.memory_space<hbm>>
        tpu.wait_dma2 semaphore(%run_scoped3A : memref<!tpu.dma_semaphore, #tpu.memory_space<semaphore_mem>>) src(%arg12 : memref<128x128xf32, #tpu.memory_space<vmem>>) dst(%dma_wait3A_119 : memref<128x128xf32, #tpu.memory_space<hbm>>)
        tpu.yield
      }) : () -> ()
      %lt3A = arith.constant 19 : i32
      %lt3A_92 = arith.cmpi slt, %scan3A_81, %lt3A : i32
      %convert_element_type3A = arith.extui %lt3A_92 : i1 to i32
      %cond3A = arith.constant 0 : i32
      %cond3A_93 = arith.cmpi ne, %convert_element_type3A, %cond3A : i32
      scf.if %cond3A_93 {
        %add3A_112 = arith.constant 2 : i32
        %add3A_113 = arith.addi %mul3A_83, %add3A_112 : i32
        %dma_start3A_114 = arith.constant 0 : i32
        %dma_start3A_115 = tpu.memref_slice %arg11[%add3A_113, %dma_start3A_114] : memref<40x128xi32, #tpu.memory_space<vmem>> -> memref<1x128xi32, #tpu.memory_space<vmem>>
        %dma_start3A_116 = tpu.memref_squeeze %dma_start3A_115 : memref<1x128xi32, #tpu.memory_space<vmem>> -> memref<128xi32, #tpu.memory_space<vmem>>
        %dma_start3A_117 = arith.constant 0 : i32
        %dma_start3A_118 = arith.constant 0 : i32
        %dma_start3A_119 = tpu.memref_slice %arg2[%dma_start3A_117, %dma_start3A_118] : memref<20480x128xf32, #tpu.memory_space<hbm>> -> memref<20480x128xf32, #tpu.memory_space<hbm>>
        tpu.enqueue_indirect_dma source(%dma_start3A_119 : memref<20480x128xf32, #tpu.memory_space<hbm>>) target(%arg12 : memref<128x128xf32, #tpu.memory_space<vmem>>) offsets(%dma_start3A_116 : memref<128xi32, #tpu.memory_space<vmem>>) semaphore(%arg14 : memref<!tpu.dma_semaphore, #tpu.memory_space<semaphore_mem>>)
      } else {
      }
      %add3A_94 = arith.constant 1 : i32
      %add3A_95 = arith.addi %mul3A_83, %add3A_94 : i32
      %dma_wait3A_96 = arith.constant 0 : i32
      %dma_wait3A_97 = tpu.memref_slice %arg11[%add3A_95, %dma_wait3A_96] : memref<40x128xi32, #tpu.memory_space<vmem>> -> memref<1x128xi32, #tpu.memory_space<vmem>>
      %dma_wait3A_98 = tpu.memref_squeeze %dma_wait3A_97 : memref<1x128xi32, #tpu.memory_space<vmem>> -> memref<128xi32, #tpu.memory_space<vmem>>
      %dma_wait3A_99 = arith.constant 0 : i32
      %dma_wait3A_100 = arith.constant 0 : i32
      %dma_wait3A_101 = tpu.memref_slice %arg2[%dma_wait3A_99, %dma_wait3A_100] : memref<20480x128xf32, #tpu.memory_space<hbm>> -> memref<20480x128xf32, #tpu.memory_space<hbm>>
      tpu.wait_indirect_dma semaphore(%arg15 : memref<!tpu.dma_semaphore, #tpu.memory_space<semaphore_mem>>) src(%dma_wait3A_101 : memref<20480x128xf32, #tpu.memory_space<hbm>>) dst(%arg13 : memref<128x128xf32, #tpu.memory_space<vmem>>)
      %add3A_102 = arith.constant 1 : i32
      %add3A_103 = arith.addi %mul3A_83, %add3A_102 : i32
      %mul3A_104 = arith.constant 128 : i32
      %mul3A_105 = arith.muli %add3A_103, %mul3A_104 : i32
      %add3A_106 = arith.addi %mul3A_2, %mul3A_105 : i32
      "tpu.region"() ({
        %run_scoped3A = tpu.sem_alloc : memref<!tpu.dma_semaphore, #tpu.memory_space<semaphore_mem>>
        %dma_start3A_112 = arith.constant 0 : i32
        %dma_start3A_113 = tpu.memref_slice %arg8[%add3A_106, %dma_start3A_112] : memref<163840x128xf32, #tpu.memory_space<hbm>> -> memref<128x128xf32, #tpu.memory_space<hbm>>
        %dma_start3A_114 = arith.constant 0 : i32
        %dma_start3A_115 = tpu.memref_slice %arg8[%add3A_106, %dma_start3A_114] : memref<163840x128xf32, #tpu.memory_space<hbm>> -> memref<128x128xf32, #tpu.memory_space<hbm>>
        tpu.enqueue_dma source(%arg13 : memref<128x128xf32, #tpu.memory_space<vmem>>) target(%dma_start3A_115 : memref<128x128xf32, #tpu.memory_space<hbm>>) target_semaphore(%run_scoped3A : memref<!tpu.dma_semaphore, #tpu.memory_space<semaphore_mem>>)
        %dma_wait3A_116 = arith.constant 0 : i32
        %dma_wait3A_117 = tpu.memref_slice %arg8[%add3A_106, %dma_wait3A_116] : memref<163840x128xf32, #tpu.memory_space<hbm>> -> memref<128x128xf32, #tpu.memory_space<hbm>>
        %dma_wait3A_118 = arith.constant 0 : i32
        %dma_wait3A_119 = tpu.memref_slice %arg8[%add3A_106, %dma_wait3A_118] : memref<163840x128xf32, #tpu.memory_space<hbm>> -> memref<128x128xf32, #tpu.memory_space<hbm>>
        tpu.wait_dma2 semaphore(%run_scoped3A : memref<!tpu.dma_semaphore, #tpu.memory_space<semaphore_mem>>) src(%arg13 : memref<128x128xf32, #tpu.memory_space<vmem>>) dst(%dma_wait3A_119 : memref<128x128xf32, #tpu.memory_space<hbm>>)
        tpu.yield
      }) : () -> ()
      %lt3A_107 = arith.constant 19 : i32
      %lt3A_108 = arith.cmpi slt, %scan3A_81, %lt3A_107 : i32
      %convert_element_type3A_109 = arith.extui %lt3A_108 : i1 to i32
      %cond3A_110 = arith.constant 0 : i32
      %cond3A_111 = arith.cmpi ne, %convert_element_type3A_109, %cond3A_110 : i32
      scf.if %cond3A_111 {
        %add3A_112 = arith.constant 3 : i32
        %add3A_113 = arith.addi %mul3A_83, %add3A_112 : i32
        %dma_start3A_114 = arith.constant 0 : i32
        %dma_start3A_115 = tpu.memref_slice %arg11[%add3A_113, %dma_start3A_114] : memref<40x128xi32, #tpu.memory_space<vmem>> -> memref<1x128xi32, #tpu.memory_space<vmem>>
        %dma_start3A_116 = tpu.memref_squeeze %dma_start3A_115 : memref<1x128xi32, #tpu.memory_space<vmem>> -> memref<128xi32, #tpu.memory_space<vmem>>
        %dma_start3A_117 = arith.constant 0 : i32
        %dma_start3A_118 = arith.constant 0 : i32
        %dma_start3A_119 = tpu.memref_slice %arg2[%dma_start3A_117, %dma_start3A_118] : memref<20480x128xf32, #tpu.memory_space<hbm>> -> memref<20480x128xf32, #tpu.memory_space<hbm>>
        tpu.enqueue_indirect_dma source(%dma_start3A_119 : memref<20480x128xf32, #tpu.memory_space<hbm>>) target(%arg13 : memref<128x128xf32, #tpu.memory_space<vmem>>) offsets(%dma_start3A_116 : memref<128xi32, #tpu.memory_space<vmem>>) semaphore(%arg15 : memref<!tpu.dma_semaphore, #tpu.memory_space<semaphore_mem>>)
      } else {
      }
    }
    %scan3A_40 = arith.constant 20 : i32
    "tpu.region"() ({
      %run_scoped3A = tpu.sem_alloc : memref<!tpu.dma_semaphore, #tpu.memory_space<semaphore_mem>>
      %dma_start3A_81 = arith.constant 0 : i32
      %dma_start3A_82 = arith.constant 0 : i32
      %dma_start3A_83 = tpu.memref_slice %arg5[%add3A, %dma_start3A_81, %dma_start3A_82] : memref<32x40x128xi32, #tpu.memory_space<hbm>> -> memref<1x40x128xi32, #tpu.memory_space<hbm>>
      %dma_start3A_84 = tpu.memref_squeeze %dma_start3A_83 : memref<1x40x128xi32, #tpu.memory_space<hbm>> -> memref<40x128xi32, #tpu.memory_space<hbm>>
      %dma_start3A_85 = arith.constant 0 : i32
      %dma_start3A_86 = arith.constant 0 : i32
      %dma_start3A_87 = tpu.memref_slice %arg5[%add3A, %dma_start3A_85, %dma_start3A_86] : memref<32x40x128xi32, #tpu.memory_space<hbm>> -> memref<1x40x128xi32, #tpu.memory_space<hbm>>
      %dma_start3A_88 = tpu.memref_squeeze %dma_start3A_87 : memref<1x40x128xi32, #tpu.memory_space<hbm>> -> memref<40x128xi32, #tpu.memory_space<hbm>>
      tpu.enqueue_dma source(%dma_start3A_88 : memref<40x128xi32, #tpu.memory_space<hbm>>) target(%arg11 : memref<40x128xi32, #tpu.memory_space<vmem>>) target_semaphore(%run_scoped3A : memref<!tpu.dma_semaphore, #tpu.memory_space<semaphore_mem>>)
      %dma_wait3A = arith.constant 0 : i32
      %dma_wait3A_89 = arith.constant 0 : i32
      %dma_wait3A_90 = tpu.memref_slice %arg5[%add3A, %dma_wait3A, %dma_wait3A_89] : memref<32x40x128xi32, #tpu.memory_space<hbm>> -> memref<1x40x128xi32, #tpu.memory_space<hbm>>
      %dma_wait3A_91 = tpu.memref_squeeze %dma_wait3A_90 : memref<1x40x128xi32, #tpu.memory_space<hbm>> -> memref<40x128xi32, #tpu.memory_space<hbm>>
      %dma_wait3A_92 = arith.constant 0 : i32
      %dma_wait3A_93 = arith.constant 0 : i32
      %dma_wait3A_94 = tpu.memref_slice %arg5[%add3A, %dma_wait3A_92, %dma_wait3A_93] : memref<32x40x128xi32, #tpu.memory_space<hbm>> -> memref<1x40x128xi32, #tpu.memory_space<hbm>>
      %dma_wait3A_95 = tpu.memref_squeeze %dma_wait3A_94 : memref<1x40x128xi32, #tpu.memory_space<hbm>> -> memref<40x128xi32, #tpu.memory_space<hbm>>
      tpu.wait_dma2 semaphore(%run_scoped3A : memref<!tpu.dma_semaphore, #tpu.memory_space<semaphore_mem>>) src(%dma_wait3A_95 : memref<40x128xi32, #tpu.memory_space<hbm>>) dst(%arg11 : memref<40x128xi32, #tpu.memory_space<vmem>>)
      tpu.yield
    }) : () -> ()
    %dma_start3A_41 = arith.constant 0 : i32
    %dma_start3A_42 = arith.constant 0 : i32
    %dma_start3A_43 = tpu.memref_slice %arg11[%dma_start3A_41, %dma_start3A_42] : memref<40x128xi32, #tpu.memory_space<vmem>> -> memref<1x128xi32, #tpu.memory_space<vmem>>
    %dma_start3A_44 = tpu.memref_squeeze %dma_start3A_43 : memref<1x128xi32, #tpu.memory_space<vmem>> -> memref<128xi32, #tpu.memory_space<vmem>>
    %dma_start3A_45 = arith.constant 0 : i32
    %dma_start3A_46 = arith.constant 0 : i32
    %dma_start3A_47 = tpu.memref_slice %arg2[%dma_start3A_45, %dma_start3A_46] : memref<20480x128xf32, #tpu.memory_space<hbm>> -> memref<20480x128xf32, #tpu.memory_space<hbm>>
    tpu.enqueue_indirect_dma source(%dma_start3A_47 : memref<20480x128xf32, #tpu.memory_space<hbm>>) target(%arg12 : memref<128x128xf32, #tpu.memory_space<vmem>>) offsets(%dma_start3A_44 : memref<128xi32, #tpu.memory_space<vmem>>) semaphore(%arg14 : memref<!tpu.dma_semaphore, #tpu.memory_space<semaphore_mem>>)
    %dma_start3A_48 = arith.constant 1 : i32
    %dma_start3A_49 = arith.constant 0 : i32
    %dma_start3A_50 = tpu.memref_slice %arg11[%dma_start3A_48, %dma_start3A_49] : memref<40x128xi32, #tpu.memory_space<vmem>> -> memref<1x128xi32, #tpu.memory_space<vmem>>
    %dma_start3A_51 = tpu.memref_squeeze %dma_start3A_50 : memref<1x128xi32, #tpu.memory_space<vmem>> -> memref<128xi32, #tpu.memory_space<vmem>>
    %dma_start3A_52 = arith.constant 0 : i32
    %dma_start3A_53 = arith.constant 0 : i32
    %dma_start3A_54 = tpu.memref_slice %arg2[%dma_start3A_52, %dma_start3A_53] : memref<20480x128xf32, #tpu.memory_space<hbm>> -> memref<20480x128xf32, #tpu.memory_space<hbm>>
    tpu.enqueue_indirect_dma source(%dma_start3A_54 : memref<20480x128xf32, #tpu.memory_space<hbm>>) target(%arg13 : memref<128x128xf32, #tpu.memory_space<vmem>>) offsets(%dma_start3A_51 : memref<128xi32, #tpu.memory_space<vmem>>) semaphore(%arg15 : memref<!tpu.dma_semaphore, #tpu.memory_space<semaphore_mem>>)
    %scan3A_55 = arith.constant 0 : i32
    %scan3A_56 = arith.constant 0 : i32
    %scan3A_57 = arith.constant 20 : i32
    %scan3A_58 = arith.addi %scan3A_56, %scan3A_57 : i32
    %scan3A_59 = arith.constant 1 : i32
    scf.for %scan3A_81 = %scan3A_56 to %scan3A_58 step %scan3A_59  : i32 {
      %mul3A_82 = arith.constant 2 : i32
      %mul3A_83 = arith.muli %mul3A_82, %scan3A_81 : i32
      %dma_wait3A = arith.constant 0 : i32
      %dma_wait3A_84 = tpu.memref_slice %arg11[%mul3A_83, %dma_wait3A] : memref<40x128xi32, #tpu.memory_space<vmem>> -> memref<1x128xi32, #tpu.memory_space<vmem>>
      %dma_wait3A_85 = tpu.memref_squeeze %dma_wait3A_84 : memref<1x128xi32, #tpu.memory_space<vmem>> -> memref<128xi32, #tpu.memory_space<vmem>>
      %dma_wait3A_86 = arith.constant 0 : i32
      %dma_wait3A_87 = arith.constant 0 : i32
      %dma_wait3A_88 = tpu.memref_slice %arg2[%dma_wait3A_86, %dma_wait3A_87] : memref<20480x128xf32, #tpu.memory_space<hbm>> -> memref<20480x128xf32, #tpu.memory_space<hbm>>
      tpu.wait_indirect_dma semaphore(%arg14 : memref<!tpu.dma_semaphore, #tpu.memory_space<semaphore_mem>>) src(%dma_wait3A_88 : memref<20480x128xf32, #tpu.memory_space<hbm>>) dst(%arg12 : memref<128x128xf32, #tpu.memory_space<vmem>>)
      %mul3A_89 = arith.constant 128 : i32
      %mul3A_90 = arith.muli %mul3A_83, %mul3A_89 : i32
      %add3A_91 = arith.addi %mul3A_2, %mul3A_90 : i32
      "tpu.region"() ({
        %run_scoped3A = tpu.sem_alloc : memref<!tpu.dma_semaphore, #tpu.memory_space<semaphore_mem>>
        %dma_start3A_112 = arith.constant 0 : i32
        %dma_start3A_113 = tpu.memref_slice %arg9[%add3A_91, %dma_start3A_112] : memref<163840x128xf32, #tpu.memory_space<hbm>> -> memref<128x128xf32, #tpu.memory_space<hbm>>
        %dma_start3A_114 = arith.constant 0 : i32
        %dma_start3A_115 = tpu.memref_slice %arg9[%add3A_91, %dma_start3A_114] : memref<163840x128xf32, #tpu.memory_space<hbm>> -> memref<128x128xf32, #tpu.memory_space<hbm>>
        tpu.enqueue_dma source(%arg12 : memref<128x128xf32, #tpu.memory_space<vmem>>) target(%dma_start3A_115 : memref<128x128xf32, #tpu.memory_space<hbm>>) target_semaphore(%run_scoped3A : memref<!tpu.dma_semaphore, #tpu.memory_space<semaphore_mem>>)
        %dma_wait3A_116 = arith.constant 0 : i32
        %dma_wait3A_117 = tpu.memref_slice %arg9[%add3A_91, %dma_wait3A_116] : memref<163840x128xf32, #tpu.memory_space<hbm>> -> memref<128x128xf32, #tpu.memory_space<hbm>>
        %dma_wait3A_118 = arith.constant 0 : i32
        %dma_wait3A_119 = tpu.memref_slice %arg9[%add3A_91, %dma_wait3A_118] : memref<163840x128xf32, #tpu.memory_space<hbm>> -> memref<128x128xf32, #tpu.memory_space<hbm>>
        tpu.wait_dma2 semaphore(%run_scoped3A : memref<!tpu.dma_semaphore, #tpu.memory_space<semaphore_mem>>) src(%arg12 : memref<128x128xf32, #tpu.memory_space<vmem>>) dst(%dma_wait3A_119 : memref<128x128xf32, #tpu.memory_space<hbm>>)
        tpu.yield
      }) : () -> ()
      %lt3A = arith.constant 19 : i32
      %lt3A_92 = arith.cmpi slt, %scan3A_81, %lt3A : i32
      %convert_element_type3A = arith.extui %lt3A_92 : i1 to i32
      %cond3A = arith.constant 0 : i32
      %cond3A_93 = arith.cmpi ne, %convert_element_type3A, %cond3A : i32
      scf.if %cond3A_93 {
        %add3A_112 = arith.constant 2 : i32
        %add3A_113 = arith.addi %mul3A_83, %add3A_112 : i32
        %dma_start3A_114 = arith.constant 0 : i32
        %dma_start3A_115 = tpu.memref_slice %arg11[%add3A_113, %dma_start3A_114] : memref<40x128xi32, #tpu.memory_space<vmem>> -> memref<1x128xi32, #tpu.memory_space<vmem>>
        %dma_start3A_116 = tpu.memref_squeeze %dma_start3A_115 : memref<1x128xi32, #tpu.memory_space<vmem>> -> memref<128xi32, #tpu.memory_space<vmem>>
        %dma_start3A_117 = arith.constant 0 : i32
        %dma_start3A_118 = arith.constant 0 : i32
        %dma_start3A_119 = tpu.memref_slice %arg2[%dma_start3A_117, %dma_start3A_118] : memref<20480x128xf32, #tpu.memory_space<hbm>> -> memref<20480x128xf32, #tpu.memory_space<hbm>>
        tpu.enqueue_indirect_dma source(%dma_start3A_119 : memref<20480x128xf32, #tpu.memory_space<hbm>>) target(%arg12 : memref<128x128xf32, #tpu.memory_space<vmem>>) offsets(%dma_start3A_116 : memref<128xi32, #tpu.memory_space<vmem>>) semaphore(%arg14 : memref<!tpu.dma_semaphore, #tpu.memory_space<semaphore_mem>>)
      } else {
      }
      %add3A_94 = arith.constant 1 : i32
      %add3A_95 = arith.addi %mul3A_83, %add3A_94 : i32
      %dma_wait3A_96 = arith.constant 0 : i32
      %dma_wait3A_97 = tpu.memref_slice %arg11[%add3A_95, %dma_wait3A_96] : memref<40x128xi32, #tpu.memory_space<vmem>> -> memref<1x128xi32, #tpu.memory_space<vmem>>
      %dma_wait3A_98 = tpu.memref_squeeze %dma_wait3A_97 : memref<1x128xi32, #tpu.memory_space<vmem>> -> memref<128xi32, #tpu.memory_space<vmem>>
      %dma_wait3A_99 = arith.constant 0 : i32
      %dma_wait3A_100 = arith.constant 0 : i32
      %dma_wait3A_101 = tpu.memref_slice %arg2[%dma_wait3A_99, %dma_wait3A_100] : memref<20480x128xf32, #tpu.memory_space<hbm>> -> memref<20480x128xf32, #tpu.memory_space<hbm>>
      tpu.wait_indirect_dma semaphore(%arg15 : memref<!tpu.dma_semaphore, #tpu.memory_space<semaphore_mem>>) src(%dma_wait3A_101 : memref<20480x128xf32, #tpu.memory_space<hbm>>) dst(%arg13 : memref<128x128xf32, #tpu.memory_space<vmem>>)
      %add3A_102 = arith.constant 1 : i32
      %add3A_103 = arith.addi %mul3A_83, %add3A_102 : i32
      %mul3A_104 = arith.constant 128 : i32
      %mul3A_105 = arith.muli %add3A_103, %mul3A_104 : i32
      %add3A_106 = arith.addi %mul3A_2, %mul3A_105 : i32
      "tpu.region"() ({
        %run_scoped3A = tpu.sem_alloc : memref<!tpu.dma_semaphore, #tpu.memory_space<semaphore_mem>>
        %dma_start3A_112 = arith.constant 0 : i32
        %dma_start3A_113 = tpu.memref_slice %arg9[%add3A_106, %dma_start3A_112] : memref<163840x128xf32, #tpu.memory_space<hbm>> -> memref<128x128xf32, #tpu.memory_space<hbm>>
        %dma_start3A_114 = arith.constant 0 : i32
        %dma_start3A_115 = tpu.memref_slice %arg9[%add3A_106, %dma_start3A_114] : memref<163840x128xf32, #tpu.memory_space<hbm>> -> memref<128x128xf32, #tpu.memory_space<hbm>>
        tpu.enqueue_dma source(%arg13 : memref<128x128xf32, #tpu.memory_space<vmem>>) target(%dma_start3A_115 : memref<128x128xf32, #tpu.memory_space<hbm>>) target_semaphore(%run_scoped3A : memref<!tpu.dma_semaphore, #tpu.memory_space<semaphore_mem>>)
        %dma_wait3A_116 = arith.constant 0 : i32
        %dma_wait3A_117 = tpu.memref_slice %arg9[%add3A_106, %dma_wait3A_116] : memref<163840x128xf32, #tpu.memory_space<hbm>> -> memref<128x128xf32, #tpu.memory_space<hbm>>
        %dma_wait3A_118 = arith.constant 0 : i32
        %dma_wait3A_119 = tpu.memref_slice %arg9[%add3A_106, %dma_wait3A_118] : memref<163840x128xf32, #tpu.memory_space<hbm>> -> memref<128x128xf32, #tpu.memory_space<hbm>>
        tpu.wait_dma2 semaphore(%run_scoped3A : memref<!tpu.dma_semaphore, #tpu.memory_space<semaphore_mem>>) src(%arg13 : memref<128x128xf32, #tpu.memory_space<vmem>>) dst(%dma_wait3A_119 : memref<128x128xf32, #tpu.memory_space<hbm>>)
        tpu.yield
      }) : () -> ()
      %lt3A_107 = arith.constant 19 : i32
      %lt3A_108 = arith.cmpi slt, %scan3A_81, %lt3A_107 : i32
      %convert_element_type3A_109 = arith.extui %lt3A_108 : i1 to i32
      %cond3A_110 = arith.constant 0 : i32
      %cond3A_111 = arith.cmpi ne, %convert_element_type3A_109, %cond3A_110 : i32
      scf.if %cond3A_111 {
        %add3A_112 = arith.constant 3 : i32
        %add3A_113 = arith.addi %mul3A_83, %add3A_112 : i32
        %dma_start3A_114 = arith.constant 0 : i32
        %dma_start3A_115 = tpu.memref_slice %arg11[%add3A_113, %dma_start3A_114] : memref<40x128xi32, #tpu.memory_space<vmem>> -> memref<1x128xi32, #tpu.memory_space<vmem>>
        %dma_start3A_116 = tpu.memref_squeeze %dma_start3A_115 : memref<1x128xi32, #tpu.memory_space<vmem>> -> memref<128xi32, #tpu.memory_space<vmem>>
        %dma_start3A_117 = arith.constant 0 : i32
        %dma_start3A_118 = arith.constant 0 : i32
        %dma_start3A_119 = tpu.memref_slice %arg2[%dma_start3A_117, %dma_start3A_118] : memref<20480x128xf32, #tpu.memory_space<hbm>> -> memref<20480x128xf32, #tpu.memory_space<hbm>>
        tpu.enqueue_indirect_dma source(%dma_start3A_119 : memref<20480x128xf32, #tpu.memory_space<hbm>>) target(%arg13 : memref<128x128xf32, #tpu.memory_space<vmem>>) offsets(%dma_start3A_116 : memref<128xi32, #tpu.memory_space<vmem>>) semaphore(%arg15 : memref<!tpu.dma_semaphore, #tpu.memory_space<semaphore_mem>>)
      } else {
      }
    }
    %scan3A_60 = arith.constant 20 : i32
    "tpu.region"() ({
      %run_scoped3A = tpu.sem_alloc : memref<!tpu.dma_semaphore, #tpu.memory_space<semaphore_mem>>
      %dma_start3A_81 = arith.constant 0 : i32
      %dma_start3A_82 = arith.constant 0 : i32
      %dma_start3A_83 = tpu.memref_slice %arg6[%add3A, %dma_start3A_81, %dma_start3A_82] : memref<32x40x128xi32, #tpu.memory_space<hbm>> -> memref<1x40x128xi32, #tpu.memory_space<hbm>>
      %dma_start3A_84 = tpu.memref_squeeze %dma_start3A_83 : memref<1x40x128xi32, #tpu.memory_space<hbm>> -> memref<40x128xi32, #tpu.memory_space<hbm>>
      %dma_start3A_85 = arith.constant 0 : i32
      %dma_start3A_86 = arith.constant 0 : i32
      %dma_start3A_87 = tpu.memref_slice %arg6[%add3A, %dma_start3A_85, %dma_start3A_86] : memref<32x40x128xi32, #tpu.memory_space<hbm>> -> memref<1x40x128xi32, #tpu.memory_space<hbm>>
      %dma_start3A_88 = tpu.memref_squeeze %dma_start3A_87 : memref<1x40x128xi32, #tpu.memory_space<hbm>> -> memref<40x128xi32, #tpu.memory_space<hbm>>
      tpu.enqueue_dma source(%dma_start3A_88 : memref<40x128xi32, #tpu.memory_space<hbm>>) target(%arg11 : memref<40x128xi32, #tpu.memory_space<vmem>>) target_semaphore(%run_scoped3A : memref<!tpu.dma_semaphore, #tpu.memory_space<semaphore_mem>>)
      %dma_wait3A = arith.constant 0 : i32
      %dma_wait3A_89 = arith.constant 0 : i32
      %dma_wait3A_90 = tpu.memref_slice %arg6[%add3A, %dma_wait3A, %dma_wait3A_89] : memref<32x40x128xi32, #tpu.memory_space<hbm>> -> memref<1x40x128xi32, #tpu.memory_space<hbm>>
      %dma_wait3A_91 = tpu.memref_squeeze %dma_wait3A_90 : memref<1x40x128xi32, #tpu.memory_space<hbm>> -> memref<40x128xi32, #tpu.memory_space<hbm>>
      %dma_wait3A_92 = arith.constant 0 : i32
      %dma_wait3A_93 = arith.constant 0 : i32
      %dma_wait3A_94 = tpu.memref_slice %arg6[%add3A, %dma_wait3A_92, %dma_wait3A_93] : memref<32x40x128xi32, #tpu.memory_space<hbm>> -> memref<1x40x128xi32, #tpu.memory_space<hbm>>
      %dma_wait3A_95 = tpu.memref_squeeze %dma_wait3A_94 : memref<1x40x128xi32, #tpu.memory_space<hbm>> -> memref<40x128xi32, #tpu.memory_space<hbm>>
      tpu.wait_dma2 semaphore(%run_scoped3A : memref<!tpu.dma_semaphore, #tpu.memory_space<semaphore_mem>>) src(%dma_wait3A_95 : memref<40x128xi32, #tpu.memory_space<hbm>>) dst(%arg11 : memref<40x128xi32, #tpu.memory_space<vmem>>)
      tpu.yield
    }) : () -> ()
    %dma_start3A_61 = arith.constant 0 : i32
    %dma_start3A_62 = arith.constant 0 : i32
    %dma_start3A_63 = tpu.memref_slice %arg11[%dma_start3A_61, %dma_start3A_62] : memref<40x128xi32, #tpu.memory_space<vmem>> -> memref<1x128xi32, #tpu.memory_space<vmem>>
    %dma_start3A_64 = tpu.memref_squeeze %dma_start3A_63 : memref<1x128xi32, #tpu.memory_space<vmem>> -> memref<128xi32, #tpu.memory_space<vmem>>
    %dma_start3A_65 = arith.constant 0 : i32
    %dma_start3A_66 = arith.constant 0 : i32
    %dma_start3A_67 = tpu.memref_slice %arg2[%dma_start3A_65, %dma_start3A_66] : memref<20480x128xf32, #tpu.memory_space<hbm>> -> memref<20480x128xf32, #tpu.memory_space<hbm>>
    tpu.enqueue_indirect_dma source(%dma_start3A_67 : memref<20480x128xf32, #tpu.memory_space<hbm>>) target(%arg12 : memref<128x128xf32, #tpu.memory_space<vmem>>) offsets(%dma_start3A_64 : memref<128xi32, #tpu.memory_space<vmem>>) semaphore(%arg14 : memref<!tpu.dma_semaphore, #tpu.memory_space<semaphore_mem>>)
    %dma_start3A_68 = arith.constant 1 : i32
    %dma_start3A_69 = arith.constant 0 : i32
    %dma_start3A_70 = tpu.memref_slice %arg11[%dma_start3A_68, %dma_start3A_69] : memref<40x128xi32, #tpu.memory_space<vmem>> -> memref<1x128xi32, #tpu.memory_space<vmem>>
    %dma_start3A_71 = tpu.memref_squeeze %dma_start3A_70 : memref<1x128xi32, #tpu.memory_space<vmem>> -> memref<128xi32, #tpu.memory_space<vmem>>
    %dma_start3A_72 = arith.constant 0 : i32
    %dma_start3A_73 = arith.constant 0 : i32
    %dma_start3A_74 = tpu.memref_slice %arg2[%dma_start3A_72, %dma_start3A_73] : memref<20480x128xf32, #tpu.memory_space<hbm>> -> memref<20480x128xf32, #tpu.memory_space<hbm>>
    tpu.enqueue_indirect_dma source(%dma_start3A_74 : memref<20480x128xf32, #tpu.memory_space<hbm>>) target(%arg13 : memref<128x128xf32, #tpu.memory_space<vmem>>) offsets(%dma_start3A_71 : memref<128xi32, #tpu.memory_space<vmem>>) semaphore(%arg15 : memref<!tpu.dma_semaphore, #tpu.memory_space<semaphore_mem>>)
    %scan3A_75 = arith.constant 0 : i32
    %scan3A_76 = arith.constant 0 : i32
    %scan3A_77 = arith.constant 20 : i32
    %scan3A_78 = arith.addi %scan3A_76, %scan3A_77 : i32
    %scan3A_79 = arith.constant 1 : i32
    scf.for %scan3A_81 = %scan3A_76 to %scan3A_78 step %scan3A_79  : i32 {
      %mul3A_82 = arith.constant 2 : i32
      %mul3A_83 = arith.muli %mul3A_82, %scan3A_81 : i32
      %dma_wait3A = arith.constant 0 : i32
      %dma_wait3A_84 = tpu.memref_slice %arg11[%mul3A_83, %dma_wait3A] : memref<40x128xi32, #tpu.memory_space<vmem>> -> memref<1x128xi32, #tpu.memory_space<vmem>>
      %dma_wait3A_85 = tpu.memref_squeeze %dma_wait3A_84 : memref<1x128xi32, #tpu.memory_space<vmem>> -> memref<128xi32, #tpu.memory_space<vmem>>
      %dma_wait3A_86 = arith.constant 0 : i32
      %dma_wait3A_87 = arith.constant 0 : i32
      %dma_wait3A_88 = tpu.memref_slice %arg2[%dma_wait3A_86, %dma_wait3A_87] : memref<20480x128xf32, #tpu.memory_space<hbm>> -> memref<20480x128xf32, #tpu.memory_space<hbm>>
      tpu.wait_indirect_dma semaphore(%arg14 : memref<!tpu.dma_semaphore, #tpu.memory_space<semaphore_mem>>) src(%dma_wait3A_88 : memref<20480x128xf32, #tpu.memory_space<hbm>>) dst(%arg12 : memref<128x128xf32, #tpu.memory_space<vmem>>)
      %mul3A_89 = arith.constant 128 : i32
      %mul3A_90 = arith.muli %mul3A_83, %mul3A_89 : i32
      %add3A_91 = arith.addi %mul3A_2, %mul3A_90 : i32
      "tpu.region"() ({
        %run_scoped3A = tpu.sem_alloc : memref<!tpu.dma_semaphore, #tpu.memory_space<semaphore_mem>>
        %dma_start3A_112 = arith.constant 0 : i32
        %dma_start3A_113 = tpu.memref_slice %arg10[%add3A_91, %dma_start3A_112] : memref<163840x128xf32, #tpu.memory_space<hbm>> -> memref<128x128xf32, #tpu.memory_space<hbm>>
        %dma_start3A_114 = arith.constant 0 : i32
        %dma_start3A_115 = tpu.memref_slice %arg10[%add3A_91, %dma_start3A_114] : memref<163840x128xf32, #tpu.memory_space<hbm>> -> memref<128x128xf32, #tpu.memory_space<hbm>>
        tpu.enqueue_dma source(%arg12 : memref<128x128xf32, #tpu.memory_space<vmem>>) target(%dma_start3A_115 : memref<128x128xf32, #tpu.memory_space<hbm>>) target_semaphore(%run_scoped3A : memref<!tpu.dma_semaphore, #tpu.memory_space<semaphore_mem>>)
        %dma_wait3A_116 = arith.constant 0 : i32
        %dma_wait3A_117 = tpu.memref_slice %arg10[%add3A_91, %dma_wait3A_116] : memref<163840x128xf32, #tpu.memory_space<hbm>> -> memref<128x128xf32, #tpu.memory_space<hbm>>
        %dma_wait3A_118 = arith.constant 0 : i32
        %dma_wait3A_119 = tpu.memref_slice %arg10[%add3A_91, %dma_wait3A_118] : memref<163840x128xf32, #tpu.memory_space<hbm>> -> memref<128x128xf32, #tpu.memory_space<hbm>>
        tpu.wait_dma2 semaphore(%run_scoped3A : memref<!tpu.dma_semaphore, #tpu.memory_space<semaphore_mem>>) src(%arg12 : memref<128x128xf32, #tpu.memory_space<vmem>>) dst(%dma_wait3A_119 : memref<128x128xf32, #tpu.memory_space<hbm>>)
        tpu.yield
      }) : () -> ()
      %lt3A = arith.constant 19 : i32
      %lt3A_92 = arith.cmpi slt, %scan3A_81, %lt3A : i32
      %convert_element_type3A = arith.extui %lt3A_92 : i1 to i32
      %cond3A = arith.constant 0 : i32
      %cond3A_93 = arith.cmpi ne, %convert_element_type3A, %cond3A : i32
      scf.if %cond3A_93 {
        %add3A_112 = arith.constant 2 : i32
        %add3A_113 = arith.addi %mul3A_83, %add3A_112 : i32
        %dma_start3A_114 = arith.constant 0 : i32
        %dma_start3A_115 = tpu.memref_slice %arg11[%add3A_113, %dma_start3A_114] : memref<40x128xi32, #tpu.memory_space<vmem>> -> memref<1x128xi32, #tpu.memory_space<vmem>>
        %dma_start3A_116 = tpu.memref_squeeze %dma_start3A_115 : memref<1x128xi32, #tpu.memory_space<vmem>> -> memref<128xi32, #tpu.memory_space<vmem>>
        %dma_start3A_117 = arith.constant 0 : i32
        %dma_start3A_118 = arith.constant 0 : i32
        %dma_start3A_119 = tpu.memref_slice %arg2[%dma_start3A_117, %dma_start3A_118] : memref<20480x128xf32, #tpu.memory_space<hbm>> -> memref<20480x128xf32, #tpu.memory_space<hbm>>
        tpu.enqueue_indirect_dma source(%dma_start3A_119 : memref<20480x128xf32, #tpu.memory_space<hbm>>) target(%arg12 : memref<128x128xf32, #tpu.memory_space<vmem>>) offsets(%dma_start3A_116 : memref<128xi32, #tpu.memory_space<vmem>>) semaphore(%arg14 : memref<!tpu.dma_semaphore, #tpu.memory_space<semaphore_mem>>)
      } else {
      }
      %add3A_94 = arith.constant 1 : i32
      %add3A_95 = arith.addi %mul3A_83, %add3A_94 : i32
      %dma_wait3A_96 = arith.constant 0 : i32
      %dma_wait3A_97 = tpu.memref_slice %arg11[%add3A_95, %dma_wait3A_96] : memref<40x128xi32, #tpu.memory_space<vmem>> -> memref<1x128xi32, #tpu.memory_space<vmem>>
      %dma_wait3A_98 = tpu.memref_squeeze %dma_wait3A_97 : memref<1x128xi32, #tpu.memory_space<vmem>> -> memref<128xi32, #tpu.memory_space<vmem>>
      %dma_wait3A_99 = arith.constant 0 : i32
      %dma_wait3A_100 = arith.constant 0 : i32
      %dma_wait3A_101 = tpu.memref_slice %arg2[%dma_wait3A_99, %dma_wait3A_100] : memref<20480x128xf32, #tpu.memory_space<hbm>> -> memref<20480x128xf32, #tpu.memory_space<hbm>>
      tpu.wait_indirect_dma semaphore(%arg15 : memref<!tpu.dma_semaphore, #tpu.memory_space<semaphore_mem>>) src(%dma_wait3A_101 : memref<20480x128xf32, #tpu.memory_space<hbm>>) dst(%arg13 : memref<128x128xf32, #tpu.memory_space<vmem>>)
      %add3A_102 = arith.constant 1 : i32
      %add3A_103 = arith.addi %mul3A_83, %add3A_102 : i32
      %mul3A_104 = arith.constant 128 : i32
      %mul3A_105 = arith.muli %add3A_103, %mul3A_104 : i32
      %add3A_106 = arith.addi %mul3A_2, %mul3A_105 : i32
      "tpu.region"() ({
        %run_scoped3A = tpu.sem_alloc : memref<!tpu.dma_semaphore, #tpu.memory_space<semaphore_mem>>
        %dma_start3A_112 = arith.constant 0 : i32
        %dma_start3A_113 = tpu.memref_slice %arg10[%add3A_106, %dma_start3A_112] : memref<163840x128xf32, #tpu.memory_space<hbm>> -> memref<128x128xf32, #tpu.memory_space<hbm>>
        %dma_start3A_114 = arith.constant 0 : i32
        %dma_start3A_115 = tpu.memref_slice %arg10[%add3A_106, %dma_start3A_114] : memref<163840x128xf32, #tpu.memory_space<hbm>> -> memref<128x128xf32, #tpu.memory_space<hbm>>
        tpu.enqueue_dma source(%arg13 : memref<128x128xf32, #tpu.memory_space<vmem>>) target(%dma_start3A_115 : memref<128x128xf32, #tpu.memory_space<hbm>>) target_semaphore(%run_scoped3A : memref<!tpu.dma_semaphore, #tpu.memory_space<semaphore_mem>>)
        %dma_wait3A_116 = arith.constant 0 : i32
        %dma_wait3A_117 = tpu.memref_slice %arg10[%add3A_106, %dma_wait3A_116] : memref<163840x128xf32, #tpu.memory_space<hbm>> -> memref<128x128xf32, #tpu.memory_space<hbm>>
        %dma_wait3A_118 = arith.constant 0 : i32
        %dma_wait3A_119 = tpu.memref_slice %arg10[%add3A_106, %dma_wait3A_118] : memref<163840x128xf32, #tpu.memory_space<hbm>> -> memref<128x128xf32, #tpu.memory_space<hbm>>
        tpu.wait_dma2 semaphore(%run_scoped3A : memref<!tpu.dma_semaphore, #tpu.memory_space<semaphore_mem>>) src(%arg13 : memref<128x128xf32, #tpu.memory_space<vmem>>) dst(%dma_wait3A_119 : memref<128x128xf32, #tpu.memory_space<hbm>>)
        tpu.yield
      }) : () -> ()
      %lt3A_107 = arith.constant 19 : i32
      %lt3A_108 = arith.cmpi slt, %scan3A_81, %lt3A_107 : i32
      %convert_element_type3A_109 = arith.extui %lt3A_108 : i1 to i32
      %cond3A_110 = arith.constant 0 : i32
      %cond3A_111 = arith.cmpi ne, %convert_element_type3A_109, %cond3A_110 : i32
      scf.if %cond3A_111 {
        %add3A_112 = arith.constant 3 : i32
        %add3A_113 = arith.addi %mul3A_83, %add3A_112 : i32
        %dma_start3A_114 = arith.constant 0 : i32
        %dma_start3A_115 = tpu.memref_slice %arg11[%add3A_113, %dma_start3A_114] : memref<40x128xi32, #tpu.memory_space<vmem>> -> memref<1x128xi32, #tpu.memory_space<vmem>>
        %dma_start3A_116 = tpu.memref_squeeze %dma_start3A_115 : memref<1x128xi32, #tpu.memory_space<vmem>> -> memref<128xi32, #tpu.memory_space<vmem>>
        %dma_start3A_117 = arith.constant 0 : i32
        %dma_start3A_118 = arith.constant 0 : i32
        %dma_start3A_119 = tpu.memref_slice %arg2[%dma_start3A_117, %dma_start3A_118] : memref<20480x128xf32, #tpu.memory_space<hbm>> -> memref<20480x128xf32, #tpu.memory_space<hbm>>
        tpu.enqueue_indirect_dma source(%dma_start3A_119 : memref<20480x128xf32, #tpu.memory_space<hbm>>) target(%arg13 : memref<128x128xf32, #tpu.memory_space<vmem>>) offsets(%dma_start3A_116 : memref<128xi32, #tpu.memory_space<vmem>>) semaphore(%arg15 : memref<!tpu.dma_semaphore, #tpu.memory_space<semaphore_mem>>)
      } else {
      }
    }
    %scan3A_80 = arith.constant 20 : i32
    return
  }
}

#map = affine_map<(d0, d1) -> (0, 0, 0)>
#map1 = affine_map<(d0, d1) -> (0, 0)>
module attributes {stable_mosaic.version = 14 : i64} {
  func.func @_sc_scatter_body(%arg0: i32, %arg1: i32, %arg2: memref<4x163840x128xf32, #tpu.memory_space<hbm>>, %arg3: memref<16x80x128xi32, #tpu.memory_space<hbm>>, %arg4: memref<128x128xf32, #tpu.memory_space<hbm>>, %arg5: memref<10240x128xf32, #tpu.memory_space<hbm>>, %arg6: memref<4x10240x128xf32, #tpu.memory_space<hbm>>, %arg7: memref<2x10240x128xf32, #tpu.memory_space<hbm>>, %arg8: memref<80x128xi32, #tpu.memory_space<vmem>>, %arg9: memref<128x128xf32, #tpu.memory_space<vmem>>, %arg10: memref<128x128xf32, #tpu.memory_space<vmem>>, %arg11: memref<10240x128xf32, #tpu.memory_space<vmem_shared>>, %arg12: memref<!tpu.dma_semaphore, #tpu.memory_space<semaphore_mem>>) attributes {dimension_semantics = [#tpu.dimension_semantics<core_parallel>, #tpu.dimension_semantics<subcore_parallel>], iteration_bounds = array<i64: 2, 16>, scalar_prefetch = 0 : i64, scratch_operands = 5 : i64, tpu.core_type = #tpu.core_type<sc_vector_subcore>, window_params = [{transform_indices = #map}, {transform_indices = #map}, {transform_indices = #map1}, {transform_indices = #map1}, {transform_indices = #map}, {transform_indices = #map}]} {
    %mul3A = arith.constant 640 : i32
    %mul3A_0 = arith.muli %arg1, %mul3A : i32
    %mul3A_1 = arith.constant 640 : i32
    %mul3A_2 = arith.muli %arg1, %mul3A_1 : i32
    "tpu.region"() ({
      %run_scoped3A = tpu.sem_alloc : memref<!tpu.dma_semaphore, #tpu.memory_space<semaphore_mem>>
      %dma_start3A = arith.constant 0 : i32
      %dma_start3A_62 = tpu.memref_slice %arg11[%mul3A_2, %dma_start3A] : memref<10240x128xf32, #tpu.memory_space<vmem_shared>> -> memref<640x128xf32, #tpu.memory_space<vmem_shared>>
      %dma_start3A_63 = arith.constant 0 : i32
      %dma_start3A_64 = tpu.memref_slice %arg5[%mul3A_0, %dma_start3A_63] : memref<10240x128xf32, #tpu.memory_space<hbm>> -> memref<640x128xf32, #tpu.memory_space<hbm>>
      tpu.enqueue_dma source(%dma_start3A_64 : memref<640x128xf32, #tpu.memory_space<hbm>>) target(%dma_start3A_62 : memref<640x128xf32, #tpu.memory_space<vmem_shared>>) target_semaphore(%run_scoped3A : memref<!tpu.dma_semaphore, #tpu.memory_space<semaphore_mem>>)
      %dma_wait3A = arith.constant 0 : i32
      %dma_wait3A_65 = tpu.memref_slice %arg11[%mul3A_2, %dma_wait3A] : memref<10240x128xf32, #tpu.memory_space<vmem_shared>> -> memref<640x128xf32, #tpu.memory_space<vmem_shared>>
      %dma_wait3A_66 = arith.constant 0 : i32
      %dma_wait3A_67 = tpu.memref_slice %arg5[%mul3A_0, %dma_wait3A_66] : memref<10240x128xf32, #tpu.memory_space<hbm>> -> memref<640x128xf32, #tpu.memory_space<hbm>>
      tpu.wait_dma2 semaphore(%run_scoped3A : memref<!tpu.dma_semaphore, #tpu.memory_space<semaphore_mem>>) src(%dma_wait3A_67 : memref<640x128xf32, #tpu.memory_space<hbm>>) dst(%dma_wait3A_65 : memref<640x128xf32, #tpu.memory_space<vmem_shared>>)
      tpu.yield
    }) : () -> ()
    "tpu.region"() ({
      %run_scoped3A = tpu.sem_alloc : memref<!tpu.dma_semaphore, #tpu.memory_space<semaphore_mem>>
      %dma_start3A = arith.constant 0 : i32
      %dma_start3A_62 = arith.constant 0 : i32
      %dma_start3A_63 = tpu.memref_slice %arg3[%arg1, %dma_start3A, %dma_start3A_62] : memref<16x80x128xi32, #tpu.memory_space<hbm>> -> memref<1x80x128xi32, #tpu.memory_space<hbm>>
      %dma_start3A_64 = tpu.memref_squeeze %dma_start3A_63 : memref<1x80x128xi32, #tpu.memory_space<hbm>> -> memref<80x128xi32, #tpu.memory_space<hbm>>
      %dma_start3A_65 = arith.constant 0 : i32
      %dma_start3A_66 = arith.constant 0 : i32
      %dma_start3A_67 = tpu.memref_slice %arg3[%arg1, %dma_start3A_65, %dma_start3A_66] : memref<16x80x128xi32, #tpu.memory_space<hbm>> -> memref<1x80x128xi32, #tpu.memory_space<hbm>>
      %dma_start3A_68 = tpu.memref_squeeze %dma_start3A_67 : memref<1x80x128xi32, #tpu.memory_space<hbm>> -> memref<80x128xi32, #tpu.memory_space<hbm>>
      tpu.enqueue_dma source(%dma_start3A_68 : memref<80x128xi32, #tpu.memory_space<hbm>>) target(%arg8 : memref<80x128xi32, #tpu.memory_space<vmem>>) target_semaphore(%run_scoped3A : memref<!tpu.dma_semaphore, #tpu.memory_space<semaphore_mem>>)
      %dma_wait3A = arith.constant 0 : i32
      %dma_wait3A_69 = arith.constant 0 : i32
      %dma_wait3A_70 = tpu.memref_slice %arg3[%arg1, %dma_wait3A, %dma_wait3A_69] : memref<16x80x128xi32, #tpu.memory_space<hbm>> -> memref<1x80x128xi32, #tpu.memory_space<hbm>>
      %dma_wait3A_71 = tpu.memref_squeeze %dma_wait3A_70 : memref<1x80x128xi32, #tpu.memory_space<hbm>> -> memref<80x128xi32, #tpu.memory_space<hbm>>
      %dma_wait3A_72 = arith.constant 0 : i32
      %dma_wait3A_73 = arith.constant 0 : i32
      %dma_wait3A_74 = tpu.memref_slice %arg3[%arg1, %dma_wait3A_72, %dma_wait3A_73] : memref<16x80x128xi32, #tpu.memory_space<hbm>> -> memref<1x80x128xi32, #tpu.memory_space<hbm>>
      %dma_wait3A_75 = tpu.memref_squeeze %dma_wait3A_74 : memref<1x80x128xi32, #tpu.memory_space<hbm>> -> memref<80x128xi32, #tpu.memory_space<hbm>>
      tpu.wait_dma2 semaphore(%run_scoped3A : memref<!tpu.dma_semaphore, #tpu.memory_space<semaphore_mem>>) src(%dma_wait3A_75 : memref<80x128xi32, #tpu.memory_space<hbm>>) dst(%arg8 : memref<80x128xi32, #tpu.memory_space<vmem>>)
      tpu.yield
    }) : () -> ()
    "tpu.region"() ({
      %run_scoped3A = tpu.sem_alloc : memref<!tpu.dma_semaphore, #tpu.memory_space<semaphore_mem>>
      tpu.enqueue_dma source(%arg4 : memref<128x128xf32, #tpu.memory_space<hbm>>) target(%arg10 : memref<128x128xf32, #tpu.memory_space<vmem>>) target_semaphore(%run_scoped3A : memref<!tpu.dma_semaphore, #tpu.memory_space<semaphore_mem>>)
      tpu.wait_dma2 semaphore(%run_scoped3A : memref<!tpu.dma_semaphore, #tpu.memory_space<semaphore_mem>>) src(%arg4 : memref<128x128xf32, #tpu.memory_space<hbm>>) dst(%arg10 : memref<128x128xf32, #tpu.memory_space<vmem>>)
      tpu.yield
    }) : () -> ()
    %barrier3A = arith.constant 0 : index
    tpu.barrier barrier_id(%barrier3A)
    %mul3A_3 = arith.constant 10240 : i32
    %mul3A_4 = arith.muli %arg1, %mul3A_3 : i32
    %scan3A = arith.constant 0 : i32
    %scan3A_5 = arith.constant 0 : i32
    %scan3A_6 = arith.constant 80 : i32
    %scan3A_7 = arith.addi %scan3A_5, %scan3A_6 : i32
    %scan3A_8 = arith.constant 1 : i32
    scf.for %scan3A_62 = %scan3A_5 to %scan3A_7 step %scan3A_8  : i32 {
      %mul3A_63 = arith.constant 2 : i32
      %mul3A_64 = arith.muli %mul3A_63, %arg0 : i32
      %add3A_65 = arith.constant 0 : i32
      %add3A_66 = arith.addi %mul3A_64, %add3A_65 : i32
      %mul3A_67 = arith.constant 128 : i32
      %mul3A_68 = arith.muli %scan3A_62, %mul3A_67 : i32
      %add3A_69 = arith.addi %mul3A_4, %mul3A_68 : i32
      "tpu.region"() ({
        %run_scoped3A = tpu.sem_alloc : memref<!tpu.dma_semaphore, #tpu.memory_space<semaphore_mem>>
        %dma_start3A = arith.constant 0 : i32
        %dma_start3A_70 = tpu.memref_slice %arg2[%add3A_66, %add3A_69, %dma_start3A] : memref<4x163840x128xf32, #tpu.memory_space<hbm>> -> memref<1x128x128xf32, #tpu.memory_space<hbm>>
        %dma_start3A_71 = tpu.memref_squeeze %dma_start3A_70 : memref<1x128x128xf32, #tpu.memory_space<hbm>> -> memref<128x128xf32, #tpu.memory_space<hbm>>
        %dma_start3A_72 = arith.constant 0 : i32
        %dma_start3A_73 = tpu.memref_slice %arg2[%add3A_66, %add3A_69, %dma_start3A_72] : memref<4x163840x128xf32, #tpu.memory_space<hbm>> -> memref<1x128x128xf32, #tpu.memory_space<hbm>>
        %dma_start3A_74 = tpu.memref_squeeze %dma_start3A_73 : memref<1x128x128xf32, #tpu.memory_space<hbm>> -> memref<128x128xf32, #tpu.memory_space<hbm>>
        tpu.enqueue_dma source(%dma_start3A_74 : memref<128x128xf32, #tpu.memory_space<hbm>>) target(%arg9 : memref<128x128xf32, #tpu.memory_space<vmem>>) target_semaphore(%run_scoped3A : memref<!tpu.dma_semaphore, #tpu.memory_space<semaphore_mem>>)
        %dma_wait3A = arith.constant 0 : i32
        %dma_wait3A_75 = tpu.memref_slice %arg2[%add3A_66, %add3A_69, %dma_wait3A] : memref<4x163840x128xf32, #tpu.memory_space<hbm>> -> memref<1x128x128xf32, #tpu.memory_space<hbm>>
        %dma_wait3A_76 = tpu.memref_squeeze %dma_wait3A_75 : memref<1x128x128xf32, #tpu.memory_space<hbm>> -> memref<128x128xf32, #tpu.memory_space<hbm>>
        %dma_wait3A_77 = arith.constant 0 : i32
        %dma_wait3A_78 = tpu.memref_slice %arg2[%add3A_66, %add3A_69, %dma_wait3A_77] : memref<4x163840x128xf32, #tpu.memory_space<hbm>> -> memref<1x128x128xf32, #tpu.memory_space<hbm>>
        %dma_wait3A_79 = tpu.memref_squeeze %dma_wait3A_78 : memref<1x128x128xf32, #tpu.memory_space<hbm>> -> memref<128x128xf32, #tpu.memory_space<hbm>>
        tpu.wait_dma2 semaphore(%run_scoped3A : memref<!tpu.dma_semaphore, #tpu.memory_space<semaphore_mem>>) src(%dma_wait3A_79 : memref<128x128xf32, #tpu.memory_space<hbm>>) dst(%arg9 : memref<128x128xf32, #tpu.memory_space<vmem>>)
        tpu.yield
      }) : () -> ()
      "tpu.region"() ({
        %run_scoped3A = tpu.sem_alloc : memref<!tpu.dma_semaphore, #tpu.memory_space<semaphore_mem>>
        %dma_start3A = arith.constant 0 : i32
        %dma_start3A_70 = tpu.memref_slice %arg8[%scan3A_62, %dma_start3A] : memref<80x128xi32, #tpu.memory_space<vmem>> -> memref<1x128xi32, #tpu.memory_space<vmem>>
        %dma_start3A_71 = tpu.memref_squeeze %dma_start3A_70 : memref<1x128xi32, #tpu.memory_space<vmem>> -> memref<128xi32, #tpu.memory_space<vmem>>
        %dma_start3A_72 = arith.constant 0 : i32
        %dma_start3A_73 = arith.constant 0 : i32
        %dma_start3A_74 = tpu.memref_slice %arg11[%dma_start3A_72, %dma_start3A_73] : memref<10240x128xf32, #tpu.memory_space<vmem_shared>> -> memref<10240x128xf32, #tpu.memory_space<vmem_shared>>
        tpu.enqueue_indirect_dma source(%arg9 : memref<128x128xf32, #tpu.memory_space<vmem>>) target(%dma_start3A_74 : memref<10240x128xf32, #tpu.memory_space<vmem_shared>>) offsets(%dma_start3A_71 : memref<128xi32, #tpu.memory_space<vmem>>) semaphore(%run_scoped3A : memref<!tpu.dma_semaphore, #tpu.memory_space<semaphore_mem>>) {add = true}
        %dma_wait3A = arith.constant 0 : i32
        %dma_wait3A_75 = tpu.memref_slice %arg8[%scan3A_62, %dma_wait3A] : memref<80x128xi32, #tpu.memory_space<vmem>> -> memref<1x128xi32, #tpu.memory_space<vmem>>
        %dma_wait3A_76 = tpu.memref_squeeze %dma_wait3A_75 : memref<1x128xi32, #tpu.memory_space<vmem>> -> memref<128xi32, #tpu.memory_space<vmem>>
        %dma_wait3A_77 = arith.constant 0 : i32
        %dma_wait3A_78 = arith.constant 0 : i32
        %dma_wait3A_79 = tpu.memref_slice %arg11[%dma_wait3A_77, %dma_wait3A_78] : memref<10240x128xf32, #tpu.memory_space<vmem_shared>> -> memref<10240x128xf32, #tpu.memory_space<vmem_shared>>
        tpu.wait_indirect_dma semaphore(%run_scoped3A : memref<!tpu.dma_semaphore, #tpu.memory_space<semaphore_mem>>) src(%arg9 : memref<128x128xf32, #tpu.memory_space<vmem>>) dst(%dma_wait3A_79 : memref<10240x128xf32, #tpu.memory_space<vmem_shared>>)
        tpu.yield
      }) : () -> ()
    }
    %scan3A_9 = arith.constant 80 : i32
    %barrier3A_10 = arith.constant 0 : index
    tpu.barrier barrier_id(%barrier3A_10)
    %mul3A_11 = arith.constant 640 : i32
    %mul3A_12 = arith.muli %arg1, %mul3A_11 : i32
    %mul3A_13 = arith.constant 2 : i32
    %mul3A_14 = arith.muli %mul3A_13, %arg0 : i32
    %add3A = arith.constant 0 : i32
    %add3A_15 = arith.addi %mul3A_14, %add3A : i32
    %mul3A_16 = arith.constant 640 : i32
    %mul3A_17 = arith.muli %arg1, %mul3A_16 : i32
    "tpu.region"() ({
      %run_scoped3A = tpu.sem_alloc : memref<!tpu.dma_semaphore, #tpu.memory_space<semaphore_mem>>
      %dma_start3A = arith.constant 0 : i32
      %dma_start3A_62 = tpu.memref_slice %arg6[%add3A_15, %mul3A_17, %dma_start3A] : memref<4x10240x128xf32, #tpu.memory_space<hbm>> -> memref<1x640x128xf32, #tpu.memory_space<hbm>>
      %dma_start3A_63 = tpu.memref_squeeze %dma_start3A_62 : memref<1x640x128xf32, #tpu.memory_space<hbm>> -> memref<640x128xf32, #tpu.memory_space<hbm>>
      %dma_start3A_64 = arith.constant 0 : i32
      %dma_start3A_65 = tpu.memref_slice %arg11[%mul3A_12, %dma_start3A_64] : memref<10240x128xf32, #tpu.memory_space<vmem_shared>> -> memref<640x128xf32, #tpu.memory_space<vmem_shared>>
      tpu.enqueue_dma source(%dma_start3A_65 : memref<640x128xf32, #tpu.memory_space<vmem_shared>>) target(%dma_start3A_63 : memref<640x128xf32, #tpu.memory_space<hbm>>) target_semaphore(%run_scoped3A : memref<!tpu.dma_semaphore, #tpu.memory_space<semaphore_mem>>)
      %dma_wait3A = arith.constant 0 : i32
      %dma_wait3A_66 = tpu.memref_slice %arg6[%add3A_15, %mul3A_17, %dma_wait3A] : memref<4x10240x128xf32, #tpu.memory_space<hbm>> -> memref<1x640x128xf32, #tpu.memory_space<hbm>>
      %dma_wait3A_67 = tpu.memref_squeeze %dma_wait3A_66 : memref<1x640x128xf32, #tpu.memory_space<hbm>> -> memref<640x128xf32, #tpu.memory_space<hbm>>
      %dma_wait3A_68 = arith.constant 0 : i32
      %dma_wait3A_69 = tpu.memref_slice %arg11[%mul3A_12, %dma_wait3A_68] : memref<10240x128xf32, #tpu.memory_space<vmem_shared>> -> memref<640x128xf32, #tpu.memory_space<vmem_shared>>
      tpu.wait_dma2 semaphore(%run_scoped3A : memref<!tpu.dma_semaphore, #tpu.memory_space<semaphore_mem>>) src(%dma_wait3A_69 : memref<640x128xf32, #tpu.memory_space<vmem_shared>>) dst(%dma_wait3A_67 : memref<640x128xf32, #tpu.memory_space<hbm>>)
      tpu.yield
    }) : () -> ()
    %mul3A_18 = arith.constant 640 : i32
    %mul3A_19 = arith.muli %arg1, %mul3A_18 : i32
    %mul3A_20 = arith.constant 640 : i32
    %mul3A_21 = arith.muli %arg1, %mul3A_20 : i32
    "tpu.region"() ({
      %run_scoped3A = tpu.sem_alloc : memref<!tpu.dma_semaphore, #tpu.memory_space<semaphore_mem>>
      %dma_start3A = arith.constant 0 : i32
      %dma_start3A_62 = tpu.memref_slice %arg11[%mul3A_21, %dma_start3A] : memref<10240x128xf32, #tpu.memory_space<vmem_shared>> -> memref<640x128xf32, #tpu.memory_space<vmem_shared>>
      %dma_start3A_63 = arith.constant 0 : i32
      %dma_start3A_64 = tpu.memref_slice %arg5[%mul3A_19, %dma_start3A_63] : memref<10240x128xf32, #tpu.memory_space<hbm>> -> memref<640x128xf32, #tpu.memory_space<hbm>>
      tpu.enqueue_dma source(%dma_start3A_64 : memref<640x128xf32, #tpu.memory_space<hbm>>) target(%dma_start3A_62 : memref<640x128xf32, #tpu.memory_space<vmem_shared>>) target_semaphore(%run_scoped3A : memref<!tpu.dma_semaphore, #tpu.memory_space<semaphore_mem>>)
      %dma_wait3A = arith.constant 0 : i32
      %dma_wait3A_65 = tpu.memref_slice %arg11[%mul3A_21, %dma_wait3A] : memref<10240x128xf32, #tpu.memory_space<vmem_shared>> -> memref<640x128xf32, #tpu.memory_space<vmem_shared>>
      %dma_wait3A_66 = arith.constant 0 : i32
      %dma_wait3A_67 = tpu.memref_slice %arg5[%mul3A_19, %dma_wait3A_66] : memref<10240x128xf32, #tpu.memory_space<hbm>> -> memref<640x128xf32, #tpu.memory_space<hbm>>
      tpu.wait_dma2 semaphore(%run_scoped3A : memref<!tpu.dma_semaphore, #tpu.memory_space<semaphore_mem>>) src(%dma_wait3A_67 : memref<640x128xf32, #tpu.memory_space<hbm>>) dst(%dma_wait3A_65 : memref<640x128xf32, #tpu.memory_space<vmem_shared>>)
      tpu.yield
    }) : () -> ()
    %barrier3A_22 = arith.constant 0 : index
    tpu.barrier barrier_id(%barrier3A_22)
    %scan3A_23 = arith.constant 0 : i32
    %scan3A_24 = arith.constant 0 : i32
    %scan3A_25 = arith.constant 80 : i32
    %scan3A_26 = arith.addi %scan3A_24, %scan3A_25 : i32
    %scan3A_27 = arith.constant 1 : i32
    scf.for %scan3A_62 = %scan3A_24 to %scan3A_26 step %scan3A_27  : i32 {
      %mul3A_63 = arith.constant 2 : i32
      %mul3A_64 = arith.muli %mul3A_63, %arg0 : i32
      %add3A_65 = arith.constant 1 : i32
      %add3A_66 = arith.addi %mul3A_64, %add3A_65 : i32
      %mul3A_67 = arith.constant 128 : i32
      %mul3A_68 = arith.muli %scan3A_62, %mul3A_67 : i32
      %add3A_69 = arith.addi %mul3A_4, %mul3A_68 : i32
      "tpu.region"() ({
        %run_scoped3A = tpu.sem_alloc : memref<!tpu.dma_semaphore, #tpu.memory_space<semaphore_mem>>
        %dma_start3A = arith.constant 0 : i32
        %dma_start3A_70 = tpu.memref_slice %arg2[%add3A_66, %add3A_69, %dma_start3A] : memref<4x163840x128xf32, #tpu.memory_space<hbm>> -> memref<1x128x128xf32, #tpu.memory_space<hbm>>
        %dma_start3A_71 = tpu.memref_squeeze %dma_start3A_70 : memref<1x128x128xf32, #tpu.memory_space<hbm>> -> memref<128x128xf32, #tpu.memory_space<hbm>>
        %dma_start3A_72 = arith.constant 0 : i32
        %dma_start3A_73 = tpu.memref_slice %arg2[%add3A_66, %add3A_69, %dma_start3A_72] : memref<4x163840x128xf32, #tpu.memory_space<hbm>> -> memref<1x128x128xf32, #tpu.memory_space<hbm>>
        %dma_start3A_74 = tpu.memref_squeeze %dma_start3A_73 : memref<1x128x128xf32, #tpu.memory_space<hbm>> -> memref<128x128xf32, #tpu.memory_space<hbm>>
        tpu.enqueue_dma source(%dma_start3A_74 : memref<128x128xf32, #tpu.memory_space<hbm>>) target(%arg9 : memref<128x128xf32, #tpu.memory_space<vmem>>) target_semaphore(%run_scoped3A : memref<!tpu.dma_semaphore, #tpu.memory_space<semaphore_mem>>)
        %dma_wait3A = arith.constant 0 : i32
        %dma_wait3A_75 = tpu.memref_slice %arg2[%add3A_66, %add3A_69, %dma_wait3A] : memref<4x163840x128xf32, #tpu.memory_space<hbm>> -> memref<1x128x128xf32, #tpu.memory_space<hbm>>
        %dma_wait3A_76 = tpu.memref_squeeze %dma_wait3A_75 : memref<1x128x128xf32, #tpu.memory_space<hbm>> -> memref<128x128xf32, #tpu.memory_space<hbm>>
        %dma_wait3A_77 = arith.constant 0 : i32
        %dma_wait3A_78 = tpu.memref_slice %arg2[%add3A_66, %add3A_69, %dma_wait3A_77] : memref<4x163840x128xf32, #tpu.memory_space<hbm>> -> memref<1x128x128xf32, #tpu.memory_space<hbm>>
        %dma_wait3A_79 = tpu.memref_squeeze %dma_wait3A_78 : memref<1x128x128xf32, #tpu.memory_space<hbm>> -> memref<128x128xf32, #tpu.memory_space<hbm>>
        tpu.wait_dma2 semaphore(%run_scoped3A : memref<!tpu.dma_semaphore, #tpu.memory_space<semaphore_mem>>) src(%dma_wait3A_79 : memref<128x128xf32, #tpu.memory_space<hbm>>) dst(%arg9 : memref<128x128xf32, #tpu.memory_space<vmem>>)
        tpu.yield
      }) : () -> ()
      "tpu.region"() ({
        %run_scoped3A = tpu.sem_alloc : memref<!tpu.dma_semaphore, #tpu.memory_space<semaphore_mem>>
        %dma_start3A = arith.constant 0 : i32
        %dma_start3A_70 = tpu.memref_slice %arg8[%scan3A_62, %dma_start3A] : memref<80x128xi32, #tpu.memory_space<vmem>> -> memref<1x128xi32, #tpu.memory_space<vmem>>
        %dma_start3A_71 = tpu.memref_squeeze %dma_start3A_70 : memref<1x128xi32, #tpu.memory_space<vmem>> -> memref<128xi32, #tpu.memory_space<vmem>>
        %dma_start3A_72 = arith.constant 0 : i32
        %dma_start3A_73 = arith.constant 0 : i32
        %dma_start3A_74 = tpu.memref_slice %arg11[%dma_start3A_72, %dma_start3A_73] : memref<10240x128xf32, #tpu.memory_space<vmem_shared>> -> memref<10240x128xf32, #tpu.memory_space<vmem_shared>>
        tpu.enqueue_indirect_dma source(%arg9 : memref<128x128xf32, #tpu.memory_space<vmem>>) target(%dma_start3A_74 : memref<10240x128xf32, #tpu.memory_space<vmem_shared>>) offsets(%dma_start3A_71 : memref<128xi32, #tpu.memory_space<vmem>>) semaphore(%run_scoped3A : memref<!tpu.dma_semaphore, #tpu.memory_space<semaphore_mem>>) {add = true}
        %dma_wait3A = arith.constant 0 : i32
        %dma_wait3A_75 = tpu.memref_slice %arg8[%scan3A_62, %dma_wait3A] : memref<80x128xi32, #tpu.memory_space<vmem>> -> memref<1x128xi32, #tpu.memory_space<vmem>>
        %dma_wait3A_76 = tpu.memref_squeeze %dma_wait3A_75 : memref<1x128xi32, #tpu.memory_space<vmem>> -> memref<128xi32, #tpu.memory_space<vmem>>
        %dma_wait3A_77 = arith.constant 0 : i32
        %dma_wait3A_78 = arith.constant 0 : i32
        %dma_wait3A_79 = tpu.memref_slice %arg11[%dma_wait3A_77, %dma_wait3A_78] : memref<10240x128xf32, #tpu.memory_space<vmem_shared>> -> memref<10240x128xf32, #tpu.memory_space<vmem_shared>>
        tpu.wait_indirect_dma semaphore(%run_scoped3A : memref<!tpu.dma_semaphore, #tpu.memory_space<semaphore_mem>>) src(%arg9 : memref<128x128xf32, #tpu.memory_space<vmem>>) dst(%dma_wait3A_79 : memref<10240x128xf32, #tpu.memory_space<vmem_shared>>)
        tpu.yield
      }) : () -> ()
    }
    %scan3A_28 = arith.constant 80 : i32
    %barrier3A_29 = arith.constant 0 : index
    tpu.barrier barrier_id(%barrier3A_29)
    %mul3A_30 = arith.constant 640 : i32
    %mul3A_31 = arith.muli %arg1, %mul3A_30 : i32
    %mul3A_32 = arith.constant 2 : i32
    %mul3A_33 = arith.muli %mul3A_32, %arg0 : i32
    %add3A_34 = arith.constant 1 : i32
    %add3A_35 = arith.addi %mul3A_33, %add3A_34 : i32
    %mul3A_36 = arith.constant 640 : i32
    %mul3A_37 = arith.muli %arg1, %mul3A_36 : i32
    "tpu.region"() ({
      %run_scoped3A = tpu.sem_alloc : memref<!tpu.dma_semaphore, #tpu.memory_space<semaphore_mem>>
      %dma_start3A = arith.constant 0 : i32
      %dma_start3A_62 = tpu.memref_slice %arg6[%add3A_35, %mul3A_37, %dma_start3A] : memref<4x10240x128xf32, #tpu.memory_space<hbm>> -> memref<1x640x128xf32, #tpu.memory_space<hbm>>
      %dma_start3A_63 = tpu.memref_squeeze %dma_start3A_62 : memref<1x640x128xf32, #tpu.memory_space<hbm>> -> memref<640x128xf32, #tpu.memory_space<hbm>>
      %dma_start3A_64 = arith.constant 0 : i32
      %dma_start3A_65 = tpu.memref_slice %arg11[%mul3A_31, %dma_start3A_64] : memref<10240x128xf32, #tpu.memory_space<vmem_shared>> -> memref<640x128xf32, #tpu.memory_space<vmem_shared>>
      tpu.enqueue_dma source(%dma_start3A_65 : memref<640x128xf32, #tpu.memory_space<vmem_shared>>) target(%dma_start3A_63 : memref<640x128xf32, #tpu.memory_space<hbm>>) target_semaphore(%run_scoped3A : memref<!tpu.dma_semaphore, #tpu.memory_space<semaphore_mem>>)
      %dma_wait3A = arith.constant 0 : i32
      %dma_wait3A_66 = tpu.memref_slice %arg6[%add3A_35, %mul3A_37, %dma_wait3A] : memref<4x10240x128xf32, #tpu.memory_space<hbm>> -> memref<1x640x128xf32, #tpu.memory_space<hbm>>
      %dma_wait3A_67 = tpu.memref_squeeze %dma_wait3A_66 : memref<1x640x128xf32, #tpu.memory_space<hbm>> -> memref<640x128xf32, #tpu.memory_space<hbm>>
      %dma_wait3A_68 = arith.constant 0 : i32
      %dma_wait3A_69 = tpu.memref_slice %arg11[%mul3A_31, %dma_wait3A_68] : memref<10240x128xf32, #tpu.memory_space<vmem_shared>> -> memref<640x128xf32, #tpu.memory_space<vmem_shared>>
      tpu.wait_dma2 semaphore(%run_scoped3A : memref<!tpu.dma_semaphore, #tpu.memory_space<semaphore_mem>>) src(%dma_wait3A_69 : memref<640x128xf32, #tpu.memory_space<vmem_shared>>) dst(%dma_wait3A_67 : memref<640x128xf32, #tpu.memory_space<hbm>>)
      tpu.yield
    }) : () -> ()
    %mul3A_38 = arith.constant 640 : i32
    %mul3A_39 = arith.muli %arg1, %mul3A_38 : i32
    %mul3A_40 = arith.constant 640 : i32
    %mul3A_41 = arith.muli %arg1, %mul3A_40 : i32
    "tpu.region"() ({
      %run_scoped3A = tpu.sem_alloc : memref<!tpu.dma_semaphore, #tpu.memory_space<semaphore_mem>>
      %dma_start3A = arith.constant 0 : i32
      %dma_start3A_62 = tpu.memref_slice %arg11[%mul3A_41, %dma_start3A] : memref<10240x128xf32, #tpu.memory_space<vmem_shared>> -> memref<640x128xf32, #tpu.memory_space<vmem_shared>>
      %dma_start3A_63 = arith.constant 0 : i32
      %dma_start3A_64 = tpu.memref_slice %arg5[%mul3A_39, %dma_start3A_63] : memref<10240x128xf32, #tpu.memory_space<hbm>> -> memref<640x128xf32, #tpu.memory_space<hbm>>
      tpu.enqueue_dma source(%dma_start3A_64 : memref<640x128xf32, #tpu.memory_space<hbm>>) target(%dma_start3A_62 : memref<640x128xf32, #tpu.memory_space<vmem_shared>>) target_semaphore(%run_scoped3A : memref<!tpu.dma_semaphore, #tpu.memory_space<semaphore_mem>>)
      %dma_wait3A = arith.constant 0 : i32
      %dma_wait3A_65 = tpu.memref_slice %arg11[%mul3A_41, %dma_wait3A] : memref<10240x128xf32, #tpu.memory_space<vmem_shared>> -> memref<640x128xf32, #tpu.memory_space<vmem_shared>>
      %dma_wait3A_66 = arith.constant 0 : i32
      %dma_wait3A_67 = tpu.memref_slice %arg5[%mul3A_39, %dma_wait3A_66] : memref<10240x128xf32, #tpu.memory_space<hbm>> -> memref<640x128xf32, #tpu.memory_space<hbm>>
      tpu.wait_dma2 semaphore(%run_scoped3A : memref<!tpu.dma_semaphore, #tpu.memory_space<semaphore_mem>>) src(%dma_wait3A_67 : memref<640x128xf32, #tpu.memory_space<hbm>>) dst(%dma_wait3A_65 : memref<640x128xf32, #tpu.memory_space<vmem_shared>>)
      tpu.yield
    }) : () -> ()
    %barrier3A_42 = arith.constant 0 : index
    tpu.barrier barrier_id(%barrier3A_42)
    %mul3A_43 = arith.constant 40 : i32
    %mul3A_44 = arith.muli %arg0, %mul3A_43 : i32
    %add3A_45 = arith.constant 1 : i32
    %add3A_46 = arith.addi %arg0, %add3A_45 : i32
    %mul3A_47 = arith.constant 40 : i32
    %mul3A_48 = arith.muli %add3A_46, %mul3A_47 : i32
    %while3A = arith.constant 0 : i32
    %while3A_49 = arith.subi %mul3A_48, %mul3A_44 : i32
    %while3A_50 = arith.addi %mul3A_44, %while3A_49 : i32
    %while3A_51 = arith.constant 1 : i32
    %while3A_52 = arith.divsi %while3A_49, %while3A_51 : i32
    %while3A_53 = arith.muli %while3A_52, %while3A_51 : i32
    %while3A_54 = arith.addi %mul3A_44, %while3A_53 : i32
    %while3A_55 = arith.constant 1 : i32
    scf.for %while3A_62 = %mul3A_44 to %while3A_54 step %while3A_55  : i32 {
      "tpu.region"() ({
        %run_scoped3A = tpu.sem_alloc : memref<!tpu.dma_semaphore, #tpu.memory_space<semaphore_mem>>
        %dma_start3A = arith.constant 0 : i32
        %dma_start3A_63 = tpu.memref_slice %arg8[%while3A_62, %dma_start3A] : memref<80x128xi32, #tpu.memory_space<vmem>> -> memref<1x128xi32, #tpu.memory_space<vmem>>
        %dma_start3A_64 = tpu.memref_squeeze %dma_start3A_63 : memref<1x128xi32, #tpu.memory_space<vmem>> -> memref<128xi32, #tpu.memory_space<vmem>>
        %dma_start3A_65 = arith.constant 0 : i32
        %dma_start3A_66 = arith.constant 0 : i32
        %dma_start3A_67 = tpu.memref_slice %arg11[%dma_start3A_65, %dma_start3A_66] : memref<10240x128xf32, #tpu.memory_space<vmem_shared>> -> memref<10240x128xf32, #tpu.memory_space<vmem_shared>>
        tpu.enqueue_indirect_dma source(%arg10 : memref<128x128xf32, #tpu.memory_space<vmem>>) target(%dma_start3A_67 : memref<10240x128xf32, #tpu.memory_space<vmem_shared>>) offsets(%dma_start3A_64 : memref<128xi32, #tpu.memory_space<vmem>>) semaphore(%run_scoped3A : memref<!tpu.dma_semaphore, #tpu.memory_space<semaphore_mem>>) {add = true}
        %dma_wait3A = arith.constant 0 : i32
        %dma_wait3A_68 = tpu.memref_slice %arg8[%while3A_62, %dma_wait3A] : memref<80x128xi32, #tpu.memory_space<vmem>> -> memref<1x128xi32, #tpu.memory_space<vmem>>
        %dma_wait3A_69 = tpu.memref_squeeze %dma_wait3A_68 : memref<1x128xi32, #tpu.memory_space<vmem>> -> memref<128xi32, #tpu.memory_space<vmem>>
        %dma_wait3A_70 = arith.constant 0 : i32
        %dma_wait3A_71 = arith.constant 0 : i32
        %dma_wait3A_72 = tpu.memref_slice %arg11[%dma_wait3A_70, %dma_wait3A_71] : memref<10240x128xf32, #tpu.memory_space<vmem_shared>> -> memref<10240x128xf32, #tpu.memory_space<vmem_shared>>
        tpu.wait_indirect_dma semaphore(%run_scoped3A : memref<!tpu.dma_semaphore, #tpu.memory_space<semaphore_mem>>) src(%arg10 : memref<128x128xf32, #tpu.memory_space<vmem>>) dst(%dma_wait3A_72 : memref<10240x128xf32, #tpu.memory_space<vmem_shared>>)
        tpu.yield
      }) : () -> ()
    }
    %while3A_56 = arith.constant 1 : i32
    scf.for %while3A_62 = %while3A_54 to %while3A_50 step %while3A_56  : i32 {
      "tpu.region"() ({
        %run_scoped3A = tpu.sem_alloc : memref<!tpu.dma_semaphore, #tpu.memory_space<semaphore_mem>>
        %dma_start3A = arith.constant 0 : i32
        %dma_start3A_63 = tpu.memref_slice %arg8[%while3A_62, %dma_start3A] : memref<80x128xi32, #tpu.memory_space<vmem>> -> memref<1x128xi32, #tpu.memory_space<vmem>>
        %dma_start3A_64 = tpu.memref_squeeze %dma_start3A_63 : memref<1x128xi32, #tpu.memory_space<vmem>> -> memref<128xi32, #tpu.memory_space<vmem>>
        %dma_start3A_65 = arith.constant 0 : i32
        %dma_start3A_66 = arith.constant 0 : i32
        %dma_start3A_67 = tpu.memref_slice %arg11[%dma_start3A_65, %dma_start3A_66] : memref<10240x128xf32, #tpu.memory_space<vmem_shared>> -> memref<10240x128xf32, #tpu.memory_space<vmem_shared>>
        tpu.enqueue_indirect_dma source(%arg10 : memref<128x128xf32, #tpu.memory_space<vmem>>) target(%dma_start3A_67 : memref<10240x128xf32, #tpu.memory_space<vmem_shared>>) offsets(%dma_start3A_64 : memref<128xi32, #tpu.memory_space<vmem>>) semaphore(%run_scoped3A : memref<!tpu.dma_semaphore, #tpu.memory_space<semaphore_mem>>) {add = true}
        %dma_wait3A = arith.constant 0 : i32
        %dma_wait3A_68 = tpu.memref_slice %arg8[%while3A_62, %dma_wait3A] : memref<80x128xi32, #tpu.memory_space<vmem>> -> memref<1x128xi32, #tpu.memory_space<vmem>>
        %dma_wait3A_69 = tpu.memref_squeeze %dma_wait3A_68 : memref<1x128xi32, #tpu.memory_space<vmem>> -> memref<128xi32, #tpu.memory_space<vmem>>
        %dma_wait3A_70 = arith.constant 0 : i32
        %dma_wait3A_71 = arith.constant 0 : i32
        %dma_wait3A_72 = tpu.memref_slice %arg11[%dma_wait3A_70, %dma_wait3A_71] : memref<10240x128xf32, #tpu.memory_space<vmem_shared>> -> memref<10240x128xf32, #tpu.memory_space<vmem_shared>>
        tpu.wait_indirect_dma semaphore(%run_scoped3A : memref<!tpu.dma_semaphore, #tpu.memory_space<semaphore_mem>>) src(%arg10 : memref<128x128xf32, #tpu.memory_space<vmem>>) dst(%dma_wait3A_72 : memref<10240x128xf32, #tpu.memory_space<vmem_shared>>)
        tpu.yield
      }) : () -> ()
    }
    %barrier3A_57 = arith.constant 0 : index
    tpu.barrier barrier_id(%barrier3A_57)
    %mul3A_58 = arith.constant 640 : i32
    %mul3A_59 = arith.muli %arg1, %mul3A_58 : i32
    %mul3A_60 = arith.constant 640 : i32
    %mul3A_61 = arith.muli %arg1, %mul3A_60 : i32
    "tpu.region"() ({
      %run_scoped3A = tpu.sem_alloc : memref<!tpu.dma_semaphore, #tpu.memory_space<semaphore_mem>>
      %dma_start3A = arith.constant 0 : i32
      %dma_start3A_62 = tpu.memref_slice %arg7[%arg0, %mul3A_61, %dma_start3A] : memref<2x10240x128xf32, #tpu.memory_space<hbm>> -> memref<1x640x128xf32, #tpu.memory_space<hbm>>
      %dma_start3A_63 = tpu.memref_squeeze %dma_start3A_62 : memref<1x640x128xf32, #tpu.memory_space<hbm>> -> memref<640x128xf32, #tpu.memory_space<hbm>>
      %dma_start3A_64 = arith.constant 0 : i32
      %dma_start3A_65 = tpu.memref_slice %arg11[%mul3A_59, %dma_start3A_64] : memref<10240x128xf32, #tpu.memory_space<vmem_shared>> -> memref<640x128xf32, #tpu.memory_space<vmem_shared>>
      tpu.enqueue_dma source(%dma_start3A_65 : memref<640x128xf32, #tpu.memory_space<vmem_shared>>) target(%dma_start3A_63 : memref<640x128xf32, #tpu.memory_space<hbm>>) target_semaphore(%run_scoped3A : memref<!tpu.dma_semaphore, #tpu.memory_space<semaphore_mem>>)
      %dma_wait3A = arith.constant 0 : i32
      %dma_wait3A_66 = tpu.memref_slice %arg7[%arg0, %mul3A_61, %dma_wait3A] : memref<2x10240x128xf32, #tpu.memory_space<hbm>> -> memref<1x640x128xf32, #tpu.memory_space<hbm>>
      %dma_wait3A_67 = tpu.memref_squeeze %dma_wait3A_66 : memref<1x640x128xf32, #tpu.memory_space<hbm>> -> memref<640x128xf32, #tpu.memory_space<hbm>>
      %dma_wait3A_68 = arith.constant 0 : i32
      %dma_wait3A_69 = tpu.memref_slice %arg11[%mul3A_59, %dma_wait3A_68] : memref<10240x128xf32, #tpu.memory_space<vmem_shared>> -> memref<640x128xf32, #tpu.memory_space<vmem_shared>>
      tpu.wait_dma2 semaphore(%run_scoped3A : memref<!tpu.dma_semaphore, #tpu.memory_space<semaphore_mem>>) src(%dma_wait3A_69 : memref<640x128xf32, #tpu.memory_space<vmem_shared>>) dst(%dma_wait3A_67 : memref<640x128xf32, #tpu.memory_space<hbm>>)
      tpu.yield
    }) : () -> ()
    return
  }
}

module attributes {stable_mosaic.version = 14 : i64} {
  func.func @_prologue_body(%arg0: memref<10240x2xf32, #tpu.memory_space<vmem>>, %arg1: memref<10240x2xf32, #tpu.memory_space<vmem>>, %arg2: memref<1x128xf32, #tpu.memory_space<vmem>>, %arg3: memref<1024x128xf32, #tpu.memory_space<vmem>>, %arg4: memref<128x128xf32, #tpu.memory_space<vmem>>, %arg5: memref<1x128xf32, #tpu.memory_space<vmem>>, %arg6: memref<128x128xf32, #tpu.memory_space<vmem>>, %arg7: memref<1x128xf32, #tpu.memory_space<vmem>>, %arg8: memref<1024x128xf32, #tpu.memory_space<vmem>>, %arg9: memref<10240x2x128xf32, #tpu.memory_space<vmem>>) attributes {dimension_semantics = [], scalar_prefetch = 0 : i64, scratch_operands = 0 : i64, tpu.core_type = #tpu.core_type<tc>} {
    %get3A = arith.constant 0 : index
    %get3A_0 = arith.constant 0 : index
    %get3A_1 = vector.load %arg3[%get3A, %get3A_0] : memref<1024x128xf32, #tpu.memory_space<vmem>>, vector<1024x128xf32>
    %get3A_2 = arith.constant 0 : index
    %get3A_3 = arith.constant 0 : index
    %get3A_4 = vector.load %arg4[%get3A_2, %get3A_3] : memref<128x128xf32, #tpu.memory_space<vmem>>, vector<128x128xf32>
    %dot_general3A = arith.constant dense<0.000000e+00> : vector<1024x128xf32>
    %dot_general3A_5 = tpu.matmul %get3A_1, %get3A_4, %dot_general3A {dimension_numbers = #tpu.dot_dimension_numbers<[1], [0], [0], [1], [0, 0, 1, 1], [], []>, transpose_lhs_hint = false} : vector<1024x128xf32>, vector<128x128xf32>, vector<1024x128xf32> -> vector<1024x128xf32>
    %swap3A = arith.constant 0 : index
    %swap3A_6 = arith.constant 0 : index
    %swap3A_7 = vector.load %arg8[%swap3A, %swap3A_6] : memref<1024x128xf32, #tpu.memory_space<vmem>>, vector<1024x128xf32>
    tpu.vector_store %arg8[%swap3A, %swap3A_6], %dot_general3A_5 {strides = array<i32>} : memref<1024x128xf32, #tpu.memory_space<vmem>>, vector<1024x128xf32>,
    %get3A_8 = arith.constant 0 : index
    %get3A_9 = arith.constant 0 : index
    %get3A_10 = vector.load %arg2[%get3A_8, %get3A_9] : memref<1x128xf32, #tpu.memory_space<vmem>>, vector<1x128xf32>
    %iota3A = tpu.iota {dimensions = array<i32: 1>} : vector<10240x128xi32>
    %jit3A = arith.constant 2 : i32
    %eq3A = arith.constant 0 : i32
    %eq3A_11 = arith.cmpi eq, %jit3A, %eq3A : i32
    %jit3A_12 = arith.constant 1 : i32
    %select_n3A = arith.select %eq3A_11, %jit3A_12, %jit3A : i32
    %rem3A = vector.broadcast %select_n3A : i32 to vector<10240x128xi32>
    %rem3A_13 = arith.remsi %iota3A, %rem3A : vector<10240x128xi32>
    %ne3A = arith.constant 0 : i32
    %ne3A_14 = vector.broadcast %ne3A : i32 to vector<10240x128xi32>
    %ne3A_15 = arith.cmpi ne, %rem3A_13, %ne3A_14 : vector<10240x128xi32>
    %lt3A = arith.constant 0 : i32
    %lt3A_16 = vector.broadcast %lt3A : i32 to vector<10240x128xi32>
    %lt3A_17 = arith.cmpi slt, %rem3A_13, %lt3A_16 : vector<10240x128xi32>
    %lt3A_18 = arith.constant 0 : i32
    %lt3A_19 = arith.cmpi slt, %select_n3A, %lt3A_18 : i32
    %ne3A_20 = vector.broadcast %lt3A_19 : i1 to vector<10240x128xi1>
    %ne3A_21 = vector.broadcast %ne3A_20 : vector<10240x128xi1> to vector<10240x128xi1>
    %ne3A_22 = arith.xori %lt3A_17, %ne3A_21 : vector<10240x128xi1>
    %and3A = arith.andi %ne3A_22, %ne3A_15 : vector<10240x128xi1>
    %add3A = vector.broadcast %select_n3A : i32 to vector<10240x128xi32>
    %add3A_23 = arith.addi %rem3A_13, %add3A : vector<10240x128xi32>
    %select_n3A_24 = arith.select %and3A, %add3A_23, %rem3A_13 : vector<10240x128xi1>, vector<10240x128xi32>
    %eq3A_25 = arith.constant 0 : i32
    %eq3A_26 = vector.broadcast %eq3A_25 : i32 to vector<10240x128xi32>
    %eq3A_27 = arith.cmpi eq, %select_n3A_24, %eq3A_26 : vector<10240x128xi32>
    %get3A_28 = arith.constant 0 : index
    %get3A_29 = arith.constant 0 : index
    %get3A_30 = vector.load %arg0[%get3A_28, %get3A_29] : memref<10240x2xf32, #tpu.memory_space<vmem>>, vector<10240x1xf32>
    %div3A = vector.broadcast %get3A_30 : vector<10240x1xf32> to vector<10240x128xf32>
    %div3A_31 = vector.broadcast %get3A_10 : vector<1x128xf32> to vector<10240x128xf32>
    %div3A_32 = arith.divf %div3A, %div3A_31 : vector<10240x128xf32>
    %sin3A = math.sin %div3A_32 : vector<10240x128xf32>
    %cos3A = math.cos %div3A_32 : vector<10240x128xf32>
    %select_n3A_33 = arith.select %eq3A_27, %sin3A, %cos3A : vector<10240x128xi1>, vector<10240x128xf32>
    %get3A_34 = arith.constant 0 : index
    %get3A_35 = arith.constant 0 : index
    %get3A_36 = vector.load %arg1[%get3A_34, %get3A_35] : memref<10240x2xf32, #tpu.memory_space<vmem>>, vector<10240x1xf32>
    %ne3A_37 = arith.constant 0.000000e+00 : f32
    %ne3A_38 = vector.broadcast %ne3A_37 : f32 to vector<10240x1xf32>
    %ne3A_39 = arith.cmpf one, %get3A_36, %ne3A_38 : vector<10240x1xf32>
    %convert_element_type3A = arith.extui %ne3A_39 : vector<10240x1xi1> to vector<10240x1xi32>
    %convert_element_type3A_40 = arith.sitofp %convert_element_type3A : vector<10240x1xi32> to vector<10240x1xf32>
    %mul3A = vector.broadcast %convert_element_type3A_40 : vector<10240x1xf32> to vector<10240x128xf32>
    %mul3A_41 = arith.mulf %select_n3A_33, %mul3A : vector<10240x128xf32>
    %get3A_42 = arith.constant 0 : index
    %get3A_43 = arith.constant 0 : index
    %get3A_44 = vector.load %arg6[%get3A_42, %get3A_43] : memref<128x128xf32, #tpu.memory_space<vmem>>, vector<128x128xf32>
    %dot_general3A_45 = arith.constant dense<0.000000e+00> : vector<10240x128xf32>
    %dot_general3A_46 = tpu.matmul %mul3A_41, %get3A_44, %dot_general3A_45 {dimension_numbers = #tpu.dot_dimension_numbers<[1], [0], [0], [1], [0, 0, 1, 1], [], []>, transpose_lhs_hint = false} : vector<10240x128xf32>, vector<128x128xf32>, vector<10240x128xf32> -> vector<10240x128xf32>
    %get3A_47 = arith.constant 0 : index
    %get3A_48 = arith.constant 0 : index
    %get3A_49 = vector.load %arg1[%get3A_47, %get3A_48] : memref<10240x2xf32, #tpu.memory_space<vmem>>, vector<10240x1xf32>
    %convert_element_type3A_50 = arith.truncf %get3A_49 : vector<10240x1xf32> to vector<10240x1xbf16>
    %convert_element_type3A_51 = arith.extf %convert_element_type3A_50 : vector<10240x1xbf16> to vector<10240x1xf32>
    %get3A_52 = arith.constant 0 : index
    %get3A_53 = arith.constant 0 : index
    %get3A_54 = vector.load %arg5[%get3A_52, %get3A_53] : memref<1x128xf32, #tpu.memory_space<vmem>>, vector<1x128xf32>
    %convert_element_type3A_55 = arith.truncf %get3A_54 : vector<1x128xf32> to vector<1x128xbf16>
    %convert_element_type3A_56 = arith.extf %convert_element_type3A_55 : vector<1x128xbf16> to vector<1x128xf32>
    %mul3A_57 = vector.broadcast %convert_element_type3A_51 : vector<10240x1xf32> to vector<10240x128xf32>
    %mul3A_58 = vector.broadcast %convert_element_type3A_56 : vector<1x128xf32> to vector<10240x128xf32>
    %mul3A_59 = arith.mulf %mul3A_57, %mul3A_58 : vector<10240x128xf32>
    %add3A_60 = arith.addf %dot_general3A_46, %mul3A_59 : vector<10240x128xf32>
    %get3A_61 = arith.constant 0 : index
    %get3A_62 = arith.constant 0 : index
    %get3A_63 = vector.load %arg7[%get3A_61, %get3A_62] : memref<1x128xf32, #tpu.memory_space<vmem>>, vector<1x128xf32>
    %add3A_64 = vector.broadcast %get3A_63 : vector<1x128xf32> to vector<10240x128xf32>
    %add3A_65 = arith.addf %add3A_60, %add3A_64 : vector<10240x128xf32>
    %swap3A_66 = arith.constant 0 : index
    %swap3A_67 = arith.constant 0 : index
    %swap3A_68 = arith.constant 0 : index
    %swap3A_69 = vector.load %arg9[%swap3A_66, %swap3A_67, %swap3A_68] : memref<10240x2x128xf32, #tpu.memory_space<vmem>>, vector<10240x1x128xf32>
    %swap3A_70 = vector.shape_cast %swap3A_69 : vector<10240x1x128xf32> to vector<10240x128xf32>
    %swap3A_71 = vector.shape_cast %add3A_65 : vector<10240x128xf32> to vector<10240x1x128xf32>
    tpu.vector_store %arg9[%swap3A_66, %swap3A_67, %swap3A_68], %swap3A_71 {strides = array<i32>} : memref<10240x2x128xf32, #tpu.memory_space<vmem>>, vector<10240x1x128xf32>,
    %get3A_72 = arith.constant 0 : index
    %get3A_73 = arith.constant 1 : index
    %get3A_74 = vector.load %arg0[%get3A_72, %get3A_73] : memref<10240x2xf32, #tpu.memory_space<vmem>>, vector<10240x1xf32>
    %div3A_75 = vector.broadcast %get3A_74 : vector<10240x1xf32> to vector<10240x128xf32>
    %div3A_76 = vector.broadcast %get3A_10 : vector<1x128xf32> to vector<10240x128xf32>
    %div3A_77 = arith.divf %div3A_75, %div3A_76 : vector<10240x128xf32>
    %sin3A_78 = math.sin %div3A_77 : vector<10240x128xf32>
    %cos3A_79 = math.cos %div3A_77 : vector<10240x128xf32>
    %select_n3A_80 = arith.select %eq3A_27, %sin3A_78, %cos3A_79 : vector<10240x128xi1>, vector<10240x128xf32>
    %get3A_81 = arith.constant 0 : index
    %get3A_82 = arith.constant 1 : index
    %get3A_83 = vector.load %arg1[%get3A_81, %get3A_82] : memref<10240x2xf32, #tpu.memory_space<vmem>>, vector<10240x1xf32>
    %ne3A_84 = arith.constant 0.000000e+00 : f32
    %ne3A_85 = vector.broadcast %ne3A_84 : f32 to vector<10240x1xf32>
    %ne3A_86 = arith.cmpf one, %get3A_83, %ne3A_85 : vector<10240x1xf32>
    %convert_element_type3A_87 = arith.extui %ne3A_86 : vector<10240x1xi1> to vector<10240x1xi32>
    %convert_element_type3A_88 = arith.sitofp %convert_element_type3A_87 : vector<10240x1xi32> to vector<10240x1xf32>
    %mul3A_89 = vector.broadcast %convert_element_type3A_88 : vector<10240x1xf32> to vector<10240x128xf32>
    %mul3A_90 = arith.mulf %select_n3A_80, %mul3A_89 : vector<10240x128xf32>
    %get3A_91 = arith.constant 0 : index
    %get3A_92 = arith.constant 0 : index
    %get3A_93 = vector.load %arg6[%get3A_91, %get3A_92] : memref<128x128xf32, #tpu.memory_space<vmem>>, vector<128x128xf32>
    %dot_general3A_94 = arith.constant dense<0.000000e+00> : vector<10240x128xf32>
    %dot_general3A_95 = tpu.matmul %mul3A_90, %get3A_93, %dot_general3A_94 {dimension_numbers = #tpu.dot_dimension_numbers<[1], [0], [0], [1], [0, 0, 1, 1], [], []>, transpose_lhs_hint = false} : vector<10240x128xf32>, vector<128x128xf32>, vector<10240x128xf32> -> vector<10240x128xf32>
    %get3A_96 = arith.constant 0 : index
    %get3A_97 = arith.constant 1 : index
    %get3A_98 = vector.load %arg1[%get3A_96, %get3A_97] : memref<10240x2xf32, #tpu.memory_space<vmem>>, vector<10240x1xf32>
    %convert_element_type3A_99 = arith.truncf %get3A_98 : vector<10240x1xf32> to vector<10240x1xbf16>
    %convert_element_type3A_100 = arith.extf %convert_element_type3A_99 : vector<10240x1xbf16> to vector<10240x1xf32>
    %get3A_101 = arith.constant 0 : index
    %get3A_102 = arith.constant 0 : index
    %get3A_103 = vector.load %arg5[%get3A_101, %get3A_102] : memref<1x128xf32, #tpu.memory_space<vmem>>, vector<1x128xf32>
    %convert_element_type3A_104 = arith.truncf %get3A_103 : vector<1x128xf32> to vector<1x128xbf16>
    %convert_element_type3A_105 = arith.extf %convert_element_type3A_104 : vector<1x128xbf16> to vector<1x128xf32>
    %mul3A_106 = vector.broadcast %convert_element_type3A_100 : vector<10240x1xf32> to vector<10240x128xf32>
    %mul3A_107 = vector.broadcast %convert_element_type3A_105 : vector<1x128xf32> to vector<10240x128xf32>
    %mul3A_108 = arith.mulf %mul3A_106, %mul3A_107 : vector<10240x128xf32>
    %add3A_109 = arith.addf %dot_general3A_95, %mul3A_108 : vector<10240x128xf32>
    %get3A_110 = arith.constant 0 : index
    %get3A_111 = arith.constant 0 : index
    %get3A_112 = vector.load %arg7[%get3A_110, %get3A_111] : memref<1x128xf32, #tpu.memory_space<vmem>>, vector<1x128xf32>
    %add3A_113 = vector.broadcast %get3A_112 : vector<1x128xf32> to vector<10240x128xf32>
    %add3A_114 = arith.addf %add3A_109, %add3A_113 : vector<10240x128xf32>
    %swap3A_115 = arith.constant 0 : index
    %swap3A_116 = arith.constant 1 : index
    %swap3A_117 = arith.constant 0 : index
    %swap3A_118 = vector.load %arg9[%swap3A_115, %swap3A_116, %swap3A_117] : memref<10240x2x128xf32, #tpu.memory_space<vmem>>, vector<10240x1x128xf32>
    %swap3A_119 = vector.shape_cast %swap3A_118 : vector<10240x1x128xf32> to vector<10240x128xf32>
    %swap3A_120 = vector.shape_cast %add3A_114 : vector<10240x128xf32> to vector<10240x1x128xf32>
    tpu.vector_store %arg9[%swap3A_115, %swap3A_116, %swap3A_117], %swap3A_120 {strides = array<i32>} : memref<10240x2x128xf32, #tpu.memory_space<vmem>>, vector<10240x1x128xf32>,
    return
  }
}

module attributes {stable_mosaic.version = 14 : i64} {
  func.func @_edge_mlp_body(%arg0: i32, %arg1: memref<1024x128xf32, #tpu.memory_space<vmem>>, %arg2: memref<1024x128xf32, #tpu.memory_space<vmem>>, %arg3: memref<1024x128xf32, #tpu.memory_space<vmem>>, %arg4: memref<1024x128xf32, #tpu.memory_space<vmem>>, %arg5: memref<128x256xf32, #tpu.memory_space<vmem>>, %arg6: memref<128x256xf32, #tpu.memory_space<vmem>>, %arg7: memref<1x256xf32, #tpu.memory_space<vmem>>, %arg8: memref<256x256xf32, #tpu.memory_space<vmem>>, %arg9: memref<1x256xf32, #tpu.memory_space<vmem>>, %arg10: memref<4x1024x128xf32, #tpu.memory_space<vmem>>) attributes {dimension_semantics = [#tpu.dimension_semantics<arbitrary>], iteration_bounds = array<i64: 160>, scalar_prefetch = 0 : i64, scratch_operands = 0 : i64, tpu.core_type = #tpu.core_type<tc>, window_params = [{transform_indices = @transform_0, window_bounds = array<i64: 1024, 128>}, {transform_indices = @transform_1, window_bounds = array<i64: 1024, 128>}, {transform_indices = @transform_2, window_bounds = array<i64: 1024, 128>}, {transform_indices = @transform_3, window_bounds = array<i64: 1024, 128>}, {pipeline_mode = #tpu.pipeline_mode<synchronous>, transform_indices = @transform_4, window_bounds = array<i64: 128, 256>}, {pipeline_mode = #tpu.pipeline_mode<synchronous>, transform_indices = @transform_5, window_bounds = array<i64: 128, 256>}, {pipeline_mode = #tpu.pipeline_mode<synchronous>, transform_indices = @transform_6, window_bounds = array<i64: 1, 256>}, {pipeline_mode = #tpu.pipeline_mode<synchronous>, transform_indices = @transform_7, window_bounds = array<i64: 256, 256>}, {pipeline_mode = #tpu.pipeline_mode<synchronous>, transform_indices = @transform_8, window_bounds = array<i64: 1, 256>}, {transform_indices = @transform_9, window_bounds = array<i64: 4, 1024, 128>}]} {
    %get3A = arith.constant 0 : index
    %get3A_0 = arith.constant 0 : index
    %get3A_1 = vector.load %arg1[%get3A, %get3A_0] : memref<1024x128xf32, #tpu.memory_space<vmem>>, vector<1024x128xf32>
    %get3A_2 = arith.constant 0 : index
    %get3A_3 = arith.constant 0 : index
    %get3A_4 = vector.load %arg5[%get3A_2, %get3A_3] : memref<128x256xf32, #tpu.memory_space<vmem>>, vector<128x256xf32>
    %dot_general3A = arith.constant dense<0.000000e+00> : vector<1024x256xf32>
    %dot_general3A_5 = tpu.matmul %get3A_1, %get3A_4, %dot_general3A {dimension_numbers = #tpu.dot_dimension_numbers<[1], [0], [0], [1], [0, 0, 1, 1], [], []>, transpose_lhs_hint = false} : vector<1024x128xf32>, vector<128x256xf32>, vector<1024x256xf32> -> vector<1024x256xf32>
    %get3A_6 = arith.constant 0 : index
    %get3A_7 = arith.constant 0 : index
    %get3A_8 = vector.load %arg3[%get3A_6, %get3A_7] : memref<1024x128xf32, #tpu.memory_space<vmem>>, vector<1024x128xf32>
    %get3A_9 = arith.constant 0 : index
    %get3A_10 = arith.constant 0 : index
    %get3A_11 = vector.load %arg6[%get3A_9, %get3A_10] : memref<128x256xf32, #tpu.memory_space<vmem>>, vector<128x256xf32>
    %dot_general3A_12 = arith.constant dense<0.000000e+00> : vector<1024x256xf32>
    %dot_general3A_13 = tpu.matmul %get3A_8, %get3A_11, %dot_general3A_12 {dimension_numbers = #tpu.dot_dimension_numbers<[1], [0], [0], [1], [0, 0, 1, 1], [], []>, transpose_lhs_hint = false} : vector<1024x128xf32>, vector<128x256xf32>, vector<1024x256xf32> -> vector<1024x256xf32>
    %add3A = arith.addf %dot_general3A_5, %dot_general3A_13 : vector<1024x256xf32>
    %get3A_14 = arith.constant 0 : index
    %get3A_15 = arith.constant 0 : index
    %get3A_16 = vector.load %arg7[%get3A_14, %get3A_15] : memref<1x256xf32, #tpu.memory_space<vmem>>, vector<1x256xf32>
    %add3A_17 = vector.broadcast %get3A_16 : vector<1x256xf32> to vector<1024x256xf32>
    %add3A_18 = arith.addf %add3A, %add3A_17 : vector<1024x256xf32>
    %gt3A = arith.constant 0.000000e+00 : f32
    %gt3A_19 = vector.broadcast %gt3A : f32 to vector<1024x256xf32>
    %gt3A_20 = arith.cmpf ogt, %add3A_18, %gt3A_19 : vector<1024x256xf32>
    %min3A = arith.constant 0.000000e+00 : f32
    %min3A_21 = vector.broadcast %min3A : f32 to vector<1024x256xf32>
    %min3A_22 = arith.minimumf %add3A_18, %min3A_21 : vector<1024x256xf32>
    %exp3A = math.exp %min3A_22 : vector<1024x256xf32>
    %sub3A = arith.constant 1.000000e+00 : f32
    %sub3A_23 = vector.broadcast %sub3A : f32 to vector<1024x256xf32>
    %sub3A_24 = arith.subf %exp3A, %sub3A_23 : vector<1024x256xf32>
    %select_n3A = arith.select %gt3A_20, %add3A_18, %sub3A_24 : vector<1024x256xi1>, vector<1024x256xf32>
    %get3A_25 = arith.constant 0 : index
    %get3A_26 = arith.constant 0 : index
    %get3A_27 = vector.load %arg8[%get3A_25, %get3A_26] : memref<256x256xf32, #tpu.memory_space<vmem>>, vector<256x256xf32>
    %dot_general3A_28 = arith.constant dense<0.000000e+00> : vector<1024x256xf32>
    %dot_general3A_29 = tpu.matmul %select_n3A, %get3A_27, %dot_general3A_28 {dimension_numbers = #tpu.dot_dimension_numbers<[1], [0], [0], [1], [0, 0, 1, 1], [], []>, transpose_lhs_hint = false} : vector<1024x256xf32>, vector<256x256xf32>, vector<1024x256xf32> -> vector<1024x256xf32>
    %get3A_30 = arith.constant 0 : index
    %get3A_31 = arith.constant 0 : index
    %get3A_32 = vector.load %arg9[%get3A_30, %get3A_31] : memref<1x256xf32, #tpu.memory_space<vmem>>, vector<1x256xf32>
    %add3A_33 = vector.broadcast %get3A_32 : vector<1x256xf32> to vector<1024x256xf32>
    %add3A_34 = arith.addf %dot_general3A_29, %add3A_33 : vector<1024x256xf32>
    %gt3A_35 = arith.constant 0.000000e+00 : f32
    %gt3A_36 = vector.broadcast %gt3A_35 : f32 to vector<1024x256xf32>
    %gt3A_37 = arith.cmpf ogt, %add3A_34, %gt3A_36 : vector<1024x256xf32>
    %min3A_38 = arith.constant 0.000000e+00 : f32
    %min3A_39 = vector.broadcast %min3A_38 : f32 to vector<1024x256xf32>
    %min3A_40 = arith.minimumf %add3A_34, %min3A_39 : vector<1024x256xf32>
    %exp3A_41 = math.exp %min3A_40 : vector<1024x256xf32>
    %sub3A_42 = arith.constant 1.000000e+00 : f32
    %sub3A_43 = vector.broadcast %sub3A_42 : f32 to vector<1024x256xf32>
    %sub3A_44 = arith.subf %exp3A_41, %sub3A_43 : vector<1024x256xf32>
    %select_n3A_45 = arith.select %gt3A_37, %add3A_34, %sub3A_44 : vector<1024x256xi1>, vector<1024x256xf32>
    %slice3A = vector.extract_strided_slice %select_n3A_45 {offsets = [0, 0], sizes = [1024, 128], strides = [1, 1]} : vector<1024x256xf32> to vector<1024x128xf32>
    %swap3A = arith.constant 0 : index
    %swap3A_46 = arith.constant 0 : index
    %swap3A_47 = arith.constant 0 : index
    %swap3A_48 = vector.load %arg10[%swap3A, %swap3A_46, %swap3A_47] : memref<4x1024x128xf32, #tpu.memory_space<vmem>>, vector<1x1024x128xf32>
    %swap3A_49 = vector.shape_cast %swap3A_48 : vector<1x1024x128xf32> to vector<1024x128xf32>
    %swap3A_50 = vector.shape_cast %slice3A : vector<1024x128xf32> to vector<1x1024x128xf32>
    tpu.vector_store %arg10[%swap3A, %swap3A_46, %swap3A_47], %swap3A_50 {strides = array<i32>} : memref<4x1024x128xf32, #tpu.memory_space<vmem>>, vector<1x1024x128xf32>,
    %slice3A_51 = vector.extract_strided_slice %select_n3A_45 {offsets = [0, 128], sizes = [1024, 128], strides = [1, 1]} : vector<1024x256xf32> to vector<1024x128xf32>
    %swap3A_52 = arith.constant 1 : index
    %swap3A_53 = arith.constant 0 : index
    %swap3A_54 = arith.constant 0 : index
    %swap3A_55 = vector.load %arg10[%swap3A_52, %swap3A_53, %swap3A_54] : memref<4x1024x128xf32, #tpu.memory_space<vmem>>, vector<1x1024x128xf32>
    %swap3A_56 = vector.shape_cast %swap3A_55 : vector<1x1024x128xf32> to vector<1024x128xf32>
    %swap3A_57 = vector.shape_cast %slice3A_51 : vector<1024x128xf32> to vector<1x1024x128xf32>
    tpu.vector_store %arg10[%swap3A_52, %swap3A_53, %swap3A_54], %swap3A_57 {strides = array<i32>} : memref<4x1024x128xf32, #tpu.memory_space<vmem>>, vector<1x1024x128xf32>,
    %get3A_58 = arith.constant 0 : index
    %get3A_59 = arith.constant 0 : index
    %get3A_60 = vector.load %arg2[%get3A_58, %get3A_59] : memref<1024x128xf32, #tpu.memory_space<vmem>>, vector<1024x128xf32>
    %get3A_61 = arith.constant 0 : index
    %get3A_62 = arith.constant 0 : index
    %get3A_63 = vector.load %arg5[%get3A_61, %get3A_62] : memref<128x256xf32, #tpu.memory_space<vmem>>, vector<128x256xf32>
    %dot_general3A_64 = arith.constant dense<0.000000e+00> : vector<1024x256xf32>
    %dot_general3A_65 = tpu.matmul %get3A_60, %get3A_63, %dot_general3A_64 {dimension_numbers = #tpu.dot_dimension_numbers<[1], [0], [0], [1], [0, 0, 1, 1], [], []>, transpose_lhs_hint = false} : vector<1024x128xf32>, vector<128x256xf32>, vector<1024x256xf32> -> vector<1024x256xf32>
    %get3A_66 = arith.constant 0 : index
    %get3A_67 = arith.constant 0 : index
    %get3A_68 = vector.load %arg4[%get3A_66, %get3A_67] : memref<1024x128xf32, #tpu.memory_space<vmem>>, vector<1024x128xf32>
    %get3A_69 = arith.constant 0 : index
    %get3A_70 = arith.constant 0 : index
    %get3A_71 = vector.load %arg6[%get3A_69, %get3A_70] : memref<128x256xf32, #tpu.memory_space<vmem>>, vector<128x256xf32>
    %dot_general3A_72 = arith.constant dense<0.000000e+00> : vector<1024x256xf32>
    %dot_general3A_73 = tpu.matmul %get3A_68, %get3A_71, %dot_general3A_72 {dimension_numbers = #tpu.dot_dimension_numbers<[1], [0], [0], [1], [0, 0, 1, 1], [], []>, transpose_lhs_hint = false} : vector<1024x128xf32>, vector<128x256xf32>, vector<1024x256xf32> -> vector<1024x256xf32>
    %add3A_74 = arith.addf %dot_general3A_65, %dot_general3A_73 : vector<1024x256xf32>
    %get3A_75 = arith.constant 0 : index
    %get3A_76 = arith.constant 0 : index
    %get3A_77 = vector.load %arg7[%get3A_75, %get3A_76] : memref<1x256xf32, #tpu.memory_space<vmem>>, vector<1x256xf32>
    %add3A_78 = vector.broadcast %get3A_77 : vector<1x256xf32> to vector<1024x256xf32>
    %add3A_79 = arith.addf %add3A_74, %add3A_78 : vector<1024x256xf32>
    %gt3A_80 = arith.constant 0.000000e+00 : f32
    %gt3A_81 = vector.broadcast %gt3A_80 : f32 to vector<1024x256xf32>
    %gt3A_82 = arith.cmpf ogt, %add3A_79, %gt3A_81 : vector<1024x256xf32>
    %min3A_83 = arith.constant 0.000000e+00 : f32
    %min3A_84 = vector.broadcast %min3A_83 : f32 to vector<1024x256xf32>
    %min3A_85 = arith.minimumf %add3A_79, %min3A_84 : vector<1024x256xf32>
    %exp3A_86 = math.exp %min3A_85 : vector<1024x256xf32>
    %sub3A_87 = arith.constant 1.000000e+00 : f32
    %sub3A_88 = vector.broadcast %sub3A_87 : f32 to vector<1024x256xf32>
    %sub3A_89 = arith.subf %exp3A_86, %sub3A_88 : vector<1024x256xf32>
    %select_n3A_90 = arith.select %gt3A_82, %add3A_79, %sub3A_89 : vector<1024x256xi1>, vector<1024x256xf32>
    %get3A_91 = arith.constant 0 : index
    %get3A_92 = arith.constant 0 : index
    %get3A_93 = vector.load %arg8[%get3A_91, %get3A_92] : memref<256x256xf32, #tpu.memory_space<vmem>>, vector<256x256xf32>
    %dot_general3A_94 = arith.constant dense<0.000000e+00> : vector<1024x256xf32>
    %dot_general3A_95 = tpu.matmul %select_n3A_90, %get3A_93, %dot_general3A_94 {dimension_numbers = #tpu.dot_dimension_numbers<[1], [0], [0], [1], [0, 0, 1, 1], [], []>, transpose_lhs_hint = false} : vector<1024x256xf32>, vector<256x256xf32>, vector<1024x256xf32> -> vector<1024x256xf32>
    %get3A_96 = arith.constant 0 : index
    %get3A_97 = arith.constant 0 : index
    %get3A_98 = vector.load %arg9[%get3A_96, %get3A_97] : memref<1x256xf32, #tpu.memory_space<vmem>>, vector<1x256xf32>
    %add3A_99 = vector.broadcast %get3A_98 : vector<1x256xf32> to vector<1024x256xf32>
    %add3A_100 = arith.addf %dot_general3A_95, %add3A_99 : vector<1024x256xf32>
    %gt3A_101 = arith.constant 0.000000e+00 : f32
    %gt3A_102 = vector.broadcast %gt3A_101 : f32 to vector<1024x256xf32>
    %gt3A_103 = arith.cmpf ogt, %add3A_100, %gt3A_102 : vector<1024x256xf32>
    %min3A_104 = arith.constant 0.000000e+00 : f32
    %min3A_105 = vector.broadcast %min3A_104 : f32 to vector<1024x256xf32>
    %min3A_106 = arith.minimumf %add3A_100, %min3A_105 : vector<1024x256xf32>
    %exp3A_107 = math.exp %min3A_106 : vector<1024x256xf32>
    %sub3A_108 = arith.constant 1.000000e+00 : f32
    %sub3A_109 = vector.broadcast %sub3A_108 : f32 to vector<1024x256xf32>
    %sub3A_110 = arith.subf %exp3A_107, %sub3A_109 : vector<1024x256xf32>
    %select_n3A_111 = arith.select %gt3A_103, %add3A_100, %sub3A_110 : vector<1024x256xi1>, vector<1024x256xf32>
    %slice3A_112 = vector.extract_strided_slice %select_n3A_111 {offsets = [0, 0], sizes = [1024, 128], strides = [1, 1]} : vector<1024x256xf32> to vector<1024x128xf32>
    %swap3A_113 = arith.constant 2 : index
    %swap3A_114 = arith.constant 0 : index
    %swap3A_115 = arith.constant 0 : index
    %swap3A_116 = vector.load %arg10[%swap3A_113, %swap3A_114, %swap3A_115] : memref<4x1024x128xf32, #tpu.memory_space<vmem>>, vector<1x1024x128xf32>
    %swap3A_117 = vector.shape_cast %swap3A_116 : vector<1x1024x128xf32> to vector<1024x128xf32>
    %swap3A_118 = vector.shape_cast %slice3A_112 : vector<1024x128xf32> to vector<1x1024x128xf32>
    tpu.vector_store %arg10[%swap3A_113, %swap3A_114, %swap3A_115], %swap3A_118 {strides = array<i32>} : memref<4x1024x128xf32, #tpu.memory_space<vmem>>, vector<1x1024x128xf32>,
    %slice3A_119 = vector.extract_strided_slice %select_n3A_111 {offsets = [0, 128], sizes = [1024, 128], strides = [1, 1]} : vector<1024x256xf32> to vector<1024x128xf32>
    %swap3A_120 = arith.constant 3 : index
    %swap3A_121 = arith.constant 0 : index
    %swap3A_122 = arith.constant 0 : index
    %swap3A_123 = vector.load %arg10[%swap3A_120, %swap3A_121, %swap3A_122] : memref<4x1024x128xf32, #tpu.memory_space<vmem>>, vector<1x1024x128xf32>
    %swap3A_124 = vector.shape_cast %swap3A_123 : vector<1x1024x128xf32> to vector<1024x128xf32>
    %swap3A_125 = vector.shape_cast %slice3A_119 : vector<1024x128xf32> to vector<1x1024x128xf32>
    tpu.vector_store %arg10[%swap3A_120, %swap3A_121, %swap3A_122], %swap3A_125 {strides = array<i32>} : memref<4x1024x128xf32, #tpu.memory_space<vmem>>, vector<1x1024x128xf32>,
    return
  }
  func.func @transform_0(%arg0: i32) -> (i32, i32) {
    %c0_i32 = arith.constant 0 : i32
    %c0_i32_0 = arith.constant 0 : i32
    return %arg0, %c0_i32 : i32, i32
  }
  func.func @transform_1(%arg0: i32) -> (i32, i32) {
    %c0_i32 = arith.constant 0 : i32
    %c0_i32_0 = arith.constant 0 : i32
    return %arg0, %c0_i32 : i32, i32
  }
  func.func @transform_2(%arg0: i32) -> (i32, i32) {
    %c0_i32 = arith.constant 0 : i32
    %c0_i32_0 = arith.constant 0 : i32
    return %arg0, %c0_i32 : i32, i32
  }
  func.func @transform_3(%arg0: i32) -> (i32, i32) {
    %c0_i32 = arith.constant 0 : i32
    %c0_i32_0 = arith.constant 0 : i32
    return %arg0, %c0_i32 : i32, i32
  }
  func.func @transform_4(%arg0: i32) -> (i32, i32) {
    %c0_i32 = arith.constant 0 : i32
    %c0_i32_0 = arith.constant 0 : i32
    %c0_i32_1 = arith.constant 0 : i32
    return %c0_i32, %c0_i32_0 : i32, i32
  }
  func.func @transform_5(%arg0: i32) -> (i32, i32) {
    %c0_i32 = arith.constant 0 : i32
    %c0_i32_0 = arith.constant 0 : i32
    %c0_i32_1 = arith.constant 0 : i32
    return %c0_i32, %c0_i32_0 : i32, i32
  }
  func.func @transform_6(%arg0: i32) -> (i32, i32) {
    %c0_i32 = arith.constant 0 : i32
    %c0_i32_0 = arith.constant 0 : i32
    %c0_i32_1 = arith.constant 0 : i32
    return %c0_i32, %c0_i32_0 : i32, i32
  }
  func.func @transform_7(%arg0: i32) -> (i32, i32) {
    %c0_i32 = arith.constant 0 : i32
    %c0_i32_0 = arith.constant 0 : i32
    %c0_i32_1 = arith.constant 0 : i32
    return %c0_i32, %c0_i32_0 : i32, i32
  }
  func.func @transform_8(%arg0: i32) -> (i32, i32) {
    %c0_i32 = arith.constant 0 : i32
    %c0_i32_0 = arith.constant 0 : i32
    %c0_i32_1 = arith.constant 0 : i32
    return %c0_i32, %c0_i32_0 : i32, i32
  }
  func.func @transform_9(%arg0: i32) -> (i32, i32, i32) {
    %c0_i32 = arith.constant 0 : i32
    %c0_i32_0 = arith.constant 0 : i32
    %c0_i32_1 = arith.constant 0 : i32
    return %c0_i32, %arg0, %c0_i32_0 : i32, i32, i32
  }
}

module attributes {stable_mosaic.version = 14 : i64} {
  func.func @_epilogue_body(%arg0: i32, %arg1: memref<4x1024x128xf32, #tpu.memory_space<vmem>>, %arg2: memref<2x1024x128xf32, #tpu.memory_space<vmem>>, %arg3: memref<128x128xf32, #tpu.memory_space<vmem>>, %arg4: memref<128x128xf32, #tpu.memory_space<vmem>>, %arg5: memref<1x128xf32, #tpu.memory_space<vmem>>, %arg6: memref<128x128xf32, #tpu.memory_space<vmem>>, %arg7: memref<1x128xf32, #tpu.memory_space<vmem>>, %arg8: memref<128x512xf32, #tpu.memory_space<vmem>>, %arg9: memref<128x512xf32, #tpu.memory_space<vmem>>, %arg10: memref<1x512xf32, #tpu.memory_space<vmem>>, %arg11: memref<128x128xf32, #tpu.memory_space<vmem>>, %arg12: memref<1x128xf32, #tpu.memory_space<vmem>>, %arg13: memref<1024x128xf32, #tpu.memory_space<vmem>>) attributes {dimension_semantics = [#tpu.dimension_semantics<arbitrary>], iteration_bounds = array<i64: 10>, scalar_prefetch = 0 : i64, scratch_operands = 0 : i64, tpu.core_type = #tpu.core_type<tc>, window_params = [{transform_indices = @transform_0, window_bounds = array<i64: 4, 1024, 128>}, {transform_indices = @transform_1, window_bounds = array<i64: 2, 1024, 128>}, {pipeline_mode = #tpu.pipeline_mode<synchronous>, transform_indices = @transform_2, window_bounds = array<i64: 128, 128>}, {pipeline_mode = #tpu.pipeline_mode<synchronous>, transform_indices = @transform_3, window_bounds = array<i64: 128, 128>}, {pipeline_mode = #tpu.pipeline_mode<synchronous>, transform_indices = @transform_4, window_bounds = array<i64: 1, 128>}, {pipeline_mode = #tpu.pipeline_mode<synchronous>, transform_indices = @transform_5, window_bounds = array<i64: 128, 128>}, {pipeline_mode = #tpu.pipeline_mode<synchronous>, transform_indices = @transform_6, window_bounds = array<i64: 1, 128>}, {pipeline_mode = #tpu.pipeline_mode<synchronous>, transform_indices = @transform_7, window_bounds = array<i64: 128, 512>}, {pipeline_mode = #tpu.pipeline_mode<synchronous>, transform_indices = @transform_8, window_bounds = array<i64: 128, 512>}, {pipeline_mode = #tpu.pipeline_mode<synchronous>, transform_indices = @transform_9, window_bounds = array<i64: 1, 512>}, {pipeline_mode = #tpu.pipeline_mode<synchronous>, transform_indices = @transform_10, window_bounds = array<i64: 128, 128>}, {pipeline_mode = #tpu.pipeline_mode<synchronous>, transform_indices = @transform_11, window_bounds = array<i64: 1, 128>}, {transform_indices = @transform_12, window_bounds = array<i64: 1024, 128>}]} {
    %get3A = arith.constant 0 : index
    %get3A_0 = arith.constant 0 : index
    %get3A_1 = arith.constant 0 : index
    %get3A_2 = vector.load %arg2[%get3A, %get3A_0, %get3A_1] : memref<2x1024x128xf32, #tpu.memory_space<vmem>>, vector<1x1024x128xf32>
    %get3A_3 = vector.shape_cast %get3A_2 : vector<1x1024x128xf32> to vector<1024x128xf32>
    %get3A_4 = arith.constant 1 : index
    %get3A_5 = arith.constant 0 : index
    %get3A_6 = arith.constant 0 : index
    %get3A_7 = vector.load %arg2[%get3A_4, %get3A_5, %get3A_6] : memref<2x1024x128xf32, #tpu.memory_space<vmem>>, vector<1x1024x128xf32>
    %get3A_8 = vector.shape_cast %get3A_7 : vector<1x1024x128xf32> to vector<1024x128xf32>
    %add3A = arith.addf %get3A_3, %get3A_8 : vector<1024x128xf32>
    %slice3A = vector.extract_strided_slice %add3A {offsets = [0, 0], sizes = [1024, 1], strides = [1, 1]} : vector<1024x128xf32> to vector<1024x1xf32>
    %max3A = arith.constant 1.000000e+00 : f32
    %max3A_9 = vector.broadcast %max3A : f32 to vector<1024x1xf32>
    %max3A_10 = arith.maximumf %slice3A, %max3A_9 : vector<1024x1xf32>
    %get3A_11 = arith.constant 0 : index
    %get3A_12 = arith.constant 0 : index
    %get3A_13 = arith.constant 0 : index
    %get3A_14 = vector.load %arg1[%get3A_11, %get3A_12, %get3A_13] : memref<4x1024x128xf32, #tpu.memory_space<vmem>>, vector<1x1024x128xf32>
    %get3A_15 = vector.shape_cast %get3A_14 : vector<1x1024x128xf32> to vector<1024x128xf32>
    %div3A = vector.broadcast %max3A_10 : vector<1024x1xf32> to vector<1024x128xf32>
    %div3A_16 = arith.divf %get3A_15, %div3A : vector<1024x128xf32>
    %get3A_17 = arith.constant 0 : index
    %get3A_18 = arith.constant 0 : index
    %get3A_19 = vector.load %arg3[%get3A_17, %get3A_18] : memref<128x128xf32, #tpu.memory_space<vmem>>, vector<128x128xf32>
    %dot_general3A = arith.constant dense<0.000000e+00> : vector<1024x128xf32>
    %dot_general3A_20 = tpu.matmul %div3A_16, %get3A_19, %dot_general3A {dimension_numbers = #tpu.dot_dimension_numbers<[1], [0], [0], [1], [0, 0, 1, 1], [], []>, transpose_lhs_hint = false} : vector<1024x128xf32>, vector<128x128xf32>, vector<1024x128xf32> -> vector<1024x128xf32>
    %get3A_21 = arith.constant 1 : index
    %get3A_22 = arith.constant 0 : index
    %get3A_23 = arith.constant 0 : index
    %get3A_24 = vector.load %arg1[%get3A_21, %get3A_22, %get3A_23] : memref<4x1024x128xf32, #tpu.memory_space<vmem>>, vector<1x1024x128xf32>
    %get3A_25 = vector.shape_cast %get3A_24 : vector<1x1024x128xf32> to vector<1024x128xf32>
    %div3A_26 = vector.broadcast %max3A_10 : vector<1024x1xf32> to vector<1024x128xf32>
    %div3A_27 = arith.divf %get3A_25, %div3A_26 : vector<1024x128xf32>
    %get3A_28 = arith.constant 0 : index
    %get3A_29 = arith.constant 0 : index
    %get3A_30 = vector.load %arg4[%get3A_28, %get3A_29] : memref<128x128xf32, #tpu.memory_space<vmem>>, vector<128x128xf32>
    %dot_general3A_31 = arith.constant dense<0.000000e+00> : vector<1024x128xf32>
    %dot_general3A_32 = tpu.matmul %div3A_27, %get3A_30, %dot_general3A_31 {dimension_numbers = #tpu.dot_dimension_numbers<[1], [0], [0], [1], [0, 0, 1, 1], [], []>, transpose_lhs_hint = false} : vector<1024x128xf32>, vector<128x128xf32>, vector<1024x128xf32> -> vector<1024x128xf32>
    %add3A_33 = arith.addf %dot_general3A_20, %dot_general3A_32 : vector<1024x128xf32>
    %get3A_34 = arith.constant 0 : index
    %get3A_35 = arith.constant 0 : index
    %get3A_36 = vector.load %arg5[%get3A_34, %get3A_35] : memref<1x128xf32, #tpu.memory_space<vmem>>, vector<1x128xf32>
    %add3A_37 = vector.broadcast %get3A_36 : vector<1x128xf32> to vector<1024x128xf32>
    %add3A_38 = arith.addf %add3A_33, %add3A_37 : vector<1024x128xf32>
    %gt3A = arith.constant 0.000000e+00 : f32
    %gt3A_39 = vector.broadcast %gt3A : f32 to vector<1024x128xf32>
    %gt3A_40 = arith.cmpf ogt, %add3A_38, %gt3A_39 : vector<1024x128xf32>
    %min3A = arith.constant 0.000000e+00 : f32
    %min3A_41 = vector.broadcast %min3A : f32 to vector<1024x128xf32>
    %min3A_42 = arith.minimumf %add3A_38, %min3A_41 : vector<1024x128xf32>
    %exp3A = math.exp %min3A_42 : vector<1024x128xf32>
    %sub3A = arith.constant 1.000000e+00 : f32
    %sub3A_43 = vector.broadcast %sub3A : f32 to vector<1024x128xf32>
    %sub3A_44 = arith.subf %exp3A, %sub3A_43 : vector<1024x128xf32>
    %select_n3A = arith.select %gt3A_40, %add3A_38, %sub3A_44 : vector<1024x128xi1>, vector<1024x128xf32>
    %get3A_45 = arith.constant 0 : index
    %get3A_46 = arith.constant 0 : index
    %get3A_47 = vector.load %arg6[%get3A_45, %get3A_46] : memref<128x128xf32, #tpu.memory_space<vmem>>, vector<128x128xf32>
    %dot_general3A_48 = arith.constant dense<0.000000e+00> : vector<1024x128xf32>
    %dot_general3A_49 = tpu.matmul %select_n3A, %get3A_47, %dot_general3A_48 {dimension_numbers = #tpu.dot_dimension_numbers<[1], [0], [0], [1], [0, 0, 1, 1], [], []>, transpose_lhs_hint = false} : vector<1024x128xf32>, vector<128x128xf32>, vector<1024x128xf32> -> vector<1024x128xf32>
    %get3A_50 = arith.constant 0 : index
    %get3A_51 = arith.constant 0 : index
    %get3A_52 = vector.load %arg7[%get3A_50, %get3A_51] : memref<1x128xf32, #tpu.memory_space<vmem>>, vector<1x128xf32>
    %add3A_53 = vector.broadcast %get3A_52 : vector<1x128xf32> to vector<1024x128xf32>
    %add3A_54 = arith.addf %dot_general3A_49, %add3A_53 : vector<1024x128xf32>
    %gt3A_55 = arith.constant 0.000000e+00 : f32
    %gt3A_56 = vector.broadcast %gt3A_55 : f32 to vector<1024x128xf32>
    %gt3A_57 = arith.cmpf ogt, %add3A_54, %gt3A_56 : vector<1024x128xf32>
    %min3A_58 = arith.constant 0.000000e+00 : f32
    %min3A_59 = vector.broadcast %min3A_58 : f32 to vector<1024x128xf32>
    %min3A_60 = arith.minimumf %add3A_54, %min3A_59 : vector<1024x128xf32>
    %exp3A_61 = math.exp %min3A_60 : vector<1024x128xf32>
    %sub3A_62 = arith.constant 1.000000e+00 : f32
    %sub3A_63 = vector.broadcast %sub3A_62 : f32 to vector<1024x128xf32>
    %sub3A_64 = arith.subf %exp3A_61, %sub3A_63 : vector<1024x128xf32>
    %select_n3A_65 = arith.select %gt3A_57, %add3A_54, %sub3A_64 : vector<1024x128xi1>, vector<1024x128xf32>
    %get3A_66 = arith.constant 2 : index
    %get3A_67 = arith.constant 0 : index
    %get3A_68 = arith.constant 0 : index
    %get3A_69 = vector.load %arg1[%get3A_66, %get3A_67, %get3A_68] : memref<4x1024x128xf32, #tpu.memory_space<vmem>>, vector<1x1024x128xf32>
    %get3A_70 = vector.shape_cast %get3A_69 : vector<1x1024x128xf32> to vector<1024x128xf32>
    %div3A_71 = vector.broadcast %max3A_10 : vector<1024x1xf32> to vector<1024x128xf32>
    %div3A_72 = arith.divf %get3A_70, %div3A_71 : vector<1024x128xf32>
    %get3A_73 = arith.constant 0 : index
    %get3A_74 = arith.constant 0 : index
    %get3A_75 = vector.load %arg3[%get3A_73, %get3A_74] : memref<128x128xf32, #tpu.memory_space<vmem>>, vector<128x128xf32>
    %dot_general3A_76 = arith.constant dense<0.000000e+00> : vector<1024x128xf32>
    %dot_general3A_77 = tpu.matmul %div3A_72, %get3A_75, %dot_general3A_76 {dimension_numbers = #tpu.dot_dimension_numbers<[1], [0], [0], [1], [0, 0, 1, 1], [], []>, transpose_lhs_hint = false} : vector<1024x128xf32>, vector<128x128xf32>, vector<1024x128xf32> -> vector<1024x128xf32>
    %get3A_78 = arith.constant 3 : index
    %get3A_79 = arith.constant 0 : index
    %get3A_80 = arith.constant 0 : index
    %get3A_81 = vector.load %arg1[%get3A_78, %get3A_79, %get3A_80] : memref<4x1024x128xf32, #tpu.memory_space<vmem>>, vector<1x1024x128xf32>
    %get3A_82 = vector.shape_cast %get3A_81 : vector<1x1024x128xf32> to vector<1024x128xf32>
    %div3A_83 = vector.broadcast %max3A_10 : vector<1024x1xf32> to vector<1024x128xf32>
    %div3A_84 = arith.divf %get3A_82, %div3A_83 : vector<1024x128xf32>
    %get3A_85 = arith.constant 0 : index
    %get3A_86 = arith.constant 0 : index
    %get3A_87 = vector.load %arg4[%get3A_85, %get3A_86] : memref<128x128xf32, #tpu.memory_space<vmem>>, vector<128x128xf32>
    %dot_general3A_88 = arith.constant dense<0.000000e+00> : vector<1024x128xf32>
    %dot_general3A_89 = tpu.matmul %div3A_84, %get3A_87, %dot_general3A_88 {dimension_numbers = #tpu.dot_dimension_numbers<[1], [0], [0], [1], [0, 0, 1, 1], [], []>, transpose_lhs_hint = false} : vector<1024x128xf32>, vector<128x128xf32>, vector<1024x128xf32> -> vector<1024x128xf32>
    %add3A_90 = arith.addf %dot_general3A_77, %dot_general3A_89 : vector<1024x128xf32>
    %get3A_91 = arith.constant 0 : index
    %get3A_92 = arith.constant 0 : index
    %get3A_93 = vector.load %arg5[%get3A_91, %get3A_92] : memref<1x128xf32, #tpu.memory_space<vmem>>, vector<1x128xf32>
    %add3A_94 = vector.broadcast %get3A_93 : vector<1x128xf32> to vector<1024x128xf32>
    %add3A_95 = arith.addf %add3A_90, %add3A_94 : vector<1024x128xf32>
    %gt3A_96 = arith.constant 0.000000e+00 : f32
    %gt3A_97 = vector.broadcast %gt3A_96 : f32 to vector<1024x128xf32>
    %gt3A_98 = arith.cmpf ogt, %add3A_95, %gt3A_97 : vector<1024x128xf32>
    %min3A_99 = arith.constant 0.000000e+00 : f32
    %min3A_100 = vector.broadcast %min3A_99 : f32 to vector<1024x128xf32>
    %min3A_101 = arith.minimumf %add3A_95, %min3A_100 : vector<1024x128xf32>
    %exp3A_102 = math.exp %min3A_101 : vector<1024x128xf32>
    %sub3A_103 = arith.constant 1.000000e+00 : f32
    %sub3A_104 = vector.broadcast %sub3A_103 : f32 to vector<1024x128xf32>
    %sub3A_105 = arith.subf %exp3A_102, %sub3A_104 : vector<1024x128xf32>
    %select_n3A_106 = arith.select %gt3A_98, %add3A_95, %sub3A_105 : vector<1024x128xi1>, vector<1024x128xf32>
    %get3A_107 = arith.constant 0 : index
    %get3A_108 = arith.constant 0 : index
    %get3A_109 = vector.load %arg6[%get3A_107, %get3A_108] : memref<128x128xf32, #tpu.memory_space<vmem>>, vector<128x128xf32>
    %dot_general3A_110 = arith.constant dense<0.000000e+00> : vector<1024x128xf32>
    %dot_general3A_111 = tpu.matmul %select_n3A_106, %get3A_109, %dot_general3A_110 {dimension_numbers = #tpu.dot_dimension_numbers<[1], [0], [0], [1], [0, 0, 1, 1], [], []>, transpose_lhs_hint = false} : vector<1024x128xf32>, vector<128x128xf32>, vector<1024x128xf32> -> vector<1024x128xf32>
    %get3A_112 = arith.constant 0 : index
    %get3A_113 = arith.constant 0 : index
    %get3A_114 = vector.load %arg7[%get3A_112, %get3A_113] : memref<1x128xf32, #tpu.memory_space<vmem>>, vector<1x128xf32>
    %add3A_115 = vector.broadcast %get3A_114 : vector<1x128xf32> to vector<1024x128xf32>
    %add3A_116 = arith.addf %dot_general3A_111, %add3A_115 : vector<1024x128xf32>
    %gt3A_117 = arith.constant 0.000000e+00 : f32
    %gt3A_118 = vector.broadcast %gt3A_117 : f32 to vector<1024x128xf32>
    %gt3A_119 = arith.cmpf ogt, %add3A_116, %gt3A_118 : vector<1024x128xf32>
    %min3A_120 = arith.constant 0.000000e+00 : f32
    %min3A_121 = vector.broadcast %min3A_120 : f32 to vector<1024x128xf32>
    %min3A_122 = arith.minimumf %add3A_116, %min3A_121 : vector<1024x128xf32>
    %exp3A_123 = math.exp %min3A_122 : vector<1024x128xf32>
    %sub3A_124 = arith.constant 1.000000e+00 : f32
    %sub3A_125 = vector.broadcast %sub3A_124 : f32 to vector<1024x128xf32>
    %sub3A_126 = arith.subf %exp3A_123, %sub3A_125 : vector<1024x128xf32>
    %select_n3A_127 = arith.select %gt3A_119, %add3A_116, %sub3A_126 : vector<1024x128xi1>, vector<1024x128xf32>
    %get3A_128 = arith.constant 0 : index
    %get3A_129 = arith.constant 0 : index
    %get3A_130 = vector.load %arg10[%get3A_128, %get3A_129] : memref<1x512xf32, #tpu.memory_space<vmem>>, vector<1x512xf32>
    %get3A_131 = arith.constant 0 : index
    %get3A_132 = arith.constant 0 : index
    %get3A_133 = vector.load %arg8[%get3A_131, %get3A_132] : memref<128x512xf32, #tpu.memory_space<vmem>>, vector<128x512xf32>
    %dot_general3A_134 = arith.constant dense<0.000000e+00> : vector<1024x512xf32>
    %dot_general3A_135 = tpu.matmul %select_n3A_65, %get3A_133, %dot_general3A_134 {dimension_numbers = #tpu.dot_dimension_numbers<[1], [0], [0], [1], [0, 0, 1, 1], [], []>, transpose_lhs_hint = false} : vector<1024x128xf32>, vector<128x512xf32>, vector<1024x512xf32> -> vector<1024x512xf32>
    %add3A_136 = vector.broadcast %get3A_130 : vector<1x512xf32> to vector<1024x512xf32>
    %add3A_137 = arith.addf %dot_general3A_135, %add3A_136 : vector<1024x512xf32>
    %slice3A_138 = vector.extract_strided_slice %add3A_137 {offsets = [0, 0], sizes = [1024, 128], strides = [1, 1]} : vector<1024x512xf32> to vector<1024x128xf32>
    %logistic3A = arith.negf %slice3A_138 : vector<1024x128xf32>
    %logistic3A_139 = math.exp %logistic3A : vector<1024x128xf32>
    %logistic3A_140 = arith.constant 1.000000e+00 : f32
    %logistic3A_141 = vector.broadcast %logistic3A_140 : f32 to vector<1024x128xf32>
    %logistic3A_142 = arith.addf %logistic3A_141, %logistic3A_139 : vector<1024x128xf32>
    %logistic3A_143 = arith.divf %logistic3A_141, %logistic3A_142 : vector<1024x128xf32>
    %slice3A_144 = vector.extract_strided_slice %add3A_137 {offsets = [0, 256], sizes = [1024, 128], strides = [1, 1]} : vector<1024x512xf32> to vector<1024x128xf32>
    %tanh3A = math.tanh %slice3A_144 : vector<1024x128xf32>
    %mul3A = arith.mulf %logistic3A_143, %tanh3A : vector<1024x128xf32>
    %slice3A_145 = vector.extract_strided_slice %add3A_137 {offsets = [0, 384], sizes = [1024, 128], strides = [1, 1]} : vector<1024x512xf32> to vector<1024x128xf32>
    %logistic3A_146 = arith.negf %slice3A_145 : vector<1024x128xf32>
    %logistic3A_147 = math.exp %logistic3A_146 : vector<1024x128xf32>
    %logistic3A_148 = arith.constant 1.000000e+00 : f32
    %logistic3A_149 = vector.broadcast %logistic3A_148 : f32 to vector<1024x128xf32>
    %logistic3A_150 = arith.addf %logistic3A_149, %logistic3A_147 : vector<1024x128xf32>
    %logistic3A_151 = arith.divf %logistic3A_149, %logistic3A_150 : vector<1024x128xf32>
    %tanh3A_152 = math.tanh %mul3A : vector<1024x128xf32>
    %mul3A_153 = arith.mulf %logistic3A_151, %tanh3A_152 : vector<1024x128xf32>
    %get3A_154 = arith.constant 0 : index
    %get3A_155 = arith.constant 0 : index
    %get3A_156 = vector.load %arg8[%get3A_154, %get3A_155] : memref<128x512xf32, #tpu.memory_space<vmem>>, vector<128x512xf32>
    %dot_general3A_157 = arith.constant dense<0.000000e+00> : vector<1024x512xf32>
    %dot_general3A_158 = tpu.matmul %select_n3A_127, %get3A_156, %dot_general3A_157 {dimension_numbers = #tpu.dot_dimension_numbers<[1], [0], [0], [1], [0, 0, 1, 1], [], []>, transpose_lhs_hint = false} : vector<1024x128xf32>, vector<128x512xf32>, vector<1024x512xf32> -> vector<1024x512xf32>
    %get3A_159 = arith.constant 0 : index
    %get3A_160 = arith.constant 0 : index
    %get3A_161 = vector.load %arg9[%get3A_159, %get3A_160] : memref<128x512xf32, #tpu.memory_space<vmem>>, vector<128x512xf32>
    %dot_general3A_162 = arith.constant dense<0.000000e+00> : vector<1024x512xf32>
    %dot_general3A_163 = tpu.matmul %mul3A_153, %get3A_161, %dot_general3A_162 {dimension_numbers = #tpu.dot_dimension_numbers<[1], [0], [0], [1], [0, 0, 1, 1], [], []>, transpose_lhs_hint = false} : vector<1024x128xf32>, vector<128x512xf32>, vector<1024x512xf32> -> vector<1024x512xf32>
    %add3A_164 = arith.addf %dot_general3A_158, %dot_general3A_163 : vector<1024x512xf32>
    %add3A_165 = vector.broadcast %get3A_130 : vector<1x512xf32> to vector<1024x512xf32>
    %add3A_166 = arith.addf %add3A_164, %add3A_165 : vector<1024x512xf32>
    %slice3A_167 = vector.extract_strided_slice %add3A_166 {offsets = [0, 128], sizes = [1024, 128], strides = [1, 1]} : vector<1024x512xf32> to vector<1024x128xf32>
    %logistic3A_168 = arith.negf %slice3A_167 : vector<1024x128xf32>
    %logistic3A_169 = math.exp %logistic3A_168 : vector<1024x128xf32>
    %logistic3A_170 = arith.constant 1.000000e+00 : f32
    %logistic3A_171 = vector.broadcast %logistic3A_170 : f32 to vector<1024x128xf32>
    %logistic3A_172 = arith.addf %logistic3A_171, %logistic3A_169 : vector<1024x128xf32>
    %logistic3A_173 = arith.divf %logistic3A_171, %logistic3A_172 : vector<1024x128xf32>
    %mul3A_174 = arith.mulf %logistic3A_173, %mul3A : vector<1024x128xf32>
    %slice3A_175 = vector.extract_strided_slice %add3A_166 {offsets = [0, 0], sizes = [1024, 128], strides = [1, 1]} : vector<1024x512xf32> to vector<1024x128xf32>
    %logistic3A_176 = arith.negf %slice3A_175 : vector<1024x128xf32>
    %logistic3A_177 = math.exp %logistic3A_176 : vector<1024x128xf32>
    %logistic3A_178 = arith.constant 1.000000e+00 : f32
    %logistic3A_179 = vector.broadcast %logistic3A_178 : f32 to vector<1024x128xf32>
    %logistic3A_180 = arith.addf %logistic3A_179, %logistic3A_177 : vector<1024x128xf32>
    %logistic3A_181 = arith.divf %logistic3A_179, %logistic3A_180 : vector<1024x128xf32>
    %slice3A_182 = vector.extract_strided_slice %add3A_166 {offsets = [0, 256], sizes = [1024, 128], strides = [1, 1]} : vector<1024x512xf32> to vector<1024x128xf32>
    %tanh3A_183 = math.tanh %slice3A_182 : vector<1024x128xf32>
    %mul3A_184 = arith.mulf %logistic3A_181, %tanh3A_183 : vector<1024x128xf32>
    %add3A_185 = arith.addf %mul3A_174, %mul3A_184 : vector<1024x128xf32>
    %slice3A_186 = vector.extract_strided_slice %add3A_166 {offsets = [0, 384], sizes = [1024, 128], strides = [1, 1]} : vector<1024x512xf32> to vector<1024x128xf32>
    %logistic3A_187 = arith.negf %slice3A_186 : vector<1024x128xf32>
    %logistic3A_188 = math.exp %logistic3A_187 : vector<1024x128xf32>
    %logistic3A_189 = arith.constant 1.000000e+00 : f32
    %logistic3A_190 = vector.broadcast %logistic3A_189 : f32 to vector<1024x128xf32>
    %logistic3A_191 = arith.addf %logistic3A_190, %logistic3A_188 : vector<1024x128xf32>
    %logistic3A_192 = arith.divf %logistic3A_190, %logistic3A_191 : vector<1024x128xf32>
    %tanh3A_193 = math.tanh %add3A_185 : vector<1024x128xf32>
    %mul3A_194 = arith.mulf %logistic3A_192, %tanh3A_193 : vector<1024x128xf32>
    %get3A_195 = arith.constant 0 : index
    %get3A_196 = arith.constant 0 : index
    %get3A_197 = vector.load %arg11[%get3A_195, %get3A_196] : memref<128x128xf32, #tpu.memory_space<vmem>>, vector<128x128xf32>
    %dot_general3A_198 = arith.constant dense<0.000000e+00> : vector<1024x128xf32>
    %dot_general3A_199 = tpu.matmul %mul3A_194, %get3A_197, %dot_general3A_198 {dimension_numbers = #tpu.dot_dimension_numbers<[1], [0], [0], [1], [0, 0, 1, 1], [], []>, transpose_lhs_hint = false} : vector<1024x128xf32>, vector<128x128xf32>, vector<1024x128xf32> -> vector<1024x128xf32>
    %get3A_200 = arith.constant 0 : index
    %get3A_201 = arith.constant 0 : index
    %get3A_202 = vector.load %arg12[%get3A_200, %get3A_201] : memref<1x128xf32, #tpu.memory_space<vmem>>, vector<1x128xf32>
    %add3A_203 = vector.broadcast %get3A_202 : vector<1x128xf32> to vector<1024x128xf32>
    %add3A_204 = arith.addf %dot_general3A_199, %add3A_203 : vector<1024x128xf32>
    %swap3A = arith.constant 0 : index
    %swap3A_205 = arith.constant 0 : index
    %swap3A_206 = vector.load %arg13[%swap3A, %swap3A_205] : memref<1024x128xf32, #tpu.memory_space<vmem>>, vector<1024x128xf32>
    tpu.vector_store %arg13[%swap3A, %swap3A_205], %add3A_204 {strides = array<i32>} : memref<1024x128xf32, #tpu.memory_space<vmem>>, vector<1024x128xf32>,
    return
  }
  func.func @transform_0(%arg0: i32) -> (i32, i32, i32) {
    %c0_i32 = arith.constant 0 : i32
    %c0_i32_0 = arith.constant 0 : i32
    %c0_i32_1 = arith.constant 0 : i32
    return %c0_i32, %arg0, %c0_i32_0 : i32, i32, i32
  }
  func.func @transform_1(%arg0: i32) -> (i32, i32, i32) {
    %c0_i32 = arith.constant 0 : i32
    %c0_i32_0 = arith.constant 0 : i32
    %c0_i32_1 = arith.constant 0 : i32
    return %c0_i32, %arg0, %c0_i32_0 : i32, i32, i32
  }
  func.func @transform_2(%arg0: i32) -> (i32, i32) {
    %c0_i32 = arith.constant 0 : i32
    %c0_i32_0 = arith.constant 0 : i32
    %c0_i32_1 = arith.constant 0 : i32
    return %c0_i32, %c0_i32_0 : i32, i32
  }
  func.func @transform_3(%arg0: i32) -> (i32, i32) {
    %c0_i32 = arith.constant 0 : i32
    %c0_i32_0 = arith.constant 0 : i32
    %c0_i32_1 = arith.constant 0 : i32
    return %c0_i32, %c0_i32_0 : i32, i32
  }
  func.func @transform_4(%arg0: i32) -> (i32, i32) {
    %c0_i32 = arith.constant 0 : i32
    %c0_i32_0 = arith.constant 0 : i32
    %c0_i32_1 = arith.constant 0 : i32
    return %c0_i32, %c0_i32_0 : i32, i32
  }
  func.func @transform_5(%arg0: i32) -> (i32, i32) {
    %c0_i32 = arith.constant 0 : i32
    %c0_i32_0 = arith.constant 0 : i32
    %c0_i32_1 = arith.constant 0 : i32
    return %c0_i32, %c0_i32_0 : i32, i32
  }
  func.func @transform_6(%arg0: i32) -> (i32, i32) {
    %c0_i32 = arith.constant 0 : i32
    %c0_i32_0 = arith.constant 0 : i32
    %c0_i32_1 = arith.constant 0 : i32
    return %c0_i32, %c0_i32_0 : i32, i32
  }
  func.func @transform_7(%arg0: i32) -> (i32, i32) {
    %c0_i32 = arith.constant 0 : i32
    %c0_i32_0 = arith.constant 0 : i32
    %c0_i32_1 = arith.constant 0 : i32
    return %c0_i32, %c0_i32_0 : i32, i32
  }
  func.func @transform_8(%arg0: i32) -> (i32, i32) {
    %c0_i32 = arith.constant 0 : i32
    %c0_i32_0 = arith.constant 0 : i32
    %c0_i32_1 = arith.constant 0 : i32
    return %c0_i32, %c0_i32_0 : i32, i32
  }
  func.func @transform_9(%arg0: i32) -> (i32, i32) {
    %c0_i32 = arith.constant 0 : i32
    %c0_i32_0 = arith.constant 0 : i32
    %c0_i32_1 = arith.constant 0 : i32
    return %c0_i32, %c0_i32_0 : i32, i32
  }
  func.func @transform_10(%arg0: i32) -> (i32, i32) {
    %c0_i32 = arith.constant 0 : i32
    %c0_i32_0 = arith.constant 0 : i32
    %c0_i32_1 = arith.constant 0 : i32
    return %c0_i32, %c0_i32_0 : i32, i32
  }
  func.func @transform_11(%arg0: i32) -> (i32, i32) {
    %c0_i32 = arith.constant 0 : i32
    %c0_i32_0 = arith.constant 0 : i32
    %c0_i32_1 = arith.constant 0 : i32
    return %c0_i32, %c0_i32_0 : i32, i32
  }
  func.func @transform_12(%arg0: i32) -> (i32, i32) {
    %c0_i32 = arith.constant 0 : i32
    %c0_i32_0 = arith.constant 0 : i32
    return %arg0, %c0_i32 : i32, i32
  }
}

</mosaic_0001>

<sc_bundles>
// kernel: kernel.11.cloned.1.call-start
scs
__scs_entry_jumppad:
0x0: {  	(pc) =	sbr.rel $0x88, $3  }
0x1: {  	(tag) =	ssettag $0x0;
	lr =	simm.s32 $0x1  }
0x2: {  	[smem:$0x3F87] =	sst lr;
	_ =	strace $0xD0000000  }
0x3: {  	_ = 	snop  }
0x4: {  	_ = 	snop  }
0x5: {  	_ = 	snop  }
0x6: {  	_ = 	snop  }
0x7: {  	_ = 	snop  }
__scs_overlays_trampoline_lowered:
0x8: {  	[smem:$0x3F96] =	sst s0  }
0x9: {  	[smem:$0x3F97] =	sst s1  }
0xa: {  	[smem:$0x3F98] =	sst s2  }
0xb: {  	[smem:$0x3F99] =	sst s3  }
0xc: {  	[smem:$0x3F9A] =	sst s4  }
0xd: {  	[smem:$0x3F9B] =	sst s5  }
0xe: {  	[smem:$0x3F9C] =	sst s6  }
0xf: {  	[smem:$0x3F9D] =	sst s7  }
0x10: {  	[smem:$0x3F9E] =	sst s8  }
0x11: {  	[smem:$0x3F9F] =	sst s9;
	s0 =	simm.s32 @!p0 $0x0  }
0x12: {  	s1 =	sld [smem:$0x3F85];
	s0 =	simm.s32 @p0 $0x1  }
0x13: {  	[smem:$0x3FA0] =	sst s0;
	s0 =	simm.s32 @!p1 $0x0  }
0x14: {  	s2 =	sld [smem:$0x3F84];
	s0 =	simm.s32 @p1 $0x1  }
0x15: {  	[smem:$0x3FA1] =	sst s0;
	s0 =	simm.s32 @!p2 $0x0  }
0x16: {  	s3 =	sld [smem:$0x3FDB];
	s0 =	simm.s32 @p2 $0x1  }
0x17: {  	s4 =	simm.s32 $0x1BF5;
	[smem:$0x3FA3] =	sst s0  }
0x18: {  	s0 =	sld [smem:$0x3F86];
	_ =	swait.ge [sflag:s4], $0x0  }
0x19: {  	s7 =	sld [smem:$0x3F87]  }
0x1a: {  	s8 =	sadd.s32 $0xFFFFE003, lr  }
0x1b: {  	s9 =	sadd.s32 $0xFFFFFEF7, lr;
	s5 =	simm.s32 $0xFFFFFFFF;
	p2 =	slt.u32 s8, $0xFFFFF086  }
0x1c: {  	p1 =	slt.u32 s9, $0xF7A;
	s5 =	simm.s32 @!p2 $0x0  }
0x1d: {  	s5 =	simm.s32 @p1 $0x1;
	p0 =	seq.s32 s7, s2  }
0x1e: {  	s7 =	smul.u32 @!p0 $0xF7A, s2;
	p2 =	seq.s32 @!p0 s5, $0x0  }
0x1f: {  	s9 =	smul.u32 $0xF7A, s1;
	s8 =	simm.s32 @!p0 $0x1BF5;
	p2 =	por !p2, p0  }
0x20: {  	[sflag:s8] =	ssyncset.s32 @!p0 $0xFFFFF086;
	s6 =	sadd.s32 @!p0 s3, s7;
	s7 =	simm.s32 @!p0 $0x108  }
0x21: {  	s3 =	sadd.s32 s3, s9;
	s6 =	sadd.s32 @!p0 $0x88, s6;
	s7 =	simm.s32 @p2 $0x1082  }
0x22: {  	[simem:s7], [sflag:s8] =	dma.local @!p0 [hbm:s6], $0xF7A  }
0x23: {  	s9 =	sor.u32 $0xD0000000, s2;
	s6 =	simm.s32 $0x108;
	_ =	swait.ge @!p0 [sflag:s8], $0x0  }
0x24: {  	s3 =	sadd.s32 $0x88, s3;
	s6 =	simm.s32 @!p1 $0x1082;
	[sflag:s4] =	ssyncset.s32 $0xFFFFF086  }
0x25: {  	[simem:s6], [sflag:s4] =	dma.local [hbm:s3], $0xF7A  }
0x26: {  	[smem:$0x3F87] =	sst s1;
	(tag) =	ssettag s2;
	_ =	strace s9  }
0x27: {  	s1 =	sld [smem:$0x3F97]  }
0x28: {  	s2 =	sld [smem:$0x3F98]  }
0x29: {  	s4 =	sld [smem:$0x3F9A]  }
0x2a: {  	p0 =	seq.s32 s5, $0x0;
	s5 =	sld [smem:$0x3F9B]  }
0x2b: {  	s6 =	sld [smem:$0x3F9C]  }
0x2c: {  	s7 =	sld [smem:$0x3F9D]  }
0x2d: {  	s3 =	simm.s32 $0x108;
	s8 =	sld [smem:$0x3F9E]  }
0x2e: {  	s3 =	simm.s32 @!p0 $0x1082;
	s9 =	sld [smem:$0x3F9F]  }
0x2f: {  	lr =	sadd.s32 s0, s3;
	s0 =	sld [smem:$0x3F96]  }
0x30: {  	s3 =	sld [smem:$0x3F99]  }
0x31: {  	[smem:$0x3FA2] =	sst s10  }
0x32: {  	s10 =	sld [smem:$0x3FA0];
	_ =	sdelay $0x3  }
0x33: {  	p0 =	seq.s32 s10, $0x1;
	s10 =	sld [smem:$0x3FA2];
	_ =	sdelay $0x3  }
0x34: {  	[smem:$0x3FA2] =	sst s10  }
0x35: {  	s10 =	sld [smem:$0x3FA1];
	_ =	sdelay $0x3  }
0x36: {  	p1 =	seq.s32 s10, $0x1;
	s10 =	sld [smem:$0x3FA2];
	_ =	sdelay $0x3  }
0x37: {  	[smem:$0x3FA2] =	sst s10  }
0x38: {  	s10 =	sld [smem:$0x3FA3]  }
0x39: {  	_ = 	snop;
	(pc) =	sbr.ind lr, $3  }
0x3a: {  	_ = 	snop  }
0x3b: {  	_ = 	snop  }
0x3c: {  	p2 =	seq.s32 s10, $0x1;
	s10 =	sld [smem:$0x3FA2]  }
0x3d: {  	_ =	shalt  }
0x3e: {  	_ =	shalt  }
0x3f: {  	_ =	shalt  }
0x40: {  	_ =	shalt  }
0x41: {  	_ =	shalt  }
0x42: {  	_ =	shalt  }
0x43: {  	_ =	shalt  }
0x44: {  	_ =	shalt  }
0x45: {  	_ =	shalt  }
0x46: {  	_ =	shalt  }
0x47: {  	_ =	shalt  }
0x48: {  	_ =	shalt  }
0x49: {  	_ =	shalt  }
0x4a: {  	_ =	shalt  }
0x4b: {  	_ =	shalt  }
0x4c: {  	_ =	shalt  }
0x4d: {  	_ =	shalt  }
0x4e: {  	_ =	shalt  }
0x4f: {  	_ =	shalt  }
0x50: {  	_ =	shalt  }
0x51: {  	_ =	shalt  }
0x52: {  	_ =	shalt  }
0x53: {  	_ =	shalt  }
0x54: {  	_ =	shalt  }
0x55: {  	_ =	shalt  }
0x56: {  	_ =	shalt  }
0x57: {  	_ =	shalt  }
0x58: {  	_ =	shalt  }
0x59: {  	_ =	shalt  }
0x5a: {  	_ =	shalt  }
0x5b: {  	_ =	shalt  }
0x5c: {  	_ =	shalt  }
0x5d: {  	_ =	shalt  }
0x5e: {  	_ =	shalt  }
0x5f: {  	_ =	shalt  }
0x60: {  	_ =	shalt  }
0x61: {  	_ =	shalt  }
0x62: {  	_ =	shalt  }
0x63: {  	_ =	shalt  }
0x64: {  	_ =	shalt  }
0x65: {  	_ =	shalt  }
0x66: {  	_ =	shalt  }
0x67: {  	_ =	shalt  }
0x68: {  	_ =	shalt  }
0x69: {  	_ =	shalt  }
0x6a: {  	_ =	shalt  }
0x6b: {  	_ =	shalt  }
0x6c: {  	_ =	shalt  }
0x6d: {  	_ =	shalt  }
0x6e: {  	_ =	shalt  }
0x6f: {  	_ =	shalt  }
0x70: {  	_ =	shalt  }
0x71: {  	_ =	shalt  }
0x72: {  	_ =	shalt  }
0x73: {  	_ =	shalt  }
0x74: {  	_ =	shalt  }
0x75: {  	_ =	shalt  }
0x76: {  	_ =	shalt  }
0x77: {  	_ =	shalt  }
0x78: {  	_ =	shalt  }
0x79: {  	_ =	shalt  }
0x7a: {  	_ =	shalt  }
0x7b: {  	_ =	shalt  }
0x7c: {  	_ =	shalt  }
0x7d: {  	_ =	shalt  }
0x7e: {  	_ =	shalt  }
0x7f: {  	_ =	shalt  }
0x80: {  	_ =	shalt  }
0x81: {  	_ =	shalt  }
0x82: {  	_ =	shalt  }
0x83: {  	_ =	shalt  }
0x84: {  	_ =	shalt  }
0x85: {  	_ =	shalt  }
0x86: {  	_ =	shalt  }
0x87: {  	_ =	shalt  }
.Lfunc_end0:
.L_simem_size_0:
called_computation.1_lowered:
.L_overlay_start_0:
0x88: {  	s2 =	sld [smem:$0x3FD9]  }
0x89: {  	s3 =	sld [smem:$0x3FFE];
	_ =	sdelay $0x1  }
0x8a: {  	s1 =	srdreg.scid  }
0x8b: {  	s0 =	sand.u32 $0x1, s1  }
0x8c: {  	s16 =	sshll.u32 s0, $0xA;
	s2 =	sadd.s32 s3, s2  }
0x8d: {  	s2 =	sadd.s32 s2, s16  }
0x8e: {  	[smem:$0x3FAE] =	sst s2  }
0x8f: {  	_ = 	snop  }
0x90: {  	(tm) =	ssettm $0x1  }
0x91: {  	s17 =	sld [smem:$0x3FFB];
	_ =	sdelay $0x3  }
0x92: {  	_ =	strace s17  }
0x93: {  	s2 =	sld [smem:$0x3FFC];
	_ =	sdelay $0x3  }
0x94: {  	_ =	strace s2  }
0x95: {  	s2 =	sld [smem:$0x3FFD];
	_ =	sdelay $0x3  }
0x96: {  	_ =	strace s2  }
0x97: {  	_ =	strace $0x8FFFFFFF  }
0x98: {  	s18 =	sld [smem:$0x3FDB];
	_ =	sdelay $0x1  }
0x99: {  	s19 =	simm.s32 $_scs_section_size  }
0x9a: {  	s4 =	simm.s32 $_size__tile_overlayer_lowered;
	s5 =	simm.s32 $_tile_overlayer_lowered  }
0x9b: {  	s22 =	simm.s32 $0x1BFF;
	s21 =	sshll.u32 s5, $0x1;
	s2 =	sadd.s32 s19, s18  }
0x9c: {  	s6 =	simm.s32 $0x0;
	s20 =	sshll.u32 s4, $0x1;
	s4 =	sadd.s32 s21, s2  }
0x9d: {  	[timem:s6], [sflag:s22] =	dma.local [hbm:s4], s20  }
0x9e: {  	_ =	swait.ge [sflag:s22], s20  }
0x9f: {  	s3 =	ssub.s32 $0x0, s20;
	[sflag:s22] =	ssyncset.done $0x0  }
0xa0: {  	[sflag:s22] =	ssyncadd.s32 s3;
	_ =	sdelay $0x1  }
0xa1: {  	s23 =	simm.s32 $0x1B8B  }
0xa2: {  	_ =	swait.ge [sflag:s23], $0x1  }
0xa3: {  	[sflag:s23] =	ssyncset.done $0x0  }
0xa4: {  	s25 =	simm.s32 $0x1B8E;
	s24 =	sld [smem:$0x3FFE];
	[sflag:s23] =	ssyncadd.s32 $0xFFFFFFFF  }
0xa5: {  	s26 =	simm.s32 $execute0_lowered;
	[smem:$0x3FD2] =	sst s25  }
0xa6: {  	s4 =	sshll.u32 s26, $0x1;
	_ =	strace $0x80000049;
	[dreg:$0x1] =	wrdreg $0xFFFFFFFF  }
0xa7: {  	s28 =	simm.s32 $_size_execute0_lowered;
	s2 =	sadd.s32 s2, s4;
	[dreg:$0x0] =	wrdreg $0x0  }
0xa8: {  	s4 =	sshll.u32 s28, $0x1;
	[dreg:$0x2] =	wrdreg s2  }
0xa9: {  	[dreg:$0x3] =	wrdreg s4  }
0xaa: {  	[dreg:$0x4] =	wrdreg $0xC0  }
0xab: {  	_ =	task [dreg:s6], $0x5FFFF  }
0xac: {  	[dreg:$0x1] =	wrdreg $0xFFFFFFFF  }
0xad: {  	[dreg:$0x0] =	wrdreg $0x60  }
0xae: {  	[dreg:$0x2] =	wrdreg s24  }
0xaf: {  	[dreg:$0x3] =	wrdreg $0x9  }
0xb0: {  	_ =	task.clear_ibuf [dreg:s6], $0x4FFFF;
	_ =	strace $0x90000049  }
0xb1: {  	s29 =	simm.s32 $0x9;
	_ =	strace $0x8000004B  }
0xb2: {  	_ =	swait.ge [sflag:s29], $0x1  }
0xb3: {  	[sflag:s29] =	ssyncadd.s32 $0xFFFFFFFF  }
0xb4: {  	_ =	strace $0x9000004B  }
0xb5: {  	_ =	sfence  }
0xb6: {  	s30 =	sld [smem:$0x0];
	_ =	sdelay $0x2  }
0xb7: {  	s31 =	sshll.u32 s1, $0xD;
	s1 =	sshrl.u32 s1, $0x2  }
0xb8: {  	s3 =	sand.u32 $0x4000, s31;
	s1 =	sadd.s32 s1, s30  }
0xb9: {  	s0 =	sor.u32 s3, s0;
	s1 =	sshll.u32 s1, $0x11  }
0xba: {  	s0 =	sor.u32 s1, s0  }
0xbb: {  	s0 =	sadd.s32 $0x8F2B, s0  }
0xbc: {  	[sflag:s0] =	ssyncadd.remote.s32 $0x1  }
0xbd: {  	_ =	sfence.sel $0xFFFF  }
0xbe: {  	[dreg:$0x0] =	wrdreg $0xFFFFFFFF;
	(pc) =	sbr.abs _section_cstart, $3  }
0xbf: {  	[dreg:$0x1] =	wrdreg $0xFFFFFFFF  }
0xc0: {  	_ =	task.clear_ibuf [dreg:s6], $0x2FFFF;
	_ =	strace $0x9FFFFFFF  }
0xc1: {  	(tm) =	ssettm $0x7FFFFFFF  }
tec
execute0_lowered:
.L_overlay_start_1:
0x0: {  	(tag) =	ssettag $0x1  }
0x1: {  	s0 =	srdreg.scid  }
0x2: {  	s12 =	stileid.u32;
	s4 =	rddreg [dreg:$0x0];
	s2 =	simm.s32 $0x0  }
0x3: {  	s28 =	simm.s32 $0x1400;
	s29 =	simm.s32 $0x5400;
	s30 =	simm.s32 $0x1  }
0x4: {  	s31 =	simm.s32 $0x2;
	s0 =	sand.u32 $0x1, s0;
	s16 =	smul.u32 $0x14000, s12  }
0x5: {  	[smem:$0x7FF] =	sst s2;
	s3 =	sadd.s32 $0x59600, s4;
	s17 =	smul.u32 $0xA0000, s12  }
0x6: {  	s20 =	sadd.s32 $0x342600, s4;
	s1 =	sshll.u32 s0, $0x4;
	s15 =	smul.u32 $0x140000, s0  }
0x7: {  	s6 =	ssub.s32 $0x2, s0;
	s0 =	smul.u32 $0xA00000, s0;
	s1 =	sor.u32 s12, s1  }
0x8: {  	s18 =	sadd.s32 $0xC2600, s4;
	s22 =	sadd.s32 $0x5C2600, s4;
	s5 =	smul.u32 $0x280, s1  }
0x9: {  	_ =	strace $0x8000004A;
	s7 =	sshrl.u32 s6, $0x1;
	s9 =	smul.u32 $0xA0000, s1  }
0xa: {  	s8 =	ssub.s32 s6, s7;
	s1 =	smul.u32 $0x14000, s1;
	s25 =	sadd.s32 s15, s18  }
0xb: {  	s0 =	sadd.s32 s17, s0;
	s26 =	sadd.s32 s15, s20;
	s5 =	sadd.s32 s5, s4  }
0xc: {  	s8 =	smax.u32 s8, $0x1;
	s0 =	sshrl.u32 s0, $0x3;
	s19 =	sadd.s32 $0xAE600, s5  }
0xd: {  	s4 =	sadd.s32 $0x842600, s4;
	s21 =	sadd.s32 $0xA9600, s5;
	[dreg:$0x2] =	wrdreg s19  }
0xe: {  	s24 =	sshrl.u32 s9, $0x3;
	s23 =	sadd.s32 $0xB3600, s5;
	[dreg:$0x3] =	wrdreg s21  }
0xf: {  	s1 =	sadd.s32 $0x13800, s1;
	s5 =	sadd.s32 $0xB8600, s5;
	[dreg:$0x4] =	wrdreg s23  }
0x10: {  	s13 =	sadd.s32 s18, s1;
	s14 =	sadd.s32 s20, s1;
	[dreg:$0x5] =	wrdreg s5  }
0x11: {  	s5 =	sadd.s32 $0x13000, s24;
	s19 =	sadd.s32 s15, s22;
	s15 =	sadd.s32 s15, s4  }
0x12: {  	s21 =	sadd.s32 s16, s26;
	s26 =	simm.s32 $0x80;
	s9 =	sadd.s32 s18, s5  }
0x13: {  	s10 =	sadd.s32 s20, s5;
	s11 =	sadd.s32 s22, s5;
	s12 =	sadd.s32 s4, s5  }
0x14: {  	s5 =	sadd.s32 s16, s25;
	s23 =	sadd.s32 s16, s19;
	s24 =	sadd.s32 s16, s15  }
0x15: {  	s15 =	sadd.s32 s22, s1;
	s16 =	sadd.s32 s4, s1;
	s18 =	sadd.s32 s0, s18  }
0x16: {  	s19 =	sadd.s32 $0x800, s21;
	s20 =	sadd.s32 s0, s20;
	s22 =	sadd.s32 s0, s22  }
0x17: {  	s25 =	simm.s32 $0x3;
	s1 =	simm.s32 $0x0;
	s17 =	sadd.s32 $0x800, s5  }
0x18: {  	s21 =	sadd.s32 $0x800, s23;
	s23 =	sadd.s32 $0x800, s24;
	s24 =	sadd.s32 s0, s4  }
.LBB2_1:
0x19: {  	s0 =	rddreg [dreg:$0x2]  }
0x1a: {  	[tilespmem:s2], [sflag:$0x3] =	stream.linear.gather [hbm4b:s0+s2], $0x1400, $0x38;
	[tilespmem:$0x9400] =	vst v63  }
0x1b: {  	_ =	swait.ge [sflag:s25], $0x1400  }
0x1c: {  	[sflag:s25] =	ssyncset.done $0x0  }
0x1d: {  	[sflag:s25] =	ssyncadd.s32 $0xFFFFEC00  }
0x1e: {  	[tilespmem:s28], [sflag:$0x1] =	stream.indirect.gather [hbm4b:s3+s26], $0x80, s2, s26, $0xb8;
	[tilespmem:$0x9400] =	vst v63  }
0x1f: {  	_ = 	snop  }
0x20: {  	[tilespmem:s29], [sflag:$0x2] =	stream.indirect.gather [hbm4b:s3+s26], $0x80, s26, s26, $0xb8;
	[tilespmem:$0x9400] =	vst v63  }
0x21: {  	_ =	swait.ge [sflag:s30], $0x4000  }
0x22: {  	[sflag:s30] =	ssyncset.done $0x0  }
0x23: {  	s5 =	sadd.s32 $0x0, s18;
	[sflag:s30] =	ssyncadd.s32 $0xFFFFC000  }
0x24: {  	[hbm4b:s5+s2] =	stream.linear.scatter [tilespmem:s28], [sflag:$0x3], $0x4000, $0x38;
	[tilespmem:$0x9400] =	vst v63  }
0x25: {  	_ =	swait.ge [sflag:s25], $0x4000  }
0x26: {  	[sflag:s25] =	ssyncset.done $0x0  }
0x27: {  	s6 =	simm.s32 $0x100;
	[sflag:s25] =	ssyncadd.s32 $0xFFFFC000  }
0x28: {  	[tilespmem:s28], [sflag:$0x1] =	stream.indirect.gather [hbm4b:s3+s26], $0x80, s6, s26, $0xb8;
	[tilespmem:$0x9400] =	vst v63  }
0x29: {  	_ =	swait.ge [sflag:s31], $0x4000  }
0x2a: {  	[sflag:s31] =	ssyncset.done $0x0  }
0x2b: {  	s7 =	sadd.s32 $0x0, s17;
	[sflag:s31] =	ssyncadd.s32 $0xFFFFC000  }
0x2c: {  	[hbm4b:s7+s2] =	stream.linear.scatter [tilespmem:s29], [sflag:$0x3], $0x4000, $0x38;
	[tilespmem:$0x9400] =	vst v63  }
0x2d: {  	_ =	swait.ge [sflag:s25], $0x4000  }
0x2e: {  	s4 =	simm.s32 $0x1000;
	[sflag:s25] =	ssyncset.done $0x0  }
0x2f: {  	s0 =	simm.s32 $0x180;
	s5 =	simm.s32 $0x280;
	[sflag:s25] =	ssyncadd.s32 $0xFFFFC000  }
.LBB2_2:
0x30: {  	[tilespmem:s29], [sflag:$0x2] =	stream.indirect.gather [hbm4b:s3+s26], $0x80, s0, s26, $0xb8;
	[tilespmem:$0x9400] =	vst v63  }
0x31: {  	s6 =	smov.u32 s4;
	s0 =	smov.u32 s5  }
0x32: {  	p0 =	sne.s32 s4, $0x12000;
	s4 =	sadd.s32 $0x1000, s4;
	_ =	swait.ge [sflag:s30], $0x4000  }
0x33: {  	[sflag:s30] =	ssyncset.done $0x0  }
0x34: {  	s7 =	sadd.s32 s6, s18;
	[sflag:s30] =	ssyncadd.s32 $0xFFFFC000  }
0x35: {  	[hbm4b:s7+s2] =	stream.linear.scatter [tilespmem:s28], [sflag:$0x3], $0x4000, $0x38;
	[tilespmem:$0x9400] =	vst v63  }
0x36: {  	_ =	swait.ge [sflag:s25], $0x4000  }
0x37: {  	[sflag:s25] =	ssyncset.done $0x0  }
0x38: {  	s7 =	sadd.s32 $0xFFFFFF80, s5;
	[sflag:s25] =	ssyncadd.s32 $0xFFFFC000  }
0x39: {  	[tilespmem:s28], [sflag:$0x1] =	stream.indirect.gather [hbm4b:s3+s26], $0x80, s7, s26, $0xb8;
	[tilespmem:$0x9400] =	vst v63  }
0x3a: {  	_ =	swait.ge [sflag:s31], $0x4000  }
0x3b: {  	[sflag:s31] =	ssyncset.done $0x0  }
.Ltmp0:
0x3c: {  	s6 =	sadd.s32 s6, s17;
	[sflag:s31] =	ssyncadd.s32 $0xFFFFC000;
	(pc) =	sbr.rel @p0 .LBB2_2-.Ltmp0, $4  }
0x3d: {  	[hbm4b:s6+s2] =	stream.linear.scatter [tilespmem:s29], [sflag:$0x3], $0x4000, $0x38;
	[tilespmem:$0x9400] =	vst v63  }
0x3e: {  	_ =	swait.ge [sflag:s25], $0x4000  }
0x3f: {  	[sflag:s25] =	ssyncset.done $0x0  }
0x40: {  	s5 =	sadd.s32 $0x100, s5;
	[sflag:s25] =	ssyncadd.s32 $0xFFFFC000  }
0x41: {  	[tilespmem:s29], [sflag:$0x2] =	stream.indirect.gather [hbm4b:s3+s26], $0x80, s0, s26, $0xb8;
	[tilespmem:$0x9400] =	vst v63  }
0x42: {  	_ =	swait.ge [sflag:s30], $0x4000  }
0x43: {  	[sflag:s30] =	ssyncset.done $0x0  }
0x44: {  	s7 =	simm.s32 $0x0;
	[sflag:s30] =	ssyncadd.s32 $0xFFFFC000  }
0x45: {  	[hbm4b:s9+s7] =	stream.linear.scatter [tilespmem:s28], [sflag:$0x3], $0x4000, $0x38;
	[tilespmem:$0x9400] =	vst v63  }
0x46: {  	_ =	swait.ge [sflag:s25], $0x4000  }
0x47: {  	[sflag:s25] =	ssyncset.done $0x0  }
0x48: {  	[sflag:s25] =	ssyncadd.s32 $0xFFFFC000  }
0x49: {  	_ =	swait.ge [sflag:s31], $0x4000  }
0x4a: {  	[sflag:s31] =	ssyncset.done $0x0  }
0x4b: {  	[sflag:s31] =	ssyncadd.s32 $0xFFFFC000  }
0x4c: {  	[hbm4b:s13+s7] =	stream.linear.scatter [tilespmem:s29], [sflag:$0x3], $0x4000, $0x38;
	[tilespmem:$0x9400] =	vst v63  }
0x4d: {  	_ =	swait.ge [sflag:s25], $0x4000  }
0x4e: {  	[sflag:s25] =	ssyncset.done $0x0  }
0x4f: {  	s4 =	rddreg [dreg:$0x3];
	[sflag:s25] =	ssyncadd.s32 $0xFFFFC000  }
0x50: {  	[tilespmem:s7], [sflag:$0x3] =	stream.linear.gather [hbm4b:s4+s7], $0x1400, $0x38;
	[tilespmem:$0x9400] =	vst v63  }
0x51: {  	_ =	swait.ge [sflag:s25], $0x1400  }
0x52: {  	[sflag:s25] =	ssyncset.done $0x0  }
0x53: {  	[sflag:s25] =	ssyncadd.s32 $0xFFFFEC00  }
0x54: {  	[tilespmem:s28], [sflag:$0x1] =	stream.indirect.gather [hbm4b:s3+s26], $0x80, s7, s26, $0xb8;
	[tilespmem:$0x9400] =	vst v63  }
0x55: {  	_ = 	snop  }
0x56: {  	[tilespmem:s29], [sflag:$0x2] =	stream.indirect.gather [hbm4b:s3+s26], $0x80, s26, s26, $0xb8;
	[tilespmem:$0x9400] =	vst v63  }
0x57: {  	_ =	swait.ge [sflag:s30], $0x4000  }
0x58: {  	[sflag:s30] =	ssyncset.done $0x0  }
0x59: {  	s5 =	sadd.s32 $0x0, s20;
	[sflag:s30] =	ssyncadd.s32 $0xFFFFC000  }
0x5a: {  	[hbm4b:s5+s2] =	stream.linear.scatter [tilespmem:s28], [sflag:$0x3], $0x4000, $0x38;
	[tilespmem:$0x9400] =	vst v63  }
0x5b: {  	_ =	swait.ge [sflag:s25], $0x4000  }
0x5c: {  	[sflag:s25] =	ssyncset.done $0x0  }
0x5d: {  	s6 =	simm.s32 $0x100;
	[sflag:s25] =	ssyncadd.s32 $0xFFFFC000  }
0x5e: {  	[tilespmem:s28], [sflag:$0x1] =	stream.indirect.gather [hbm4b:s3+s26], $0x80, s6, s26, $0xb8;
	[tilespmem:$0x9400] =	vst v63  }
0x5f: {  	_ =	swait.ge [sflag:s31], $0x4000  }
0x60: {  	[sflag:s31] =	ssyncset.done $0x0  }
0x61: {  	s7 =	sadd.s32 $0x0, s19;
	[sflag:s31] =	ssyncadd.s32 $0xFFFFC000  }
0x62: {  	[hbm4b:s7+s2] =	stream.linear.scatter [tilespmem:s29], [sflag:$0x3], $0x4000, $0x38;
	[tilespmem:$0x9400] =	vst v63  }
0x63: {  	_ =	swait.ge [sflag:s25], $0x4000  }
0x64: {  	s0 =	simm.s32 $0x180;
	[sflag:s25] =	ssyncset.done $0x0  }
0x65: {  	s4 =	simm.s32 $0x1000;
	s5 =	simm.s32 $0x280;
	[sflag:s25] =	ssyncadd.s32 $0xFFFFC000  }
.LBB2_4:
0x66: {  	[tilespmem:s29], [sflag:$0x2] =	stream.indirect.gather [hbm4b:s3+s26], $0x80, s0, s26, $0xb8;
	[tilespmem:$0x9400] =	vst v63  }
0x67: {  	s6 =	smov.u32 s4;
	s0 =	smov.u32 s5  }
0x68: {  	p0 =	sne.s32 s4, $0x12000;
	s4 =	sadd.s32 $0x1000, s4;
	_ =	swait.ge [sflag:s30], $0x4000  }
0x69: {  	[sflag:s30] =	ssyncset.done $0x0  }
0x6a: {  	s7 =	sadd.s32 s6, s20;
	[sflag:s30] =	ssyncadd.s32 $0xFFFFC000  }
0x6b: {  	[hbm4b:s7+s2] =	stream.linear.scatter [tilespmem:s28], [sflag:$0x3], $0x4000, $0x38;
	[tilespmem:$0x9400] =	vst v63  }
0x6c: {  	_ =	swait.ge [sflag:s25], $0x4000  }
0x6d: {  	[sflag:s25] =	ssyncset.done $0x0  }
0x6e: {  	s7 =	sadd.s32 $0xFFFFFF80, s5;
	[sflag:s25] =	ssyncadd.s32 $0xFFFFC000  }
0x6f: {  	[tilespmem:s28], [sflag:$0x1] =	stream.indirect.gather [hbm4b:s3+s26], $0x80, s7, s26, $0xb8;
	[tilespmem:$0x9400] =	vst v63  }
0x70: {  	_ =	swait.ge [sflag:s31], $0x4000  }
0x71: {  	[sflag:s31] =	ssyncset.done $0x0  }
.Ltmp1:
0x72: {  	s6 =	sadd.s32 s6, s19;
	[sflag:s31] =	ssyncadd.s32 $0xFFFFC000;
	(pc) =	sbr.rel @p0 .LBB2_4-.Ltmp1, $4  }
0x73: {  	[hbm4b:s6+s2] =	stream.linear.scatter [tilespmem:s29], [sflag:$0x3], $0x4000, $0x38;
	[tilespmem:$0x9400] =	vst v63  }
0x74: {  	_ =	swait.ge [sflag:s25], $0x4000  }
0x75: {  	[sflag:s25] =	ssyncset.done $0x0  }
0x76: {  	s5 =	sadd.s32 $0x100, s5;
	[sflag:s25] =	ssyncadd.s32 $0xFFFFC000  }
0x77: {  	[tilespmem:s29], [sflag:$0x2] =	stream.indirect.gather [hbm4b:s3+s26], $0x80, s0, s26, $0xb8;
	[tilespmem:$0x9400] =	vst v63  }
0x78: {  	_ =	swait.ge [sflag:s30], $0x4000  }
0x79: {  	[sflag:s30] =	ssyncset.done $0x0  }
0x7a: {  	s7 =	simm.s32 $0x0;
	[sflag:s30] =	ssyncadd.s32 $0xFFFFC000  }
0x7b: {  	[hbm4b:s10+s7] =	stream.linear.scatter [tilespmem:s28], [sflag:$0x3], $0x4000, $0x38;
	[tilespmem:$0x9400] =	vst v63  }
0x7c: {  	_ =	swait.ge [sflag:s25], $0x4000  }
0x7d: {  	[sflag:s25] =	ssyncset.done $0x0  }
0x7e: {  	[sflag:s25] =	ssyncadd.s32 $0xFFFFC000  }
0x7f: {  	_ =	swait.ge [sflag:s31], $0x4000  }
0x80: {  	[sflag:s31] =	ssyncset.done $0x0  }
0x81: {  	[sflag:s31] =	ssyncadd.s32 $0xFFFFC000  }
0x82: {  	[hbm4b:s14+s7] =	stream.linear.scatter [tilespmem:s29], [sflag:$0x3], $0x4000, $0x38;
	[tilespmem:$0x9400] =	vst v63  }
0x83: {  	_ =	swait.ge [sflag:s25], $0x4000  }
0x84: {  	[sflag:s25] =	ssyncset.done $0x0  }
0x85: {  	s4 =	rddreg [dreg:$0x4];
	[sflag:s25] =	ssyncadd.s32 $0xFFFFC000  }
0x86: {  	[tilespmem:s7], [sflag:$0x3] =	stream.linear.gather [hbm4b:s4+s7], $0x1400, $0x38;
	[tilespmem:$0x9400] =	vst v63  }
0x87: {  	_ =	swait.ge [sflag:s25], $0x1400  }
0x88: {  	[sflag:s25] =	ssyncset.done $0x0  }
0x89: {  	[sflag:s25] =	ssyncadd.s32 $0xFFFFEC00  }
0x8a: {  	[tilespmem:s28], [sflag:$0x1] =	stream.indirect.gather [hbm4b:s3+s26], $0x80, s7, s26, $0xb8;
	[tilespmem:$0x9400] =	vst v63  }
0x8b: {  	_ = 	snop  }
0x8c: {  	[tilespmem:s29], [sflag:$0x2] =	stream.indirect.gather [hbm4b:s3+s26], $0x80, s26, s26, $0xb8;
	[tilespmem:$0x9400] =	vst v63  }
0x8d: {  	_ =	swait.ge [sflag:s30], $0x4000  }
0x8e: {  	[sflag:s30] =	ssyncset.done $0x0  }
0x8f: {  	s5 =	sadd.s32 $0x0, s22;
	[sflag:s30] =	ssyncadd.s32 $0xFFFFC000  }
0x90: {  	[hbm4b:s5+s2] =	stream.linear.scatter [tilespmem:s28], [sflag:$0x3], $0x4000, $0x38;
	[tilespmem:$0x9400] =	vst v63  }
0x91: {  	_ =	swait.ge [sflag:s25], $0x4000  }
0x92: {  	[sflag:s25] =	ssyncset.done $0x0  }
0x93: {  	s6 =	simm.s32 $0x100;
	[sflag:s25] =	ssyncadd.s32 $0xFFFFC000  }
0x94: {  	[tilespmem:s28], [sflag:$0x1] =	stream.indirect.gather [hbm4b:s3+s26], $0x80, s6, s26, $0xb8;
	[tilespmem:$0x9400] =	vst v63  }
0x95: {  	_ =	swait.ge [sflag:s31], $0x4000  }
0x96: {  	[sflag:s31] =	ssyncset.done $0x0  }
0x97: {  	s7 =	sadd.s32 $0x0, s21;
	[sflag:s31] =	ssyncadd.s32 $0xFFFFC000  }
0x98: {  	[hbm4b:s7+s2] =	stream.linear.scatter [tilespmem:s29], [sflag:$0x3], $0x4000, $0x38;
	[tilespmem:$0x9400] =	vst v63  }
0x99: {  	_ =	swait.ge [sflag:s25], $0x4000  }
0x9a: {  	s0 =	simm.s32 $0x180;
	[sflag:s25] =	ssyncset.done $0x0  }
0x9b: {  	s4 =	simm.s32 $0x1000;
	s5 =	simm.s32 $0x280;
	[sflag:s25] =	ssyncadd.s32 $0xFFFFC000  }
.LBB2_6:
0x9c: {  	[tilespmem:s29], [sflag:$0x2] =	stream.indirect.gather [hbm4b:s3+s26], $0x80, s0, s26, $0xb8;
	[tilespmem:$0x9400] =	vst v63  }
0x9d: {  	s6 =	smov.u32 s4;
	s0 =	smov.u32 s5  }
0x9e: {  	p0 =	sne.s32 s4, $0x12000;
	s4 =	sadd.s32 $0x1000, s4;
	_ =	swait.ge [sflag:s30], $0x4000  }
0x9f: {  	[sflag:s30] =	ssyncset.done $0x0  }
0xa0: {  	s7 =	sadd.s32 s6, s22;
	[sflag:s30] =	ssyncadd.s32 $0xFFFFC000  }
0xa1: {  	[hbm4b:s7+s2] =	stream.linear.scatter [tilespmem:s28], [sflag:$0x3], $0x4000, $0x38;
	[tilespmem:$0x9400] =	vst v63  }
0xa2: {  	_ =	swait.ge [sflag:s25], $0x4000  }
0xa3: {  	[sflag:s25] =	ssyncset.done $0x0  }
0xa4: {  	s7 =	sadd.s32 $0xFFFFFF80, s5;
	[sflag:s25] =	ssyncadd.s32 $0xFFFFC000  }
0xa5: {  	[tilespmem:s28], [sflag:$0x1] =	stream.indirect.gather [hbm4b:s3+s26], $0x80, s7, s26, $0xb8;
	[tilespmem:$0x9400] =	vst v63  }
0xa6: {  	_ =	swait.ge [sflag:s31], $0x4000  }
0xa7: {  	[sflag:s31] =	ssyncset.done $0x0  }
.Ltmp2:
0xa8: {  	s6 =	sadd.s32 s6, s21;
	[sflag:s31] =	ssyncadd.s32 $0xFFFFC000;
	(pc) =	sbr.rel @p0 .LBB2_6-.Ltmp2, $4  }
0xa9: {  	[hbm4b:s6+s2] =	stream.linear.scatter [tilespmem:s29], [sflag:$0x3], $0x4000, $0x38;
	[tilespmem:$0x9400] =	vst v63  }
0xaa: {  	_ =	swait.ge [sflag:s25], $0x4000  }
0xab: {  	[sflag:s25] =	ssyncset.done $0x0  }
0xac: {  	s5 =	sadd.s32 $0x100, s5;
	[sflag:s25] =	ssyncadd.s32 $0xFFFFC000  }
0xad: {  	[tilespmem:s29], [sflag:$0x2] =	stream.indirect.gather [hbm4b:s3+s26], $0x80, s0, s26, $0xb8;
	[tilespmem:$0x9400] =	vst v63  }
0xae: {  	_ =	swait.ge [sflag:s30], $0x4000  }
0xaf: {  	[sflag:s30] =	ssyncset.done $0x0  }
0xb0: {  	s7 =	simm.s32 $0x0;
	[sflag:s30] =	ssyncadd.s32 $0xFFFFC000  }
0xb1: {  	[hbm4b:s11+s7] =	stream.linear.scatter [tilespmem:s28], [sflag:$0x3], $0x4000, $0x38;
	[tilespmem:$0x9400] =	vst v63  }
0xb2: {  	_ =	swait.ge [sflag:s25], $0x4000  }
0xb3: {  	[sflag:s25] =	ssyncset.done $0x0  }
0xb4: {  	[sflag:s25] =	ssyncadd.s32 $0xFFFFC000  }
0xb5: {  	_ =	swait.ge [sflag:s31], $0x4000  }
0xb6: {  	[sflag:s31] =	ssyncset.done $0x0  }
0xb7: {  	[sflag:s31] =	ssyncadd.s32 $0xFFFFC000  }
0xb8: {  	[hbm4b:s15+s7] =	stream.linear.scatter [tilespmem:s29], [sflag:$0x3], $0x4000, $0x38;
	[tilespmem:$0x9400] =	vst v63  }
0xb9: {  	_ =	swait.ge [sflag:s25], $0x4000  }
0xba: {  	[sflag:s25] =	ssyncset.done $0x0  }
0xbb: {  	s4 =	rddreg [dreg:$0x5];
	[sflag:s25] =	ssyncadd.s32 $0xFFFFC000  }
0xbc: {  	[tilespmem:s7], [sflag:$0x3] =	stream.linear.gather [hbm4b:s4+s7], $0x1400, $0x38;
	[tilespmem:$0x9400] =	vst v63  }
0xbd: {  	_ =	swait.ge [sflag:s25], $0x1400  }
0xbe: {  	[sflag:s25] =	ssyncset.done $0x0  }
0xbf: {  	[sflag:s25] =	ssyncadd.s32 $0xFFFFEC00  }
0xc0: {  	[tilespmem:s28], [sflag:$0x1] =	stream.indirect.gather [hbm4b:s3+s26], $0x80, s7, s26, $0xb8;
	[tilespmem:$0x9400] =	vst v63  }
0xc1: {  	_ = 	snop  }
0xc2: {  	[tilespmem:s29], [sflag:$0x2] =	stream.indirect.gather [hbm4b:s3+s26], $0x80, s26, s26, $0xb8;
	[tilespmem:$0x9400] =	vst v63  }
0xc3: {  	_ =	swait.ge [sflag:s30], $0x4000  }
0xc4: {  	[sflag:s30] =	ssyncset.done $0x0  }
0xc5: {  	s5 =	sadd.s32 $0x0, s24;
	[sflag:s30] =	ssyncadd.s32 $0xFFFFC000  }
0xc6: {  	[hbm4b:s5+s2] =	stream.linear.scatter [tilespmem:s28], [sflag:$0x3], $0x4000, $0x38;
	[tilespmem:$0x9400] =	vst v63  }
0xc7: {  	_ =	swait.ge [sflag:s25], $0x4000  }
0xc8: {  	[sflag:s25] =	ssyncset.done $0x0  }
0xc9: {  	s6 =	simm.s32 $0x100;
	[sflag:s25] =	ssyncadd.s32 $0xFFFFC000  }
0xca: {  	[tilespmem:s28], [sflag:$0x1] =	stream.indirect.gather [hbm4b:s3+s26], $0x80, s6, s26, $0xb8;
	[tilespmem:$0x9400] =	vst v63  }
0xcb: {  	_ =	swait.ge [sflag:s31], $0x4000  }
0xcc: {  	[sflag:s31] =	ssyncset.done $0x0  }
0xcd: {  	s7 =	sadd.s32 $0x0, s23;
	[sflag:s31] =	ssyncadd.s32 $0xFFFFC000  }
0xce: {  	[hbm4b:s7+s2] =	stream.linear.scatter [tilespmem:s29], [sflag:$0x3], $0x4000, $0x38;
	[tilespmem:$0x9400] =	vst v63  }
0xcf: {  	_ =	swait.ge [sflag:s25], $0x4000  }
0xd0: {  	s0 =	simm.s32 $0x180;
	[sflag:s25] =	ssyncset.done $0x0  }
0xd1: {  	s4 =	simm.s32 $0x1000;
	s5 =	simm.s32 $0x280;
	[sflag:s25] =	ssyncadd.s32 $0xFFFFC000  }
.LBB2_8:
0xd2: {  	[tilespmem:s29], [sflag:$0x2] =	stream.indirect.gather [hbm4b:s3+s26], $0x80, s0, s26, $0xb8;
	[tilespmem:$0x9400] =	vst v63  }
0xd3: {  	s6 =	smov.u32 s4;
	s0 =	smov.u32 s5  }
0xd4: {  	p0 =	sne.s32 s4, $0x12000;
	s4 =	sadd.s32 $0x1000, s4;
	_ =	swait.ge [sflag:s30], $0x4000  }
0xd5: {  	[sflag:s30] =	ssyncset.done $0x0  }
0xd6: {  	s7 =	sadd.s32 s6, s24;
	[sflag:s30] =	ssyncadd.s32 $0xFFFFC000  }
0xd7: {  	[hbm4b:s7+s2] =	stream.linear.scatter [tilespmem:s28], [sflag:$0x3], $0x4000, $0x38;
	[tilespmem:$0x9400] =	vst v63  }
0xd8: {  	_ =	swait.ge [sflag:s25], $0x4000  }
0xd9: {  	[sflag:s25] =	ssyncset.done $0x0  }
0xda: {  	s7 =	sadd.s32 $0xFFFFFF80, s5;
	[sflag:s25] =	ssyncadd.s32 $0xFFFFC000  }
0xdb: {  	[tilespmem:s28], [sflag:$0x1] =	stream.indirect.gather [hbm4b:s3+s26], $0x80, s7, s26, $0xb8;
	[tilespmem:$0x9400] =	vst v63  }
0xdc: {  	_ =	swait.ge [sflag:s31], $0x4000  }
0xdd: {  	[sflag:s31] =	ssyncset.done $0x0  }
.Ltmp3:
0xde: {  	s6 =	sadd.s32 s6, s23;
	[sflag:s31] =	ssyncadd.s32 $0xFFFFC000;
	(pc) =	sbr.rel @p0 .LBB2_8-.Ltmp3, $4  }
0xdf: {  	[hbm4b:s6+s2] =	stream.linear.scatter [tilespmem:s29], [sflag:$0x3], $0x4000, $0x38;
	[tilespmem:$0x9400] =	vst v63  }
0xe0: {  	_ =	swait.ge [sflag:s25], $0x4000  }
0xe1: {  	[sflag:s25] =	ssyncset.done $0x0  }
0xe2: {  	s5 =	sadd.s32 $0x100, s5;
	[sflag:s25] =	ssyncadd.s32 $0xFFFFC000  }
0xe3: {  	[tilespmem:s29], [sflag:$0x2] =	stream.indirect.gather [hbm4b:s3+s26], $0x80, s0, s26, $0xb8;
	[tilespmem:$0x9400] =	vst v63  }
0xe4: {  	_ =	swait.ge [sflag:s30], $0x4000  }
0xe5: {  	[sflag:s30] =	ssyncset.done $0x0  }
0xe6: {  	[sflag:s30] =	ssyncadd.s32 $0xFFFFC000  }
0xe7: {  	[hbm4b:s12+s2] =	stream.linear.scatter [tilespmem:s28], [sflag:$0x3], $0x4000, $0x38;
	[tilespmem:$0x9400] =	vst v63  }
0xe8: {  	_ =	swait.ge [sflag:s25], $0x4000  }
0xe9: {  	[sflag:s25] =	ssyncset.done $0x0  }
0xea: {  	[sflag:s25] =	ssyncadd.s32 $0xFFFFC000  }
0xeb: {  	s1 =	sadd.s32 $0x1, s1;
	_ =	swait.ge [sflag:s31], $0x4000  }
0xec: {  	p0 =	sne.s32 s1, s8;
	[sflag:s31] =	ssyncset.done $0x0  }
.Ltmp4:
0xed: {  	[sflag:s31] =	ssyncadd.s32 $0xFFFFC000;
	(pc) =	sbr.rel @p0 .LBB2_1-.Ltmp4, $4  }
0xee: {  	[hbm4b:s16+s2] =	stream.linear.scatter [tilespmem:s29], [sflag:$0x3], $0x4000, $0x38;
	[tilespmem:$0x9400] =	vst v63  }
0xef: {  	_ =	swait.ge [sflag:s25], $0x4000  }
0xf0: {  	[sflag:s25] =	ssyncset.done $0x0  }
0xf1: {  	[sflag:s25] =	ssyncadd.s32 $0xFFFFC000  }
0xf2: {  	_ =	sfence.sel $0x180000  }
0xf3: {  	[bflag:$0x0] =	sbarrier.arrive $0xFFFF  }
0xf4: {  	_ =	strace $0x9000004A  }
0xf5: {  	s0 =	stileid.u32;
	[bflag:$0x2] =	sbarrier.arrive $0xFFFF  }
0xf6: {  	p0 =	sne.s32 s0, $0x0;
	s0 =	rddreg [dreg:$0x1]  }
0xf7: {  	s0 =	sadd.s32 @!p0 $0x100000, s0  }
0xf8: {  	[sflag:s0] =	ssyncadd.tile.s32 @!p0 $0x1;
	_ =	shalt  }
.Lfunc_end2:
_tile_overlayer_lowered:
.L_overlay_start_2:
0xf9: {  	(tag) =	ssettag $0x2  }
0xfa: {  	s0 =	rddreg [dreg:$0x0];
	s2 =	stileid.u32  }
0xfb: {  	s1 =	rddreg [dreg:$0x1];
	p0 =	sne.s32 s2, $0x0  }
0xfc: {  	s3 =	rddreg [dreg:$0x2];
	[bflag:$0x3] =	sbarrier.arrive $0xFFFF;
	s2 =	simm.s32 @!p0 $0x1C03  }
0xfd: {  	[timem:s3], [sflag:s2] =	dma.local @!p0 [hbm:s0], s1  }
0xfe: {  	s0 =	simm.s32 @!p0 $0x3  }
0xff: {  	_ =	swait.ge @!p0 [sflag:s0], s1  }
0x100: {  	s1 =	ssub.s32 @!p0 $0x0, s1;
	[sflag:s0] =	ssyncset.done @!p0 $0x0  }
0x101: {  	[sflag:s0] =	ssyncadd.s32 @!p0 s1  }
0x102: {  	[bflag:$0x3] =	sbarrier.arrive $0xFFFF  }
0x103: {  	_ =	shalt  }

// kernel: kernel.14.cloned.1.call-start
scs
__scs_entry_jumppad:
0x0: {  	(pc) =	sbr.rel $0x88, $3  }
0x1: {  	(tag) =	ssettag $0x0;
	lr =	simm.s32 $0x1  }
0x2: {  	[smem:$0x3F87] =	sst lr;
	_ =	strace $0xD0000000  }
0x3: {  	_ = 	snop  }
0x4: {  	_ = 	snop  }
0x5: {  	_ = 	snop  }
0x6: {  	_ = 	snop  }
0x7: {  	_ = 	snop  }
__scs_overlays_trampoline_lowered:
0x8: {  	[smem:$0x3F96] =	sst s0  }
0x9: {  	[smem:$0x3F97] =	sst s1  }
0xa: {  	[smem:$0x3F98] =	sst s2  }
0xb: {  	[smem:$0x3F99] =	sst s3  }
0xc: {  	[smem:$0x3F9A] =	sst s4  }
0xd: {  	[smem:$0x3F9B] =	sst s5  }
0xe: {  	[smem:$0x3F9C] =	sst s6  }
0xf: {  	[smem:$0x3F9D] =	sst s7  }
0x10: {  	[smem:$0x3F9E] =	sst s8  }
0x11: {  	[smem:$0x3F9F] =	sst s9;
	s0 =	simm.s32 @!p0 $0x0  }
0x12: {  	s1 =	sld [smem:$0x3F85];
	s0 =	simm.s32 @p0 $0x1  }
0x13: {  	[smem:$0x3FA0] =	sst s0;
	s0 =	simm.s32 @!p1 $0x0  }
0x14: {  	s2 =	sld [smem:$0x3F84];
	s0 =	simm.s32 @p1 $0x1  }
0x15: {  	[smem:$0x3FA1] =	sst s0;
	s0 =	simm.s32 @!p2 $0x0  }
0x16: {  	s3 =	sld [smem:$0x3FDB];
	s0 =	simm.s32 @p2 $0x1  }
0x17: {  	s4 =	simm.s32 $0x1BF5;
	[smem:$0x3FA3] =	sst s0  }
0x18: {  	s0 =	sld [smem:$0x3F86];
	_ =	swait.ge [sflag:s4], $0x0  }
0x19: {  	s7 =	sld [smem:$0x3F87]  }
0x1a: {  	s8 =	sadd.s32 $0xFFFFE003, lr  }
0x1b: {  	s9 =	sadd.s32 $0xFFFFFEF7, lr;
	s5 =	simm.s32 $0xFFFFFFFF;
	p2 =	slt.u32 s8, $0xFFFFF086  }
0x1c: {  	p1 =	slt.u32 s9, $0xF7A;
	s5 =	simm.s32 @!p2 $0x0  }
0x1d: {  	s5 =	simm.s32 @p1 $0x1;
	p0 =	seq.s32 s7, s2  }
0x1e: {  	s7 =	smul.u32 @!p0 $0xF7A, s2;
	p2 =	seq.s32 @!p0 s5, $0x0  }
0x1f: {  	s9 =	smul.u32 $0xF7A, s1;
	s8 =	simm.s32 @!p0 $0x1BF5;
	p2 =	por !p2, p0  }
0x20: {  	[sflag:s8] =	ssyncset.s32 @!p0 $0xFFFFF086;
	s6 =	sadd.s32 @!p0 s3, s7;
	s7 =	simm.s32 @!p0 $0x108  }
0x21: {  	s3 =	sadd.s32 s3, s9;
	s6 =	sadd.s32 @!p0 $0x88, s6;
	s7 =	simm.s32 @p2 $0x1082  }
0x22: {  	[simem:s7], [sflag:s8] =	dma.local @!p0 [hbm:s6], $0xF7A  }
0x23: {  	s9 =	sor.u32 $0xD0000000, s2;
	s6 =	simm.s32 $0x108;
	_ =	swait.ge @!p0 [sflag:s8], $0x0  }
0x24: {  	s3 =	sadd.s32 $0x88, s3;
	s6 =	simm.s32 @!p1 $0x1082;
	[sflag:s4] =	ssyncset.s32 $0xFFFFF086  }
0x25: {  	[simem:s6], [sflag:s4] =	dma.local [hbm:s3], $0xF7A  }
0x26: {  	[smem:$0x3F87] =	sst s1;
	(tag) =	ssettag s2;
	_ =	strace s9  }
0x27: {  	s1 =	sld [smem:$0x3F97]  }
0x28: {  	s2 =	sld [smem:$0x3F98]  }
0x29: {  	s4 =	sld [smem:$0x3F9A]  }
0x2a: {  	p0 =	seq.s32 s5, $0x0;
	s5 =	sld [smem:$0x3F9B]  }
0x2b: {  	s6 =	sld [smem:$0x3F9C]  }
0x2c: {  	s7 =	sld [smem:$0x3F9D]  }
0x2d: {  	s3 =	simm.s32 $0x108;
	s8 =	sld [smem:$0x3F9E]  }
0x2e: {  	s3 =	simm.s32 @!p0 $0x1082;
	s9 =	sld [smem:$0x3F9F]  }
0x2f: {  	lr =	sadd.s32 s0, s3;
	s0 =	sld [smem:$0x3F96]  }
0x30: {  	s3 =	sld [smem:$0x3F99]  }
0x31: {  	[smem:$0x3FA2] =	sst s10  }
0x32: {  	s10 =	sld [smem:$0x3FA0];
	_ =	sdelay $0x3  }
0x33: {  	p0 =	seq.s32 s10, $0x1;
	s10 =	sld [smem:$0x3FA2];
	_ =	sdelay $0x3  }
0x34: {  	[smem:$0x3FA2] =	sst s10  }
0x35: {  	s10 =	sld [smem:$0x3FA1];
	_ =	sdelay $0x3  }
0x36: {  	p1 =	seq.s32 s10, $0x1;
	s10 =	sld [smem:$0x3FA2];
	_ =	sdelay $0x3  }
0x37: {  	[smem:$0x3FA2] =	sst s10  }
0x38: {  	s10 =	sld [smem:$0x3FA3]  }
0x39: {  	_ = 	snop;
	(pc) =	sbr.ind lr, $3  }
0x3a: {  	_ = 	snop  }
0x3b: {  	_ = 	snop  }
0x3c: {  	p2 =	seq.s32 s10, $0x1;
	s10 =	sld [smem:$0x3FA2]  }
0x3d: {  	_ =	shalt  }
0x3e: {  	_ =	shalt  }
0x3f: {  	_ =	shalt  }
0x40: {  	_ =	shalt  }
0x41: {  	_ =	shalt  }
0x42: {  	_ =	shalt  }
0x43: {  	_ =	shalt  }
0x44: {  	_ =	shalt  }
0x45: {  	_ =	shalt  }
0x46: {  	_ =	shalt  }
0x47: {  	_ =	shalt  }
0x48: {  	_ =	shalt  }
0x49: {  	_ =	shalt  }
0x4a: {  	_ =	shalt  }
0x4b: {  	_ =	shalt  }
0x4c: {  	_ =	shalt  }
0x4d: {  	_ =	shalt  }
0x4e: {  	_ =	shalt  }
0x4f: {  	_ =	shalt  }
0x50: {  	_ =	shalt  }
0x51: {  	_ =	shalt  }
0x52: {  	_ =	shalt  }
0x53: {  	_ =	shalt  }
0x54: {  	_ =	shalt  }
0x55: {  	_ =	shalt  }
0x56: {  	_ =	shalt  }
0x57: {  	_ =	shalt  }
0x58: {  	_ =	shalt  }
0x59: {  	_ =	shalt  }
0x5a: {  	_ =	shalt  }
0x5b: {  	_ =	shalt  }
0x5c: {  	_ =	shalt  }
0x5d: {  	_ =	shalt  }
0x5e: {  	_ =	shalt  }
0x5f: {  	_ =	shalt  }
0x60: {  	_ =	shalt  }
0x61: {  	_ =	shalt  }
0x62: {  	_ =	shalt  }
0x63: {  	_ =	shalt  }
0x64: {  	_ =	shalt  }
0x65: {  	_ =	shalt  }
0x66: {  	_ =	shalt  }
0x67: {  	_ =	shalt  }
0x68: {  	_ =	shalt  }
0x69: {  	_ =	shalt  }
0x6a: {  	_ =	shalt  }
0x6b: {  	_ =	shalt  }
0x6c: {  	_ =	shalt  }
0x6d: {  	_ =	shalt  }
0x6e: {  	_ =	shalt  }
0x6f: {  	_ =	shalt  }
0x70: {  	_ =	shalt  }
0x71: {  	_ =	shalt  }
0x72: {  	_ =	shalt  }
0x73: {  	_ =	shalt  }
0x74: {  	_ =	shalt  }
0x75: {  	_ =	shalt  }
0x76: {  	_ =	shalt  }
0x77: {  	_ =	shalt  }
0x78: {  	_ =	shalt  }
0x79: {  	_ =	shalt  }
0x7a: {  	_ =	shalt  }
0x7b: {  	_ =	shalt  }
0x7c: {  	_ =	shalt  }
0x7d: {  	_ =	shalt  }
0x7e: {  	_ =	shalt  }
0x7f: {  	_ =	shalt  }
0x80: {  	_ =	shalt  }
0x81: {  	_ =	shalt  }
0x82: {  	_ =	shalt  }
0x83: {  	_ =	shalt  }
0x84: {  	_ =	shalt  }
0x85: {  	_ =	shalt  }
0x86: {  	_ =	shalt  }
0x87: {  	_ =	shalt  }
.Lfunc_end0:
.L_simem_size_0:
called_computation.2_lowered:
.L_overlay_start_0:
0x88: {  	s2 =	sld [smem:$0x3FD9]  }
0x89: {  	s3 =	sld [smem:$0x3FFE];
	_ =	sdelay $0x1  }
0x8a: {  	s1 =	srdreg.scid  }
0x8b: {  	s0 =	sand.u32 $0x1, s1  }
0x8c: {  	s16 =	sshll.u32 s0, $0xA;
	s2 =	sadd.s32 s3, s2  }
0x8d: {  	s2 =	sadd.s32 s2, s16  }
0x8e: {  	[smem:$0x3FAE] =	sst s2  }
0x8f: {  	_ = 	snop  }
0x90: {  	(tm) =	ssettm $0x1  }
0x91: {  	s17 =	sld [smem:$0x3FFB];
	_ =	sdelay $0x3  }
0x92: {  	_ =	strace s17  }
0x93: {  	s2 =	sld [smem:$0x3FFC];
	_ =	sdelay $0x3  }
0x94: {  	_ =	strace s2  }
0x95: {  	s2 =	sld [smem:$0x3FFD];
	_ =	sdelay $0x3  }
0x96: {  	_ =	strace s2  }
0x97: {  	_ =	strace $0x8FFFFFFF  }
0x98: {  	s18 =	sld [smem:$0x3FDB];
	_ =	sdelay $0x1  }
0x99: {  	s19 =	simm.s32 $_scs_section_size  }
0x9a: {  	s4 =	simm.s32 $_size__tile_overlayer_lowered;
	s5 =	simm.s32 $_tile_overlayer_lowered  }
0x9b: {  	s22 =	simm.s32 $0x1BFF;
	s21 =	sshll.u32 s5, $0x1;
	s2 =	sadd.s32 s19, s18  }
0x9c: {  	s6 =	simm.s32 $0x0;
	s20 =	sshll.u32 s4, $0x1;
	s4 =	sadd.s32 s21, s2  }
0x9d: {  	[timem:s6], [sflag:s22] =	dma.local [hbm:s4], s20  }
0x9e: {  	_ =	swait.ge [sflag:s22], s20  }
0x9f: {  	s3 =	ssub.s32 $0x0, s20;
	[sflag:s22] =	ssyncset.done $0x0  }
0xa0: {  	[sflag:s22] =	ssyncadd.s32 s3;
	_ =	sdelay $0x1  }
0xa1: {  	s23 =	simm.s32 $0x1B8B  }
0xa2: {  	_ =	swait.ge [sflag:s23], $0x1  }
0xa3: {  	[sflag:s23] =	ssyncset.done $0x0  }
0xa4: {  	s25 =	simm.s32 $0x1B8E;
	s24 =	sld [smem:$0x3FFE];
	[sflag:s23] =	ssyncadd.s32 $0xFFFFFFFF  }
0xa5: {  	s26 =	simm.s32 $execute0_lowered;
	[smem:$0x3FD2] =	sst s25  }
0xa6: {  	s4 =	sshll.u32 s26, $0x1;
	_ =	strace $0x8000004C;
	[dreg:$0x1] =	wrdreg $0xFFFFFFFF  }
0xa7: {  	s28 =	simm.s32 $_size_execute0_lowered;
	s2 =	sadd.s32 s2, s4;
	[dreg:$0x0] =	wrdreg $0x0  }
0xa8: {  	s4 =	sshll.u32 s28, $0x1;
	[dreg:$0x2] =	wrdreg s2  }
0xa9: {  	[dreg:$0x3] =	wrdreg s4  }
0xaa: {  	[dreg:$0x4] =	wrdreg $0xC0  }
0xab: {  	_ =	task [dreg:s6], $0x5FFFF  }
0xac: {  	[dreg:$0x1] =	wrdreg $0xFFFFFFFF  }
0xad: {  	[dreg:$0x0] =	wrdreg $0x60  }
0xae: {  	[dreg:$0x2] =	wrdreg s24  }
0xaf: {  	[dreg:$0x3] =	wrdreg $0xA8000  }
0xb0: {  	[dreg:$0x4] =	wrdreg $0x9  }
0xb1: {  	_ =	task.clear_ibuf [dreg:s6], $0x5FFFF;
	_ =	strace $0x9000004C  }
0xb2: {  	s29 =	simm.s32 $0x9;
	_ =	strace $0x8000004E  }
0xb3: {  	_ =	swait.ge [sflag:s29], $0x1  }
0xb4: {  	[sflag:s29] =	ssyncadd.s32 $0xFFFFFFFF  }
0xb5: {  	_ =	strace $0x9000004E  }
0xb6: {  	_ =	sfence  }
0xb7: {  	s30 =	sld [smem:$0x0];
	_ =	sdelay $0x2  }
0xb8: {  	s31 =	sshll.u32 s1, $0xD;
	s1 =	sshrl.u32 s1, $0x2  }
0xb9: {  	s3 =	sand.u32 $0x4000, s31;
	s1 =	sadd.s32 s1, s30  }
0xba: {  	s0 =	sor.u32 s3, s0;
	s1 =	sshll.u32 s1, $0x11  }
0xbb: {  	s0 =	sor.u32 s1, s0  }
0xbc: {  	s0 =	sadd.s32 $0x8F2B, s0  }
0xbd: {  	[sflag:s0] =	ssyncadd.remote.s32 $0x1  }
0xbe: {  	_ =	sfence.sel $0xFFFF  }
0xbf: {  	[dreg:$0x0] =	wrdreg $0xFFFFFFFF;
	(pc) =	sbr.abs _section_cstart, $3  }
0xc0: {  	[dreg:$0x1] =	wrdreg $0xFFFFFFFF  }
0xc1: {  	_ =	task.clear_ibuf [dreg:s6], $0x2FFFF;
	_ =	strace $0x9FFFFFFF  }
0xc2: {  	(tm) =	ssettm $0x7FFFFFFF  }
0xc3: {  	_ =	shalt  }
tec
execute0_lowered:
.L_overlay_start_1:
0x0: {  	(tag) =	ssettag $0x1  }
0x1: {  	s1 =	stileid.u32  }
0x2: {  	s5 =	rddreg [dreg:$0x0];
	s4 =	smul.u32 $0x2800, s1  }
0x3: {  	s2 =	rddreg [dreg:$0x1];
	s7 =	smul.u32 $0x14000, s1  }
0x4: {  	s6 =	srdreg.scid;
	s12 =	smul.u32 $0x50000, s1  }
0x5: {  	s0 =	rddreg [dreg:$0x2];
	s11 =	sand.u32 $0x1, s6;
	s18 =	smul.u32 $0x140000, s1  }
0x6: {  	s3 =	simm.s32 $0x0;
	s19 =	simm.s32 $0x80;
	s6 =	smul.u32 $0x280000, s11  }
0x7: {  	s20 =	simm.s32 $0x0;
	[smem:$0x7FF] =	sst s3;
	s9 =	smul.u32 $0x140000, s11  }
0x8: {  	s13 =	sadd.s32 $0xAC2600, s5;
	s29 =	sshll.u32 s1, $0x6;
	s28 =	smul.u32 $0x2800000, s11  }
0x9: {  	_ =	strace $0x8000004D;
	s24 =	ssub.s32 $0x2, s11;
	s31 =	smul.u32 $0x5000, s11  }
0xa: {  	s4 =	sshrl.u32 s4, $0x3;
	s10 =	sshrl.u32 s7, $0x3;
	s25 =	sshrl.u32 s24, $0x1  }
0xb: {  	s26 =	sshrl.u32 s12, $0x2;
	s8 =	sadd.s32 s4, s5;
	s4 =	sadd.s32 $0x2C600, s5  }
0xc: {  	s6 =	sadd.s32 s7, s6;
	s10 =	sadd.s32 s10, s5;
	s7 =	sadd.s32 s7, s9  }
0xd: {  	s16 =	ssub.s32 s24, s25;
	s17 =	sadd.s32 s26, s2;
	s12 =	sadd.s32 s18, s28  }
0xe: {  	s18 =	simm.s32 $0x2800;
	s6 =	sshrl.u32 s6, $0x3;
	s7 =	sshrl.u32 s7, $0x3  }
0xf: {  	s30 =	sadd.s32 $0x1400000, s12;
	s11 =	smax.u32 s16, $0x1;
	s12 =	sshrl.u32 s12, $0x3  }
0x10: {  	s16 =	simm.s32 $0x1;
	s14 =	sadd.s32 s6, s5;
	s15 =	sadd.s32 s7, s5  }
0x11: {  	s5 =	sadd.s32 $0x4600, s10;
	s6 =	sor.u32 $0x1C01, s29;
	s7 =	sadd.s32 $0xBD600, s8  }
0x12: {  	s12 =	sadd.s32 s12, s13;
	s8 =	sadd.s32 $0xC2600, s14;
	s9 =	sadd.s32 $0xEA600, s14  }
0x13: {  	s10 =	sadd.s32 $0x2CE00, s15;
	s14 =	sshrl.u32 s30, $0x3;
	s15 =	sshrl.u32 s17, $0x3  }
0x14: {  	s17 =	simm.s32 $0x6800;
	s13 =	sadd.s32 s14, s13;
	s14 =	sshrl.u32 s31, $0x2  }
.LBB2_1:
0x15: {  	[spmem:s15], [sflag:s6] =	dma.local [hbm:s5], $0x2800  }
0x16: {  	_ =	swait.ge [sflag:s16], $0x2800  }
0x17: {  	[sflag:s16] =	ssyncset.done $0x0  }
0x18: {  	[sflag:s16] =	ssyncadd.s32 $0xFFFFD800  }
0x19: {  	[tilespmem:s3], [sflag:$0x1] =	stream.linear.gather [hbm4b:s7+s3], $0x2800, $0x38;
	[tilespmem:$0x1E800] =	vst v63  }
0x1a: {  	_ =	swait.ge [sflag:s16], $0x2800  }
0x1b: {  	[sflag:s16] =	ssyncset.done $0x0  }
0x1c: {  	[sflag:s16] =	ssyncadd.s32 $0xFFFFD800  }
0x1d: {  	[tilespmem:s17], [sflag:$0x1] =	stream.linear.gather [hbm4b:s4+s3], $0x4000, $0x38;
	[tilespmem:$0x1E800] =	vst v63  }
0x1e: {  	_ =	swait.ge [sflag:s16], $0x4000  }
0x1f: {  	[sflag:s16] =	ssyncset.done $0x0  }
0x20: {  	[sflag:s16] =	ssyncadd.s32 $0xFFFFC000  }
0x21: {  	[bflag:$0x0] =	sbarrier.arrive $0xFFFF  }
0x22: {  	[tilespmem:s18], [sflag:$0x1] =	stream.linear.gather [hbm4b:s12+s3], $0x4000, $0x38;
	[tilespmem:$0x1E800] =	vst v63  }
0x23: {  	_ =	swait.ge [sflag:s16], $0x4000  }
0x24: {  	[sflag:s16] =	ssyncset.done $0x0  }
0x25: {  	s21 =	simm.s32 $0x0;
	[sflag:s16] =	ssyncadd.s32 $0xFFFFC000  }
0x26: {  	[spmem:s2] =	stream.indirect.scatter.add.f32 [tilespmem:s18], [sflag:$0x1], $0x80, s21, s19, $0xb8;
	[tilespmem:$0x1E800] =	vst v63  }
0x27: {  	_ =	swait.ge [sflag:s16], $0x4000  }
0x28: {  	s22 =	smov.u32 s12;
	s21 =	simm.s32 $0x200;
	[sflag:s16] =	ssyncset.done $0x0  }
.LBB2_2:
0x29: {  	p0 =	sne.s32 s21, $0x9E00;
	[sflag:s16] =	ssyncadd.s32 $0xFFFFC000;
	s22 =	sadd.s32 $0x800, s22  }
0x2a: {  	[tilespmem:s18], [sflag:$0x1] =	stream.linear.gather [hbm4b:s22+s3], $0x4000, $0x38;
	[tilespmem:$0x1E800] =	vst v63  }
0x2b: {  	s23 =	smov.u32 s21;
	s21 =	sadd.s32 $0x200, s21;
	_ =	swait.ge [sflag:s16], $0x4000  }
.Ltmp0:
0x2c: {  	[sflag:s16] =	ssyncset.done $0x0;
	(pc) =	sbr.rel @p0 .LBB2_2-.Ltmp0, $4  }
0x2d: {  	s23 =	sshra.s32 s23, $0x2;
	[sflag:s16] =	ssyncadd.s32 $0xFFFFC000  }
0x2e: {  	[spmem:s2] =	stream.indirect.scatter.add.f32 [tilespmem:s18], [sflag:$0x1], $0x80, s23, s19, $0xb8;
	[tilespmem:$0x1E800] =	vst v63  }
0x2f: {  	_ =	swait.ge [sflag:s16], $0x4000  }
0x30: {  	[sflag:s16] =	ssyncset.done $0x0  }
0x31: {  	[sflag:s16] =	ssyncadd.s32 $0xFFFFC000  }
0x32: {  	[bflag:$0x0] =	sbarrier.arrive $0xFFFF  }
0x33: {  	[hbm:s8], [sflag:s6] =	dma.local [spmem:s15], $0x2800  }
0x34: {  	_ =	swait.ge [sflag:s16], $0x2800  }
0x35: {  	[sflag:s16] =	ssyncset.done $0x0  }
0x36: {  	[sflag:s16] =	ssyncadd.s32 $0xFFFFD800  }
0x37: {  	[spmem:s15], [sflag:s6] =	dma.local [hbm:s5], $0x2800  }
0x38: {  	_ =	swait.ge [sflag:s16], $0x2800  }
0x39: {  	[sflag:s16] =	ssyncset.done $0x0  }
0x3a: {  	[sflag:s16] =	ssyncadd.s32 $0xFFFFD800  }
0x3b: {  	[bflag:$0x0] =	sbarrier.arrive $0xFFFF  }
0x3c: {  	[tilespmem:s18], [sflag:$0x1] =	stream.linear.gather [hbm4b:s13+s3], $0x4000, $0x38;
	[tilespmem:$0x1E800] =	vst v63  }
0x3d: {  	_ =	swait.ge [sflag:s16], $0x4000  }
0x3e: {  	[sflag:s16] =	ssyncset.done $0x0  }
0x3f: {  	s21 =	simm.s32 $0x0;
	[sflag:s16] =	ssyncadd.s32 $0xFFFFC000  }
0x40: {  	[spmem:s2] =	stream.indirect.scatter.add.f32 [tilespmem:s18], [sflag:$0x1], $0x80, s21, s19, $0xb8;
	[tilespmem:$0x1E800] =	vst v63  }
0x41: {  	_ =	swait.ge [sflag:s16], $0x4000  }
0x42: {  	s22 =	smov.u32 s13;
	s21 =	simm.s32 $0x200;
	[sflag:s16] =	ssyncset.done $0x0  }
.LBB2_4:
0x43: {  	p0 =	sne.s32 s21, $0x9E00;
	[sflag:s16] =	ssyncadd.s32 $0xFFFFC000;
	s22 =	sadd.s32 $0x800, s22  }
0x44: {  	[tilespmem:s18], [sflag:$0x1] =	stream.linear.gather [hbm4b:s22+s3], $0x4000, $0x38;
	[tilespmem:$0x1E800] =	vst v63  }
0x45: {  	s23 =	smov.u32 s21;
	s21 =	sadd.s32 $0x200, s21;
	_ =	swait.ge [sflag:s16], $0x4000  }
.Ltmp1:
0x46: {  	[sflag:s16] =	ssyncset.done $0x0;
	(pc) =	sbr.rel @p0 .LBB2_4-.Ltmp1, $4  }
0x47: {  	s23 =	sshra.s32 s23, $0x2;
	[sflag:s16] =	ssyncadd.s32 $0xFFFFC000  }
0x48: {  	[spmem:s2] =	stream.indirect.scatter.add.f32 [tilespmem:s18], [sflag:$0x1], $0x80, s23, s19, $0xb8;
	[tilespmem:$0x1E800] =	vst v63  }
0x49: {  	_ =	swait.ge [sflag:s16], $0x4000  }
0x4a: {  	[sflag:s16] =	ssyncset.done $0x0  }
0x4b: {  	[sflag:s16] =	ssyncadd.s32 $0xFFFFC000  }
0x4c: {  	[bflag:$0x0] =	sbarrier.arrive $0xFFFF  }
0x4d: {  	[hbm:s9], [sflag:s6] =	dma.local [spmem:s15], $0x2800  }
0x4e: {  	_ =	swait.ge [sflag:s16], $0x2800  }
0x4f: {  	[sflag:s16] =	ssyncset.done $0x0  }
0x50: {  	[sflag:s16] =	ssyncadd.s32 $0xFFFFD800  }
0x51: {  	[spmem:s15], [sflag:s6] =	dma.local [hbm:s5], $0x2800  }
0x52: {  	_ =	swait.ge [sflag:s16], $0x2800  }
0x53: {  	[sflag:s16] =	ssyncset.done $0x0  }
0x54: {  	[sflag:s16] =	ssyncadd.s32 $0xFFFFD800  }
0x55: {  	s21 =	sadd.s32 $0x0, s14;
	[bflag:$0x0] =	sbarrier.arrive $0xFFFF  }
0x56: {  	[spmem:s2] =	stream.indirect.scatter.add.f32 [tilespmem:s17], [sflag:$0x1], $0x80, s21, s19, $0xb8;
	[tilespmem:$0x1E800] =	vst v63  }
0x57: {  	s21 =	simm.s32 $0x200;
	_ =	swait.ge [sflag:s16], $0x4000  }
.LBB2_6:
0x58: {  	s22 =	sshra.s32 s21, $0x2;
	[sflag:s16] =	ssyncset.done $0x0;
	p0 =	sne.s32 s21, $0x4E00  }
.Ltmp2:
0x59: {  	s22 =	sadd.s32 s22, s14;
	[sflag:s16] =	ssyncadd.s32 $0xFFFFC000;
	(pc) =	sbr.rel @p0 .LBB2_6-.Ltmp2, $3  }
0x5a: {  	[spmem:s2] =	stream.indirect.scatter.add.f32 [tilespmem:s17], [sflag:$0x1], $0x80, s22, s19, $0xb8;
	[tilespmem:$0x1E800] =	vst v63  }
0x5b: {  	s21 =	sadd.s32 $0x200, s21;
	_ =	sdelay $0x1  }
0x5c: {  	_ =	swait.ge [sflag:s16], $0x4000  }
0x5d: {  	[sflag:s16] =	ssyncset.done $0x0;
	s20 =	sadd.s32 $0x1, s20  }
0x5e: {  	[sflag:s16] =	ssyncadd.s32 $0xFFFFC000;
	p0 =	sne.s32 s20, s11  }
.Ltmp3:
0x5f: {  	[bflag:$0x0] =	sbarrier.arrive $0xFFFF;
	(pc) =	sbr.rel @p0 .LBB2_1-.Ltmp3, $4  }
0x60: {  	[hbm:s10], [sflag:s6] =	dma.local [spmem:s15], $0x2800  }
0x61: {  	_ =	swait.ge [sflag:s16], $0x2800  }
0x62: {  	[sflag:s16] =	ssyncset.done $0x0  }
0x63: {  	[sflag:s16] =	ssyncadd.s32 $0xFFFFD800  }
0x64: {  	_ =	sfence.sel $0x180000  }
0x65: {  	[bflag:$0x0] =	sbarrier.arrive $0xFFFF  }
0x66: {  	p0 =	sne.s32 s1, $0x0;
	_ =	strace $0x9000004D  }
0x67: {  	s0 =	sadd.s32 @!p0 $0x100000, s0;
	[bflag:$0x2] =	sbarrier.arrive $0xFFFF  }
0x68: {  	[sflag:s0] =	ssyncadd.tile.s32 @!p0 $0x1;
	_ =	shalt  }
.Lfunc_end2:
_tile_overlayer_lowered:
.L_overlay_start_2:
0x69: {  	(tag) =	ssettag $0x2  }
0x6a: {  	s0 =	rddreg [dreg:$0x0];
	s2 =	stileid.u32  }
0x6b: {  	s1 =	rddreg [dreg:$0x1];
	p0 =	sne.s32 s2, $0x0  }
0x6c: {  	s3 =	rddreg [dreg:$0x2];
	[bflag:$0x3] =	sbarrier.arrive $0xFFFF;
	s2 =	simm.s32 @!p0 $0x1C01  }
0x6d: {  	[timem:s3], [sflag:s2] =	dma.local @!p0 [hbm:s0], s1  }
0x6e: {  	s0 =	simm.s32 @!p0 $0x1  }
0x6f: {  	_ =	swait.ge @!p0 [sflag:s0], s1  }
0x70: {  	s1 =	ssub.s32 @!p0 $0x0, s1;
	[sflag:s0] =	ssyncset.done @!p0 $0x0  }
0x71: {  	[sflag:s0] =	ssyncadd.s32 @!p0 s1  }
0x72: {  	[bflag:$0x3] =	sbarrier.arrive $0xFFFF  }
0x73: {  	_ =	shalt  }

// kernel: kernel.8.cloned.1.call-start
scs
__scs_entry_jumppad:
0x0: {  	(pc) =	sbr.rel $0x88, $3  }
0x1: {  	(tag) =	ssettag $0x0;
	lr =	simm.s32 $0x1  }
0x2: {  	[smem:$0x3F87] =	sst lr;
	_ =	strace $0xD0000000  }
0x3: {  	_ = 	snop  }
0x4: {  	_ = 	snop  }
0x5: {  	_ = 	snop  }
0x6: {  	_ = 	snop  }
0x7: {  	_ = 	snop  }
__scs_overlays_trampoline_lowered:
0x8: {  	[smem:$0x3F96] =	sst s0  }
0x9: {  	[smem:$0x3F97] =	sst s1  }
0xa: {  	[smem:$0x3F98] =	sst s2  }
0xb: {  	[smem:$0x3F99] =	sst s3  }
0xc: {  	[smem:$0x3F9A] =	sst s4  }
0xd: {  	[smem:$0x3F9B] =	sst s5  }
0xe: {  	[smem:$0x3F9C] =	sst s6  }
0xf: {  	[smem:$0x3F9D] =	sst s7  }
0x10: {  	[smem:$0x3F9E] =	sst s8  }
0x11: {  	[smem:$0x3F9F] =	sst s9;
	s0 =	simm.s32 @!p0 $0x0  }
0x12: {  	s1 =	sld [smem:$0x3F85];
	s0 =	simm.s32 @p0 $0x1  }
0x13: {  	[smem:$0x3FA0] =	sst s0;
	s0 =	simm.s32 @!p1 $0x0  }
0x14: {  	s2 =	sld [smem:$0x3F84];
	s0 =	simm.s32 @p1 $0x1  }
0x15: {  	[smem:$0x3FA1] =	sst s0;
	s0 =	simm.s32 @!p2 $0x0  }
0x16: {  	s3 =	sld [smem:$0x3FDB];
	s0 =	simm.s32 @p2 $0x1  }
0x17: {  	s4 =	simm.s32 $0x1BF5;
	[smem:$0x3FA3] =	sst s0  }
0x18: {  	s0 =	sld [smem:$0x3F86];
	_ =	swait.ge [sflag:s4], $0x0  }
0x19: {  	s7 =	sld [smem:$0x3F87]  }
0x1a: {  	s8 =	sadd.s32 $0xFFFFE003, lr  }
0x1b: {  	s9 =	sadd.s32 $0xFFFFFEF7, lr;
	s5 =	simm.s32 $0xFFFFFFFF;
	p2 =	slt.u32 s8, $0xFFFFF086  }
0x1c: {  	p1 =	slt.u32 s9, $0xF7A;
	s5 =	simm.s32 @!p2 $0x0  }
0x1d: {  	s5 =	simm.s32 @p1 $0x1;
	p0 =	seq.s32 s7, s2  }
0x1e: {  	s7 =	smul.u32 @!p0 $0xF7A, s2;
	p2 =	seq.s32 @!p0 s5, $0x0  }
0x1f: {  	s9 =	smul.u32 $0xF7A, s1;
	s8 =	simm.s32 @!p0 $0x1BF5;
	p2 =	por !p2, p0  }
0x20: {  	[sflag:s8] =	ssyncset.s32 @!p0 $0xFFFFF086;
	s6 =	sadd.s32 @!p0 s3, s7;
	s7 =	simm.s32 @!p0 $0x108  }
0x21: {  	s3 =	sadd.s32 s3, s9;
	s6 =	sadd.s32 @!p0 $0x88, s6;
	s7 =	simm.s32 @p2 $0x1082  }
0x22: {  	[simem:s7], [sflag:s8] =	dma.local @!p0 [hbm:s6], $0xF7A  }
0x23: {  	s9 =	sor.u32 $0xD0000000, s2;
	s6 =	simm.s32 $0x108;
	_ =	swait.ge @!p0 [sflag:s8], $0x0  }
0x24: {  	s3 =	sadd.s32 $0x88, s3;
	s6 =	simm.s32 @!p1 $0x1082;
	[sflag:s4] =	ssyncset.s32 $0xFFFFF086  }
0x25: {  	[simem:s6], [sflag:s4] =	dma.local [hbm:s3], $0xF7A  }
0x26: {  	[smem:$0x3F87] =	sst s1;
	(tag) =	ssettag s2;
	_ =	strace s9  }
0x27: {  	s1 =	sld [smem:$0x3F97]  }
0x28: {  	s2 =	sld [smem:$0x3F98]  }
0x29: {  	s4 =	sld [smem:$0x3F9A]  }
0x2a: {  	p0 =	seq.s32 s5, $0x0;
	s5 =	sld [smem:$0x3F9B]  }
0x2b: {  	s6 =	sld [smem:$0x3F9C]  }
0x2c: {  	s7 =	sld [smem:$0x3F9D]  }
0x2d: {  	s3 =	simm.s32 $0x108;
	s8 =	sld [smem:$0x3F9E]  }
0x2e: {  	s3 =	simm.s32 @!p0 $0x1082;
	s9 =	sld [smem:$0x3F9F]  }
0x2f: {  	lr =	sadd.s32 s0, s3;
	s0 =	sld [smem:$0x3F96]  }
0x30: {  	s3 =	sld [smem:$0x3F99]  }
0x31: {  	[smem:$0x3FA2] =	sst s10  }
0x32: {  	s10 =	sld [smem:$0x3FA0];
	_ =	sdelay $0x3  }
0x33: {  	p0 =	seq.s32 s10, $0x1;
	s10 =	sld [smem:$0x3FA2];
	_ =	sdelay $0x3  }
0x34: {  	[smem:$0x3FA2] =	sst s10  }
0x35: {  	s10 =	sld [smem:$0x3FA1];
	_ =	sdelay $0x3  }
0x36: {  	p1 =	seq.s32 s10, $0x1;
	s10 =	sld [smem:$0x3FA2];
	_ =	sdelay $0x3  }
0x37: {  	[smem:$0x3FA2] =	sst s10  }
0x38: {  	s10 =	sld [smem:$0x3FA3]  }
0x39: {  	_ = 	snop;
	(pc) =	sbr.ind lr, $3  }
0x3a: {  	_ = 	snop  }
0x3b: {  	_ = 	snop  }
0x3c: {  	p2 =	seq.s32 s10, $0x1;
	s10 =	sld [smem:$0x3FA2]  }
0x3d: {  	_ =	shalt  }
0x3e: {  	_ =	shalt  }
0x3f: {  	_ =	shalt  }
0x40: {  	_ =	shalt  }
0x41: {  	_ =	shalt  }
0x42: {  	_ =	shalt  }
0x43: {  	_ =	shalt  }
0x44: {  	_ =	shalt  }
0x45: {  	_ =	shalt  }
0x46: {  	_ =	shalt  }
0x47: {  	_ =	shalt  }
0x48: {  	_ =	shalt  }
0x49: {  	_ =	shalt  }
0x4a: {  	_ =	shalt  }
0x4b: {  	_ =	shalt  }
0x4c: {  	_ =	shalt  }
0x4d: {  	_ =	shalt  }
0x4e: {  	_ =	shalt  }
0x4f: {  	_ =	shalt  }
0x50: {  	_ =	shalt  }
0x51: {  	_ =	shalt  }
0x52: {  	_ =	shalt  }
0x53: {  	_ =	shalt  }
0x54: {  	_ =	shalt  }
0x55: {  	_ =	shalt  }
0x56: {  	_ =	shalt  }
0x57: {  	_ =	shalt  }
0x58: {  	_ =	shalt  }
0x59: {  	_ =	shalt  }
0x5a: {  	_ =	shalt  }
0x5b: {  	_ =	shalt  }
0x5c: {  	_ =	shalt  }
0x5d: {  	_ =	shalt  }
0x5e: {  	_ =	shalt  }
0x5f: {  	_ =	shalt  }
0x60: {  	_ =	shalt  }
0x61: {  	_ =	shalt  }
0x62: {  	_ =	shalt  }
0x63: {  	_ =	shalt  }
0x64: {  	_ =	shalt  }
0x65: {  	_ =	shalt  }
0x66: {  	_ =	shalt  }
0x67: {  	_ =	shalt  }
0x68: {  	_ =	shalt  }
0x69: {  	_ =	shalt  }
0x6a: {  	_ =	shalt  }
0x6b: {  	_ =	shalt  }
0x6c: {  	_ =	shalt  }
0x6d: {  	_ =	shalt  }
0x6e: {  	_ =	shalt  }
0x6f: {  	_ =	shalt  }
0x70: {  	_ =	shalt  }
0x71: {  	_ =	shalt  }
0x72: {  	_ =	shalt  }
0x73: {  	_ =	shalt  }
0x74: {  	_ =	shalt  }
0x75: {  	_ =	shalt  }
0x76: {  	_ =	shalt  }
0x77: {  	_ =	shalt  }
0x78: {  	_ =	shalt  }
0x79: {  	_ =	shalt  }
0x7a: {  	_ =	shalt  }
0x7b: {  	_ =	shalt  }
0x7c: {  	_ =	shalt  }
0x7d: {  	_ =	shalt  }
0x7e: {  	_ =	shalt  }
0x7f: {  	_ =	shalt  }
0x80: {  	_ =	shalt  }
0x81: {  	_ =	shalt  }
0x82: {  	_ =	shalt  }
0x83: {  	_ =	shalt  }
0x84: {  	_ =	shalt  }
0x85: {  	_ =	shalt  }
0x86: {  	_ =	shalt  }
0x87: {  	_ =	shalt  }
.Lfunc_end0:
.L_simem_size_0:
called_computation_lowered:
.L_overlay_start_0:
0x88: {  	s2 =	sld [smem:$0x3FD9]  }
0x89: {  	s3 =	sld [smem:$0x3FFE];
	_ =	sdelay $0x1  }
0x8a: {  	s1 =	srdreg.scid  }
0x8b: {  	s0 =	sand.u32 $0x1, s1  }
0x8c: {  	s16 =	sshll.u32 s0, $0xA;
	s2 =	sadd.s32 s3, s2  }
0x8d: {  	s2 =	sadd.s32 s2, s16  }
0x8e: {  	[smem:$0x3FAE] =	sst s2  }
0x8f: {  	_ = 	snop  }
0x90: {  	(tm) =	ssettm $0x1  }
0x91: {  	s17 =	sld [smem:$0x3FFB];
	_ =	sdelay $0x3  }
0x92: {  	_ =	strace s17  }
0x93: {  	s2 =	sld [smem:$0x3FFC];
	_ =	sdelay $0x3  }
0x94: {  	_ =	strace s2  }
0x95: {  	s2 =	sld [smem:$0x3FFD];
	_ =	sdelay $0x3  }
0x96: {  	_ =	strace s2  }
0x97: {  	_ =	strace $0x8FFFFFFF  }
0x98: {  	s18 =	sld [smem:$0x3FDB];
	_ =	sdelay $0x1  }
0x99: {  	s19 =	simm.s32 $_scs_section_size  }
0x9a: {  	s4 =	simm.s32 $_size__tile_overlayer_lowered;
	s5 =	simm.s32 $_tile_overlayer_lowered  }
0x9b: {  	s22 =	simm.s32 $0x1BFF;
	s21 =	sshll.u32 s5, $0x1;
	s2 =	sadd.s32 s19, s18  }
0x9c: {  	s6 =	simm.s32 $0x0;
	s20 =	sshll.u32 s4, $0x1;
	s4 =	sadd.s32 s21, s2  }
0x9d: {  	[timem:s6], [sflag:s22] =	dma.local [hbm:s4], s20  }
0x9e: {  	_ =	swait.ge [sflag:s22], s20  }
0x9f: {  	s3 =	ssub.s32 $0x0, s20;
	[sflag:s22] =	ssyncset.done $0x0  }
0xa0: {  	[sflag:s22] =	ssyncadd.s32 s3;
	_ =	sdelay $0x1  }
0xa1: {  	s23 =	simm.s32 $0x1B8B  }
0xa2: {  	_ =	swait.ge [sflag:s23], $0x1  }
0xa3: {  	[sflag:s23] =	ssyncset.done $0x0  }
0xa4: {  	s25 =	simm.s32 $0x1B8E;
	s24 =	sld [smem:$0x3FFE];
	[sflag:s23] =	ssyncadd.s32 $0xFFFFFFFF  }
0xa5: {  	s26 =	simm.s32 $execute0_lowered;
	[smem:$0x3FD2] =	sst s25  }
0xa6: {  	s4 =	sshll.u32 s26, $0x1;
	_ =	strace $0x80000046;
	[dreg:$0x1] =	wrdreg $0xFFFFFFFF  }
0xa7: {  	s28 =	simm.s32 $_size_execute0_lowered;
	s2 =	sadd.s32 s2, s4;
	[dreg:$0x0] =	wrdreg $0x0  }
0xa8: {  	s4 =	sshll.u32 s28, $0x1;
	[dreg:$0x2] =	wrdreg s2  }
0xa9: {  	[dreg:$0x3] =	wrdreg s4  }
0xaa: {  	[dreg:$0x4] =	wrdreg $0xC0  }
0xab: {  	_ =	task [dreg:s6], $0x5FFFF  }
0xac: {  	[dreg:$0x1] =	wrdreg $0xFFFFFFFF  }
0xad: {  	[dreg:$0x0] =	wrdreg $0x60  }
0xae: {  	[dreg:$0x2] =	wrdreg s24  }
0xaf: {  	[dreg:$0x3] =	wrdreg $0x9  }
0xb0: {  	_ =	task.clear_ibuf [dreg:s6], $0x4FFFF;
	_ =	strace $0x90000046  }
0xb1: {  	s29 =	simm.s32 $0x9;
	_ =	strace $0x80000048  }
0xb2: {  	_ =	swait.ge [sflag:s29], $0x1  }
0xb3: {  	[sflag:s29] =	ssyncadd.s32 $0xFFFFFFFF  }
0xb4: {  	_ =	strace $0x90000048  }
0xb5: {  	_ =	sfence  }
0xb6: {  	s30 =	sld [smem:$0x0];
	_ =	sdelay $0x2  }
0xb7: {  	s31 =	sshll.u32 s1, $0xD;
	s1 =	sshrl.u32 s1, $0x2  }
0xb8: {  	s3 =	sand.u32 $0x4000, s31;
	s1 =	sadd.s32 s1, s30  }
0xb9: {  	s0 =	sor.u32 s3, s0;
	s1 =	sshll.u32 s1, $0x11  }
0xba: {  	s0 =	sor.u32 s1, s0  }
0xbb: {  	s0 =	sadd.s32 $0x8F2B, s0  }
0xbc: {  	[sflag:s0] =	ssyncadd.remote.s32 $0x1  }
0xbd: {  	_ =	sfence.sel $0xFFFF  }
0xbe: {  	[dreg:$0x0] =	wrdreg $0xFFFFFFFF;
	(pc) =	sbr.abs _section_cstart, $3  }
0xbf: {  	[dreg:$0x1] =	wrdreg $0xFFFFFFFF  }
0xc0: {  	_ =	task.clear_ibuf [dreg:s6], $0x2FFFF;
	_ =	strace $0x9FFFFFFF  }
0xc1: {  	(tm) =	ssettm $0x7FFFFFFF  }
tec
execute0_lowered:
.L_overlay_start_1:
0x0: {  	(tag) =	ssettag $0x1  }
0x1: {  	s5 =	rddreg [dreg:$0x0]  }
0x2: {  	s1 =	srdreg.scid;
	s0 =	rddreg [dreg:$0x1]  }
0x3: {  	s2 =	simm.s32 $0x0;
	s10 =	simm.s32 $0x80;
	s11 =	simm.s32 $0x400  }
0x4: {  	s12 =	simm.s32 $0x1;
	s13 =	simm.s32 $0x4400;
	s14 =	simm.s32 $0x0  }
0x5: {  	s3 =	sand.u32 $0x1, s1;
	s1 =	stileid.u32;
	[smem:$0x7FF] =	sst s2  }
0x6: {  	s4 =	sshll.u32 s3, $0x4;
	_ =	strace $0x80000047;
	s7 =	ssub.s32 $0x2, s3  }
0x7: {  	s3 =	sadd.s32 $0x5600, s5;
	s6 =	sor.u32 s1, s4;
	s9 =	sshrl.u32 s7, $0x1  }
0x8: {  	s4 =	sshll.u32 s6, $0x7;
	s9 =	ssub.s32 s7, s9;
	s6 =	smul.u32 $0x280, s6  }
0x9: {  	s8 =	sadd.s32 s4, s5;
	s4 =	sadd.s32 $0x55600, s5;
	s5 =	sadd.s32 $0x59600, s5  }
0xa: {  	s7 =	sadd.s32 $0x4600, s8;
	s8 =	smax.u32 s9, $0x1;
	s9 =	simm.s32 $0x2  }
.LBB2_1:
0xb: {  	[tilespmem:s2], [sflag:$0x2] =	stream.linear.gather [hbm4b:s7+s2], $0x280, $0x38;
	[tilespmem:$0x8400] =	vst v63  }
0xc: {  	_ =	swait.ge [sflag:s9], $0x280  }
0xd: {  	[sflag:s9] =	ssyncset.done $0x0  }
0xe: {  	s15 =	simm.s32 $0x0;
	[sflag:s9] =	ssyncadd.s32 $0xFFFFFD80  }
.LBB2_2:
0xf: {  	s16 =	sshll.u32 s15, $0x7  }
0x10: {  	[tilespmem:s11], [sflag:$0x1] =	stream.indirect.gather [hbm4b:s4+s10], $0x80, s16, s10, $0xb8;
	[tilespmem:$0x8400] =	vst v63  }
0x11: {  	s16 =	sadd.s32 s6, s16;
	_ =	swait.ge [sflag:s12], $0x4000  }
0x12: {  	s16 =	sshll.u32 s16, $0x4;
	[sflag:s12] =	ssyncset.done $0x0  }
0x13: {  	s18 =	simm.s32 $0x0;
	s17 =	sadd.s32 s3, s16;
	[sflag:s12] =	ssyncadd.s32 $0xFFFFC000  }
0x14: {  	[tilespmem:s13], [sflag:$0x2] =	stream.linear.gather [hbm4b:s17+s18], $0x4000, $0x38;
	[tilespmem:$0x8400] =	vst v63  }
0x15: {  	_ =	swait.ge [sflag:s9], $0x4000  }
0x16: {  	[sflag:s9] =	ssyncset.done $0x0  }
0x17: {  	s17 =	simm.s32 $0x0;
	[sflag:s9] =	ssyncadd.s32 $0xFFFFC000  }
0x18: {  	v7 =	vld [tilespmem:s17+$0x400]  }
0x19: {  	v11 =	vld [tilespmem:s17+$0x410]  }
0x1a: {  	v5 =	vld [tilespmem:s17+$0x420]  }
0x1b: {  	v4 =	vld [tilespmem:s17+$0x430]  }
0x1c: {  	v3 =	vld [tilespmem:s17+$0x440]  }
0x1d: {  	v2 =	vld [tilespmem:s17+$0x450]  }
0x1e: {  	v1 =	vld [tilespmem:s17+$0x460]  }
0x1f: {  	v0 =	vld [tilespmem:s17+$0x470]  }
0x20: {  	v12 =	vld [tilespmem:s17+$0x4400]  }
0x21: {  	v13 =	vld [tilespmem:s17+$0x4410]  }
0x22: {  	v10 =	vld [tilespmem:s17+$0x4420]  }
0x23: {  	v9 =	vld [tilespmem:s17+$0x4430]  }
0x24: {  	v8 =	vld [tilespmem:s17+$0x4440]  }
0x25: {  	v6 =	vld [tilespmem:s17+$0x4450];
	v12 =	vadd.f32 v7, v12  }
0x26: {  	s18 =	simm.s32 $0x200;
	v11 =	vadd.f32 v11, v13;
	v7 =	vld [tilespmem:s17+$0x4460]  }
.LBB2_3:
0x27: {  	s19 =	sshra.s32 s18, $0x2;
	p0 =	sne.s32 s18, $0xFE00;
	[tilespmem:s17+$0x4400] =	vst v12;
	v5 =	vadd.f32 v5, v10;
	v10 =	vld [tilespmem:s17+$0x4470]  }
0x28: {  	v12 =	vld [tilespmem:s19+$0x400];
	[tilespmem:s17+$0x4410] =	vst v11;
	v4 =	vadd.f32 v4, v9  }
0x29: {  	v11 =	vld [tilespmem:s19+$0x410];
	[tilespmem:s17+$0x4420] =	vst v5;
	v3 =	vadd.f32 v3, v8  }
0x2a: {  	v5 =	vld [tilespmem:s19+$0x420];
	[tilespmem:s17+$0x4430] =	vst v4;
	v2 =	vadd.f32 v2, v6  }
0x2b: {  	v4 =	vld [tilespmem:s19+$0x430];
	[tilespmem:s17+$0x4440] =	vst v3;
	v1 =	vadd.f32 v1, v7  }
0x2c: {  	v3 =	vld [tilespmem:s19+$0x440];
	[tilespmem:s17+$0x4450] =	vst v2;
	v0 =	vadd.f32 v0, v10  }
0x2d: {  	v2 =	vld [tilespmem:s19+$0x450];
	[tilespmem:s17+$0x4460] =	vst v1  }
0x2e: {  	v1 =	vld [tilespmem:s19+$0x460];
	[tilespmem:s17+$0x4470] =	vst v0;
	s17 =	smov.u32 s19  }
0x2f: {  	v0 =	vld [tilespmem:s17+$0x470]  }
0x30: {  	v6 =	vld [tilespmem:s17+$0x4400]  }
0x31: {  	v7 =	vld [tilespmem:s17+$0x4410]  }
.Ltmp0:
0x32: {  	v10 =	vld [tilespmem:s17+$0x4420];
	(pc) =	sbr.rel @p0 .LBB2_3-.Ltmp0, $4  }
0x33: {  	v9 =	vld [tilespmem:s17+$0x4430]  }
0x34: {  	v8 =	vld [tilespmem:s17+$0x4440]  }
0x35: {  	v12 =	vadd.f32 v12, v6;
	v6 =	vld [tilespmem:s17+$0x4450]  }
0x36: {  	s18 =	sadd.s32 $0x200, s18;
	v11 =	vadd.f32 v11, v7;
	v7 =	vld [tilespmem:s17+$0x4460]  }
0x37: {  	[tilespmem:s17+$0x4400] =	vst v12;
	v5 =	vadd.f32 v5, v10;
	v63 =	vld [tilespmem:s17+$0x4470]  }
0x38: {  	[tilespmem:s17+$0x4410] =	vst v11;
	v4 =	vadd.f32 v4, v9  }
0x39: {  	[tilespmem:s17+$0x4420] =	vst v5;
	v3 =	vadd.f32 v3, v8  }
0x3a: {  	[tilespmem:s17+$0x4430] =	vst v4;
	v2 =	vadd.f32 v2, v6  }
0x3b: {  	[tilespmem:s17+$0x4440] =	vst v3;
	v1 =	vadd.f32 v1, v7  }
0x3c: {  	s15 =	sadd.s32 $0x1, s15;
	[tilespmem:s17+$0x4450] =	vst v2;
	v0 =	vadd.f32 v0, v63  }
0x3d: {  	p0 =	sne.s32 s15, $0x5;
	[tilespmem:s17+$0x4460] =	vst v1  }
.Ltmp1:
0x3e: {  	s16 =	sadd.s32 s5, s16;
	[tilespmem:s17+$0x4470] =	vst v0;
	(pc) =	sbr.rel @p0 .LBB2_2-.Ltmp1, $4  }
0x3f: {  	[hbm4b:s16+s2] =	stream.linear.scatter [tilespmem:s13], [sflag:$0x2], $0x4000, $0x38;
	[tilespmem:$0x8400] =	vst v63  }
0x40: {  	_ =	swait.ge [sflag:s9], $0x4000  }
0x41: {  	[sflag:s9] =	ssyncset.done $0x0  }
0x42: {  	[sflag:s9] =	ssyncadd.s32 $0xFFFFC000  }
0x43: {  	s14 =	sadd.s32 $0x1, s14  }
0x44: {  	p0 =	sne.s32 s14, s8  }
.Ltmp2:
0x45: {  	_ = 	snop;
	(pc) =	sbr.rel @p0 .LBB2_1-.Ltmp2, $1  }
0x46: {  	_ =	sdelay $0x3  }
0x47: {  	_ =	sfence.sel $0x180000  }
0x48: {  	[bflag:$0x0] =	sbarrier.arrive $0xFFFF  }
0x49: {  	p0 =	sne.s32 s1, $0x0;
	_ =	strace $0x90000047  }
0x4a: {  	s0 =	sadd.s32 @!p0 $0x100000, s0;
	[bflag:$0x2] =	sbarrier.arrive $0xFFFF  }
0x4b: {  	[sflag:s0] =	ssyncadd.tile.s32 @!p0 $0x1;
	_ =	shalt  }
.Lfunc_end2:
_tile_overlayer_lowered:
.L_overlay_start_2:
0x4c: {  	(tag) =	ssettag $0x2  }
0x4d: {  	s0 =	rddreg [dreg:$0x0];
	s2 =	stileid.u32  }
0x4e: {  	s1 =	rddreg [dreg:$0x1];
	p0 =	sne.s32 s2, $0x0  }
0x4f: {  	s3 =	rddreg [dreg:$0x2];
	[bflag:$0x3] =	sbarrier.arrive $0xFFFF;
	s2 =	simm.s32 @!p0 $0x1C02  }
0x50: {  	[timem:s3], [sflag:s2] =	dma.local @!p0 [hbm:s0], s1  }
0x51: {  	s0 =	simm.s32 @!p0 $0x2  }
0x52: {  	_ =	swait.ge @!p0 [sflag:s0], s1  }
0x53: {  	s1 =	ssub.s32 @!p0 $0x0, s1;
	[sflag:s0] =	ssyncset.done @!p0 $0x0  }
0x54: {  	[sflag:s0] =	ssyncadd.s32 @!p0 s1  }
0x55: {  	[bflag:$0x3] =	sbarrier.arrive $0xFFFF  }
0x56: {  	_ =	shalt  }

</sc_bundles>
